<compile_context>
chip_gen: v7x
topology: tpu7x:2x2x1
jax: 0.10.2.dev20260603
libtpu: 0.0.44.dev20260713+nightly
codegen_flags: <defaults>
</compile_context>

<pallas_src>
import functools

import jax
import jax.numpy as jnp
from jax import lax
from jax.experimental import pallas as pl
from jax.experimental.pallas import tpu as pltpu
import jax.experimental.pallas.tpu_sc as plsc

M = 1024
D = 1024
DFF = 1024
E = 8
TOPK = 2
S = M * TOPK
BLK = 128
NB = S // BLK
T_MAX = NB + E - 1
NW = 32
TPW = M // NW
IDS_R = 16
IDS_C = S // IDS_R


def _index_kernel(ids_ref, pos_ref, offs_ref, se_ref, sm_ref):
    ids = ids_ref[...]
    ir = lax.broadcasted_iota(jnp.int32, (IDS_C, IDS_C), 0)
    ic = lax.broadcasted_iota(jnp.int32, (IDS_C, IDS_C), 1)
    l_strict = (ir < ic).astype(jnp.bfloat16)
    rr = lax.broadcasted_iota(jnp.int32, (IDS_R, IDS_R), 0)
    rc = lax.broadcasted_iota(jnp.int32, (IDS_R, IDS_R), 1)
    lr_strict = (rc < rr).astype(jnp.bfloat16)

    pos_f = jnp.zeros((IDS_R, IDS_C), jnp.float32)
    off = jnp.float32(0.0)
    counts = []
    offsets = []
    for e in range(E):
        m_b = (ids == e).astype(jnp.bfloat16)
        cum = lax.dot_general(m_b, l_strict, (((1,), (0,)), ((), ())),
                              preferred_element_type=jnp.float32)
        tot = jnp.sum(m_b.astype(jnp.float32), axis=1, keepdims=True)
        rowoff = lax.dot_general(lr_strict, tot.astype(jnp.bfloat16),
                                 (((1,), (0,)), ((), ())),
                                 preferred_element_type=jnp.float32)
        rank = cum + rowoff
        pos_f = pos_f + jnp.where(ids == e, off + rank, 0.0)
        cnt = jnp.sum(tot)
        counts.append(cnt.astype(jnp.int32))
        offsets.append(off.astype(jnp.int32))
        off = off + cnt
    pos_ref[...] = pos_f.astype(jnp.int32)

    lane16 = lax.broadcasted_iota(jnp.int32, (1, 16), 1)
    offs_v = jnp.zeros((1, 16), jnp.int32)
    for e in range(E):
        offs_v = offs_v + jnp.where(lane16 > e, counts[e], 0)
    offs_ref[...] = offs_v

    t_vec = lax.broadcasted_iota(jnp.int32, (1, 32), 1)
    e_id = jnp.full((1, 32), E, jnp.int32)
    m_id = jnp.full((1, 32), NB - 1, jnp.int32)
    start = jnp.int32(0)
    for e in range(E):
        fb = offsets[e] // BLK
        lb = (offsets[e] + counts[e] - 1) // BLK
        n_e = jnp.where(counts[e] > 0, lb - fb + 1, 0)
        sel = (t_vec >= start) & (t_vec < start + n_e)
        e_id = jnp.where(sel, e, e_id)
        m_id = jnp.where(sel, fb + (t_vec - start), m_id)
        start = start + n_e
    se_ref[...] = e_id
    sm_ref[...] = m_id


def _index_call(ids16):
    return pl.pallas_call(
        _index_kernel,
        out_shape=(
            jax.ShapeDtypeStruct((IDS_R, IDS_C), jnp.int32),
            jax.ShapeDtypeStruct((1, 16), jnp.int32),
            jax.ShapeDtypeStruct((1, 32), jnp.int32),
            jax.ShapeDtypeStruct((1, 32), jnp.int32),
        ),
    )(ids16)


def _ffn_kernel(se_ref, sm_ref, offs_ref, xs_ref, g_ref, u_ref, w2_ref,
                os_ref):
    t = pl.program_id(0)
    e = se_ref[t]
    m = sm_ref[t]
    lo = offs_ref[e]
    hi = offs_ref[e + 1]
    base = pl.multiple_of(m * BLK, BLK)

    x = xs_ref[pl.ds(base, BLK), :].astype(jnp.bfloat16)
    g = g_ref[0].astype(jnp.bfloat16)
    u = u_ref[0].astype(jnp.bfloat16)
    w2 = w2_ref[0].astype(jnp.bfloat16)
    h1g = lax.dot_general(x, g, (((1,), (1,)), ((), ())),
                          preferred_element_type=jnp.float32)
    h1u = lax.dot_general(x, u, (((1,), (1,)), ((), ())),
                          preferred_element_type=jnp.float32)
    a = (h1g * jax.nn.sigmoid(h1g) * h1u).astype(jnp.bfloat16)
    h2 = lax.dot_general(a, w2, (((1,), (1,)), ((), ())),
                         preferred_element_type=jnp.float32)

    rows = base + lax.broadcasted_iota(jnp.int32, (BLK, 1), 0)
    contrib = jnp.where((rows >= lo) & (rows < hi), h2, 0.0)

    first = (t == 0) | (sm_ref[jnp.maximum(t - 1, 0)] != m)

    @pl.when(first)
    def _():
        os_ref[pl.ds(base, BLK), :] = contrib

    @pl.when(jnp.logical_not(first))
    def _():
        os_ref[pl.ds(base, BLK), :] += contrib


def _ffn_call(se, sm, offs, x_s, w1, w2):
    grid_spec = pltpu.PrefetchScalarGridSpec(
        num_scalar_prefetch=3,
        grid=(T_MAX,),
        in_specs=[
            pl.BlockSpec((S, D), lambda t, se, sm, of: (0, 0)),
            pl.BlockSpec((1, DFF, D),
                         lambda t, se, sm, of: (jnp.minimum(se[t], E - 1), 0, 0)),
            pl.BlockSpec((1, DFF, D),
                         lambda t, se, sm, of: (jnp.minimum(se[t], E - 1), 1, 0)),
            pl.BlockSpec((1, D, DFF),
                         lambda t, se, sm, of: (jnp.minimum(se[t], E - 1), 0, 0)),
        ],
        out_specs=pl.BlockSpec((S, D), lambda t, se, sm, of: (0, 0)),
    )
    return pl.pallas_call(
        _ffn_kernel,
        grid_spec=grid_spec,
        out_shape=jax.ShapeDtypeStruct((S, D), jnp.float32),
    )(se, sm, offs, x_s, w1, w1, w2)


def _make_dispatch():
    mesh = plsc.VectorSubcoreMesh(core_axis_name="c", subcore_axis_name="s")

    @functools.partial(
        pl.kernel,
        out_type=jax.ShapeDtypeStruct((S, D), jnp.float32),
        mesh=mesh,
        scratch_types=[
            pltpu.VMEM((TOPK, TPW), jnp.int32),
            pltpu.VMEM((TPW, D), jnp.float32),
            pltpu.SemaphoreType.DMA,
            pltpu.SemaphoreType.DMA,
        ],
    )
    def dispatch(hidden_hbm, pos3_hbm, xs_hbm, idx_v, rows_v, sem0, sem1):
        wid = lax.axis_index("s") * 2 + lax.axis_index("c")
        pltpu.sync_copy(pos3_hbm.at[wid], idx_v)
        pltpu.sync_copy(hidden_hbm.at[pl.ds(wid * TPW, TPW)], rows_v)
        cp0 = pltpu.async_copy(rows_v, xs_hbm.at[idx_v.at[0]], sem0)
        cp1 = pltpu.async_copy(rows_v, xs_hbm.at[idx_v.at[1]], sem1)
        cp0.wait()
        cp1.wait()

    return dispatch


def _make_combine():
    mesh = plsc.VectorSubcoreMesh(core_axis_name="c", subcore_axis_name="s")

    @functools.partial(
        pl.kernel,
        out_type=jax.ShapeDtypeStruct((M, D), jnp.float32),
        mesh=mesh,
        scratch_types=[
            pltpu.VMEM((TOPK * TPW,), jnp.int32),
            pltpu.VMEM((TOPK * TPW, D), jnp.float32),
            pltpu.VMEM((TPW, D), jnp.float32),
            pltpu.VMEM((TPW, TOPK, 16), jnp.float32),
            pltpu.SemaphoreType.DMA,
        ],
    )
    def combine(outs_hbm, pospair_hbm, twb_hbm, out_hbm,
                idx_v, rows_v, acc_v, tw_v, sem):
        wid = lax.axis_index("s") * 2 + lax.axis_index("c")
        pltpu.sync_copy(pospair_hbm.at[wid], idx_v)
        pltpu.sync_copy(twb_hbm.at[wid], tw_v)
        pltpu.async_copy(outs_hbm.at[idx_v], rows_v, sem).wait()
        for t in range(TPW):
            tw0 = tw_v[t, 0]
            tw1 = tw_v[t, 1]

            def body(c, carry, _t=t, _tw0=tw0, _tw1=tw1):
                r0 = rows_v[2 * _t, pl.ds(c * 16, 16)]
                r1 = rows_v[2 * _t + 1, pl.ds(c * 16, 16)]
                acc_v[_t, pl.ds(c * 16, 16)] = _tw0 * r0 + _tw1 * r1
                return carry

            lax.fori_loop(0, D // 16, body, 0)
        pltpu.sync_copy(acc_v, out_hbm.at[pl.ds(wid * TPW, TPW)])

    return combine


@jax.jit
def kernel(hidden_states, w1, w2, topk_weights, topk_ids):
    ids16 = topk_ids.astype(jnp.int32).reshape(IDS_R, IDS_C)
    pos2d, offs16, se2d, sm2d = _index_call(ids16)
    pos = pos2d.reshape(S)
    pos3 = pos.reshape(NW, TPW, TOPK).transpose(0, 2, 1)
    pospair = pos.reshape(NW, TOPK * TPW)
    offs = offs16.reshape(16)
    se = se2d.reshape(32)
    sm = sm2d.reshape(32)
    twb = jnp.broadcast_to(
        topk_weights.reshape(NW, TPW, TOPK, 1), (NW, TPW, TOPK, 16))

    x_s = _make_dispatch()(hidden_states, pos3)
    out_s = _ffn_call(se, sm, offs, x_s, w1, w2)
    out = _make_combine()(out_s, pospair, twb)
    return out

# --- scband reference (transcript-rebuilt; emitter-appended) ---
"""Pipeline reference for scband-modular-fused-mo-ekernel-81028853006988 (READ-ONLY COPY).

The authoritative reference and input builder live on the scoring server;
editing this copy changes nothing except your own understanding.
"""

import jax, jax.numpy as jnp
import numpy as np

M = 1024
D = 1024
DFF = 1024
E = 8
TOPK = 2


def setup_inputs(seed: int = 0) -> dict:
    key = jax.random.key(seed)
    k1, k2, k3, k4, k5 = jax.random.split(key, 5)
    hidden_states = jax.random.normal(k1, (M, D), dtype=jnp.float32)
    w1 = jax.random.normal(k2, (E, 2 * DFF, D), dtype=jnp.float32) * 0.02
    w2 = jax.random.normal(k3, (E, D, DFF), dtype=jnp.float32) * 0.02
    topk_weights = jax.random.uniform(k4, (M, TOPK), dtype=jnp.float32)
    topk_ids = jax.random.randint(k5, (M, TOPK), 0, E)
    return {"hidden_states": hidden_states, "w1": w1, "w2": w2,
            "topk_weights": topk_weights, "topk_ids": topk_ids}


def _moe_forward(hidden_states, w1, w2, topk_weights, topk_ids):
    # Mirrors ModularFusedMoEKernel: dispatch (permute by expert) ->
    # fused experts (gated SiLU MLP per expert) -> combine (unpermute + weighted sum).
    M_, K = hidden_states.shape
    E_, N, _ = w1.shape
    top_k = topk_ids.shape[1]
    dff = N // 2
    # --- dispatch: sort (token, k) pairs by expert id ---
    flat_ids = topk_ids.reshape(-1)              # [M*top_k]
    perm = jnp.argsort(flat_ids)                 # permutation grouping by expert
    inv_perm = jnp.argsort(perm)
    token_idx = perm // top_k
    x = jnp.take(hidden_states, token_idx, axis=0)   # [M*top_k, K] permuted activations
    expert_ids = jnp.take(flat_ids, perm)            # sorted expert ids
    # --- fused experts: w1 packs [gate; up], activation = silu ---
    fused = jnp.zeros((M_ * top_k, K), dtype=hidden_states.dtype)
    for e in range(E_):
        h1 = x @ w1[e].T                    # [M*top_k, 2*dff]
        gate = h1[:, :dff]
        up = h1[:, dff:]
        h2 = (jax.nn.silu(gate) * up) @ w2[e].T   # [M*top_k, K]
        fused = jnp.where((expert_ids == e)[:, None], h2, fused)
    # --- combine: unpermute and weighted-sum over top_k ---
    unperm = jnp.take(fused, inv_perm, axis=0).reshape(M_, top_k, K)
    out = jnp.sum(unperm * topk_weights[:, :, None], axis=1)
    return out


def reference(hidden_states, w1, w2, topk_weights, topk_ids):
    return _moe_forward(hidden_states, w1, w2, topk_weights, topk_ids)

if __name__ == "__main__":
    import jax
    _d = setup_inputs()
    print(jax.jit(kernel)(*tuple(_d.values())))

</pallas_src>

<mosaic_0001>
#map = affine_map<(d0, d1) -> (0, 0)>
#map1 = affine_map<(d0, d1) -> (0, 0, 0)>
module attributes {stable_mosaic.version = 14 : i64} {
  func.func @dispatch(%arg0: i32, %arg1: i32, %arg2: memref<1024x1024xf32, #tpu.memory_space<hbm>>, %arg3: memref<32x2x32xi32, #tpu.memory_space<hbm>>, %arg4: memref<2048x1024xf32, #tpu.memory_space<hbm>>, %arg5: memref<2x32xi32, #tpu.memory_space<vmem>>, %arg6: memref<32x1024xf32, #tpu.memory_space<vmem>>, %arg7: memref<!tpu.dma_semaphore, #tpu.memory_space<semaphore_mem>>, %arg8: memref<!tpu.dma_semaphore, #tpu.memory_space<semaphore_mem>>) attributes {dimension_semantics = [#tpu.dimension_semantics<core_parallel>, #tpu.dimension_semantics<subcore_parallel>], iteration_bounds = array<i64: 2, 16>, scalar_prefetch = 0 : i64, scratch_operands = 4 : i64, tpu.core_type = #tpu.core_type<sc_vector_subcore>, window_params = [{transform_indices = #map}, {transform_indices = #map1}, {transform_indices = #map}]} {
    %mul3A = arith.constant 2 : i32
    %mul3A_0 = arith.muli %arg1, %mul3A : i32
    %add3A = arith.addi %mul3A_0, %arg0 : i32
    "tpu.region"() ({
      %run_scoped3A = tpu.sem_alloc : memref<!tpu.dma_semaphore, #tpu.memory_space<semaphore_mem>>
      %dma_start3A_29 = arith.constant 0 : i32
      %dma_start3A_30 = arith.constant 0 : i32
      %dma_start3A_31 = tpu.memref_slice %arg3[%add3A, %dma_start3A_29, %dma_start3A_30] : memref<32x2x32xi32, #tpu.memory_space<hbm>> -> memref<1x2x32xi32, #tpu.memory_space<hbm>>
      %dma_start3A_32 = tpu.memref_squeeze %dma_start3A_31 : memref<1x2x32xi32, #tpu.memory_space<hbm>> -> memref<2x32xi32, #tpu.memory_space<hbm>>
      %dma_start3A_33 = arith.constant 0 : i32
      %dma_start3A_34 = arith.constant 0 : i32
      %dma_start3A_35 = tpu.memref_slice %arg3[%add3A, %dma_start3A_33, %dma_start3A_34] : memref<32x2x32xi32, #tpu.memory_space<hbm>> -> memref<1x2x32xi32, #tpu.memory_space<hbm>>
      %dma_start3A_36 = tpu.memref_squeeze %dma_start3A_35 : memref<1x2x32xi32, #tpu.memory_space<hbm>> -> memref<2x32xi32, #tpu.memory_space<hbm>>
      tpu.enqueue_dma source(%dma_start3A_36 : memref<2x32xi32, #tpu.memory_space<hbm>>) target(%arg5 : memref<2x32xi32, #tpu.memory_space<vmem>>) target_semaphore(%run_scoped3A : memref<!tpu.dma_semaphore, #tpu.memory_space<semaphore_mem>>)
      %dma_wait3A_37 = arith.constant 0 : i32
      %dma_wait3A_38 = arith.constant 0 : i32
      %dma_wait3A_39 = tpu.memref_slice %arg3[%add3A, %dma_wait3A_37, %dma_wait3A_38] : memref<32x2x32xi32, #tpu.memory_space<hbm>> -> memref<1x2x32xi32, #tpu.memory_space<hbm>>
      %dma_wait3A_40 = tpu.memref_squeeze %dma_wait3A_39 : memref<1x2x32xi32, #tpu.memory_space<hbm>> -> memref<2x32xi32, #tpu.memory_space<hbm>>
      %dma_wait3A_41 = arith.constant 0 : i32
      %dma_wait3A_42 = arith.constant 0 : i32
      %dma_wait3A_43 = tpu.memref_slice %arg3[%add3A, %dma_wait3A_41, %dma_wait3A_42] : memref<32x2x32xi32, #tpu.memory_space<hbm>> -> memref<1x2x32xi32, #tpu.memory_space<hbm>>
      %dma_wait3A_44 = tpu.memref_squeeze %dma_wait3A_43 : memref<1x2x32xi32, #tpu.memory_space<hbm>> -> memref<2x32xi32, #tpu.memory_space<hbm>>
      tpu.wait_dma2 semaphore(%run_scoped3A : memref<!tpu.dma_semaphore, #tpu.memory_space<semaphore_mem>>) src(%dma_wait3A_44 : memref<2x32xi32, #tpu.memory_space<hbm>>) dst(%arg5 : memref<2x32xi32, #tpu.memory_space<vmem>>)
      tpu.yield
    }) : () -> ()
    %mul3A_1 = arith.constant 32 : i32
    %mul3A_2 = arith.muli %add3A, %mul3A_1 : i32
    "tpu.region"() ({
      %run_scoped3A = tpu.sem_alloc : memref<!tpu.dma_semaphore, #tpu.memory_space<semaphore_mem>>
      %dma_start3A_29 = arith.constant 0 : i32
      %dma_start3A_30 = tpu.memref_slice %arg2[%mul3A_2, %dma_start3A_29] : memref<1024x1024xf32, #tpu.memory_space<hbm>> -> memref<32x1024xf32, #tpu.memory_space<hbm>>
      %dma_start3A_31 = arith.constant 0 : i32
      %dma_start3A_32 = tpu.memref_slice %arg2[%mul3A_2, %dma_start3A_31] : memref<1024x1024xf32, #tpu.memory_space<hbm>> -> memref<32x1024xf32, #tpu.memory_space<hbm>>
      tpu.enqueue_dma source(%dma_start3A_32 : memref<32x1024xf32, #tpu.memory_space<hbm>>) target(%arg6 : memref<32x1024xf32, #tpu.memory_space<vmem>>) target_semaphore(%run_scoped3A : memref<!tpu.dma_semaphore, #tpu.memory_space<semaphore_mem>>)
      %dma_wait3A_33 = arith.constant 0 : i32
      %dma_wait3A_34 = tpu.memref_slice %arg2[%mul3A_2, %dma_wait3A_33] : memref<1024x1024xf32, #tpu.memory_space<hbm>> -> memref<32x1024xf32, #tpu.memory_space<hbm>>
      %dma_wait3A_35 = arith.constant 0 : i32
      %dma_wait3A_36 = tpu.memref_slice %arg2[%mul3A_2, %dma_wait3A_35] : memref<1024x1024xf32, #tpu.memory_space<hbm>> -> memref<32x1024xf32, #tpu.memory_space<hbm>>
      tpu.wait_dma2 semaphore(%run_scoped3A : memref<!tpu.dma_semaphore, #tpu.memory_space<semaphore_mem>>) src(%dma_wait3A_36 : memref<32x1024xf32, #tpu.memory_space<hbm>>) dst(%arg6 : memref<32x1024xf32, #tpu.memory_space<vmem>>)
      tpu.yield
    }) : () -> ()
    %dma_start3A = arith.constant 0 : i32
    %dma_start3A_3 = arith.constant 0 : i32
    %dma_start3A_4 = tpu.memref_slice %arg5[%dma_start3A, %dma_start3A_3] : memref<2x32xi32, #tpu.memory_space<vmem>> -> memref<1x32xi32, #tpu.memory_space<vmem>>
    %dma_start3A_5 = tpu.memref_squeeze %dma_start3A_4 : memref<1x32xi32, #tpu.memory_space<vmem>> -> memref<32xi32, #tpu.memory_space<vmem>>
    %dma_start3A_6 = arith.constant 0 : i32
    %dma_start3A_7 = arith.constant 0 : i32
    %dma_start3A_8 = tpu.memref_slice %arg4[%dma_start3A_6, %dma_start3A_7] : memref<2048x1024xf32, #tpu.memory_space<hbm>> -> memref<2048x1024xf32, #tpu.memory_space<hbm>>
    tpu.enqueue_indirect_dma source(%arg6 : memref<32x1024xf32, #tpu.memory_space<vmem>>) target(%dma_start3A_8 : memref<2048x1024xf32, #tpu.memory_space<hbm>>) offsets(%dma_start3A_5 : memref<32xi32, #tpu.memory_space<vmem>>) semaphore(%arg7 : memref<!tpu.dma_semaphore, #tpu.memory_space<semaphore_mem>>)
    %dma_start3A_9 = arith.constant 1 : i32
    %dma_start3A_10 = arith.constant 0 : i32
    %dma_start3A_11 = tpu.memref_slice %arg5[%dma_start3A_9, %dma_start3A_10] : memref<2x32xi32, #tpu.memory_space<vmem>> -> memref<1x32xi32, #tpu.memory_space<vmem>>
    %dma_start3A_12 = tpu.memref_squeeze %dma_start3A_11 : memref<1x32xi32, #tpu.memory_space<vmem>> -> memref<32xi32, #tpu.memory_space<vmem>>
    %dma_start3A_13 = arith.constant 0 : i32
    %dma_start3A_14 = arith.constant 0 : i32
    %dma_start3A_15 = tpu.memref_slice %arg4[%dma_start3A_13, %dma_start3A_14] : memref<2048x1024xf32, #tpu.memory_space<hbm>> -> memref<2048x1024xf32, #tpu.memory_space<hbm>>
    tpu.enqueue_indirect_dma source(%arg6 : memref<32x1024xf32, #tpu.memory_space<vmem>>) target(%dma_start3A_15 : memref<2048x1024xf32, #tpu.memory_space<hbm>>) offsets(%dma_start3A_12 : memref<32xi32, #tpu.memory_space<vmem>>) semaphore(%arg8 : memref<!tpu.dma_semaphore, #tpu.memory_space<semaphore_mem>>)
    %dma_wait3A = arith.constant 0 : i32
    %dma_wait3A_16 = arith.constant 0 : i32
    %dma_wait3A_17 = tpu.memref_slice %arg5[%dma_wait3A, %dma_wait3A_16] : memref<2x32xi32, #tpu.memory_space<vmem>> -> memref<1x32xi32, #tpu.memory_space<vmem>>
    %dma_wait3A_18 = tpu.memref_squeeze %dma_wait3A_17 : memref<1x32xi32, #tpu.memory_space<vmem>> -> memref<32xi32, #tpu.memory_space<vmem>>
    %dma_wait3A_19 = arith.constant 0 : i32
    %dma_wait3A_20 = arith.constant 0 : i32
    %dma_wait3A_21 = tpu.memref_slice %arg4[%dma_wait3A_19, %dma_wait3A_20] : memref<2048x1024xf32, #tpu.memory_space<hbm>> -> memref<2048x1024xf32, #tpu.memory_space<hbm>>
    tpu.wait_indirect_dma semaphore(%arg7 : memref<!tpu.dma_semaphore, #tpu.memory_space<semaphore_mem>>) src(%arg6 : memref<32x1024xf32, #tpu.memory_space<vmem>>) dst(%dma_wait3A_21 : memref<2048x1024xf32, #tpu.memory_space<hbm>>)
    %dma_wait3A_22 = arith.constant 1 : i32
    %dma_wait3A_23 = arith.constant 0 : i32
    %dma_wait3A_24 = tpu.memref_slice %arg5[%dma_wait3A_22, %dma_wait3A_23] : memref<2x32xi32, #tpu.memory_space<vmem>> -> memref<1x32xi32, #tpu.memory_space<vmem>>
    %dma_wait3A_25 = tpu.memref_squeeze %dma_wait3A_24 : memref<1x32xi32, #tpu.memory_space<vmem>> -> memref<32xi32, #tpu.memory_space<vmem>>
    %dma_wait3A_26 = arith.constant 0 : i32
    %dma_wait3A_27 = arith.constant 0 : i32
    %dma_wait3A_28 = tpu.memref_slice %arg4[%dma_wait3A_26, %dma_wait3A_27] : memref<2048x1024xf32, #tpu.memory_space<hbm>> -> memref<2048x1024xf32, #tpu.memory_space<hbm>>
    tpu.wait_indirect_dma semaphore(%arg8 : memref<!tpu.dma_semaphore, #tpu.memory_space<semaphore_mem>>) src(%arg6 : memref<32x1024xf32, #tpu.memory_space<vmem>>) dst(%dma_wait3A_28 : memref<2048x1024xf32, #tpu.memory_space<hbm>>)
    return
  }
}

#map = affine_map<(d0, d1) -> (0, 0)>
#map1 = affine_map<(d0, d1) -> (0, 0, 0, 0)>
module attributes {stable_mosaic.version = 14 : i64} {
  func.func @combine(%arg0: i32, %arg1: i32, %arg2: memref<2048x1024xf32, #tpu.memory_space<hbm>>, %arg3: memref<32x64xi32, #tpu.memory_space<hbm>>, %arg4: memref<32x32x2x16xf32, #tpu.memory_space<hbm>>, %arg5: memref<1024x1024xf32, #tpu.memory_space<hbm>>, %arg6: memref<64xi32, #tpu.memory_space<vmem>>, %arg7: memref<64x1024xf32, #tpu.memory_space<vmem>>, %arg8: memref<32x1024xf32, #tpu.memory_space<vmem>>, %arg9: memref<32x2x16xf32, #tpu.memory_space<vmem>>, %arg10: memref<!tpu.dma_semaphore, #tpu.memory_space<semaphore_mem>>) attributes {dimension_semantics = [#tpu.dimension_semantics<core_parallel>, #tpu.dimension_semantics<subcore_parallel>], iteration_bounds = array<i64: 2, 16>, scalar_prefetch = 0 : i64, scratch_operands = 5 : i64, tpu.core_type = #tpu.core_type<sc_vector_subcore>, window_params = [{transform_indices = #map}, {transform_indices = #map}, {transform_indices = #map1}, {transform_indices = #map}]} {
    %mul3A = arith.constant 2 : i32
    %mul3A_0 = arith.muli %arg1, %mul3A : i32
    %add3A = arith.addi %mul3A_0, %arg0 : i32
    "tpu.region"() ({
      %run_scoped3A = tpu.sem_alloc : memref<!tpu.dma_semaphore, #tpu.memory_space<semaphore_mem>>
      %dma_start3A_645 = arith.constant 0 : i32
      %dma_start3A_646 = tpu.memref_slice %arg3[%add3A, %dma_start3A_645] : memref<32x64xi32, #tpu.memory_space<hbm>> -> memref<1x64xi32, #tpu.memory_space<hbm>>
      %dma_start3A_647 = tpu.memref_squeeze %dma_start3A_646 : memref<1x64xi32, #tpu.memory_space<hbm>> -> memref<64xi32, #tpu.memory_space<hbm>>
      %dma_start3A_648 = arith.constant 0 : i32
      %dma_start3A_649 = tpu.memref_slice %arg3[%add3A, %dma_start3A_648] : memref<32x64xi32, #tpu.memory_space<hbm>> -> memref<1x64xi32, #tpu.memory_space<hbm>>
      %dma_start3A_650 = tpu.memref_squeeze %dma_start3A_649 : memref<1x64xi32, #tpu.memory_space<hbm>> -> memref<64xi32, #tpu.memory_space<hbm>>
      tpu.enqueue_dma source(%dma_start3A_650 : memref<64xi32, #tpu.memory_space<hbm>>) target(%arg6 : memref<64xi32, #tpu.memory_space<vmem>>) target_semaphore(%run_scoped3A : memref<!tpu.dma_semaphore, #tpu.memory_space<semaphore_mem>>)
      %dma_wait3A_651 = arith.constant 0 : i32
      %dma_wait3A_652 = tpu.memref_slice %arg3[%add3A, %dma_wait3A_651] : memref<32x64xi32, #tpu.memory_space<hbm>> -> memref<1x64xi32, #tpu.memory_space<hbm>>
      %dma_wait3A_653 = tpu.memref_squeeze %dma_wait3A_652 : memref<1x64xi32, #tpu.memory_space<hbm>> -> memref<64xi32, #tpu.memory_space<hbm>>
      %dma_wait3A_654 = arith.constant 0 : i32
      %dma_wait3A_655 = tpu.memref_slice %arg3[%add3A, %dma_wait3A_654] : memref<32x64xi32, #tpu.memory_space<hbm>> -> memref<1x64xi32, #tpu.memory_space<hbm>>
      %dma_wait3A_656 = tpu.memref_squeeze %dma_wait3A_655 : memref<1x64xi32, #tpu.memory_space<hbm>> -> memref<64xi32, #tpu.memory_space<hbm>>
      tpu.wait_dma2 semaphore(%run_scoped3A : memref<!tpu.dma_semaphore, #tpu.memory_space<semaphore_mem>>) src(%dma_wait3A_656 : memref<64xi32, #tpu.memory_space<hbm>>) dst(%arg6 : memref<64xi32, #tpu.memory_space<vmem>>)
      tpu.yield
    }) : () -> ()
    "tpu.region"() ({
      %run_scoped3A = tpu.sem_alloc : memref<!tpu.dma_semaphore, #tpu.memory_space<semaphore_mem>>
      %dma_start3A_645 = arith.constant 0 : i32
      %dma_start3A_646 = arith.constant 0 : i32
      %dma_start3A_647 = arith.constant 0 : i32
      %dma_start3A_648 = tpu.memref_slice %arg4[%add3A, %dma_start3A_645, %dma_start3A_646, %dma_start3A_647] : memref<32x32x2x16xf32, #tpu.memory_space<hbm>> -> memref<1x32x2x16xf32, #tpu.memory_space<hbm>>
      %dma_start3A_649 = tpu.memref_squeeze %dma_start3A_648 : memref<1x32x2x16xf32, #tpu.memory_space<hbm>> -> memref<32x2x16xf32, #tpu.memory_space<hbm>>
      %dma_start3A_650 = arith.constant 0 : i32
      %dma_start3A_651 = arith.constant 0 : i32
      %dma_start3A_652 = arith.constant 0 : i32
      %dma_start3A_653 = tpu.memref_slice %arg4[%add3A, %dma_start3A_650, %dma_start3A_651, %dma_start3A_652] : memref<32x32x2x16xf32, #tpu.memory_space<hbm>> -> memref<1x32x2x16xf32, #tpu.memory_space<hbm>>
      %dma_start3A_654 = tpu.memref_squeeze %dma_start3A_653 : memref<1x32x2x16xf32, #tpu.memory_space<hbm>> -> memref<32x2x16xf32, #tpu.memory_space<hbm>>
      tpu.enqueue_dma source(%dma_start3A_654 : memref<32x2x16xf32, #tpu.memory_space<hbm>>) target(%arg9 : memref<32x2x16xf32, #tpu.memory_space<vmem>>) target_semaphore(%run_scoped3A : memref<!tpu.dma_semaphore, #tpu.memory_space<semaphore_mem>>)
      %dma_wait3A_655 = arith.constant 0 : i32
      %dma_wait3A_656 = arith.constant 0 : i32
      %dma_wait3A_657 = arith.constant 0 : i32
      %dma_wait3A_658 = tpu.memref_slice %arg4[%add3A, %dma_wait3A_655, %dma_wait3A_656, %dma_wait3A_657] : memref<32x32x2x16xf32, #tpu.memory_space<hbm>> -> memref<1x32x2x16xf32, #tpu.memory_space<hbm>>
      %dma_wait3A_659 = tpu.memref_squeeze %dma_wait3A_658 : memref<1x32x2x16xf32, #tpu.memory_space<hbm>> -> memref<32x2x16xf32, #tpu.memory_space<hbm>>
      %dma_wait3A_660 = arith.constant 0 : i32
      %dma_wait3A_661 = arith.constant 0 : i32
      %dma_wait3A_662 = arith.constant 0 : i32
      %dma_wait3A_663 = tpu.memref_slice %arg4[%add3A, %dma_wait3A_660, %dma_wait3A_661, %dma_wait3A_662] : memref<32x32x2x16xf32, #tpu.memory_space<hbm>> -> memref<1x32x2x16xf32, #tpu.memory_space<hbm>>
      %dma_wait3A_664 = tpu.memref_squeeze %dma_wait3A_663 : memref<1x32x2x16xf32, #tpu.memory_space<hbm>> -> memref<32x2x16xf32, #tpu.memory_space<hbm>>
      tpu.wait_dma2 semaphore(%run_scoped3A : memref<!tpu.dma_semaphore, #tpu.memory_space<semaphore_mem>>) src(%dma_wait3A_664 : memref<32x2x16xf32, #tpu.memory_space<hbm>>) dst(%arg9 : memref<32x2x16xf32, #tpu.memory_space<vmem>>)
      tpu.yield
    }) : () -> ()
    %dma_start3A = arith.constant 0 : i32
    %dma_start3A_1 = arith.constant 0 : i32
    %dma_start3A_2 = tpu.memref_slice %arg2[%dma_start3A, %dma_start3A_1] : memref<2048x1024xf32, #tpu.memory_space<hbm>> -> memref<2048x1024xf32, #tpu.memory_space<hbm>>
    tpu.enqueue_indirect_dma source(%dma_start3A_2 : memref<2048x1024xf32, #tpu.memory_space<hbm>>) target(%arg7 : memref<64x1024xf32, #tpu.memory_space<vmem>>) offsets(%arg6 : memref<64xi32, #tpu.memory_space<vmem>>) semaphore(%arg10 : memref<!tpu.dma_semaphore, #tpu.memory_space<semaphore_mem>>)
    %dma_wait3A = arith.constant 0 : i32
    %dma_wait3A_3 = arith.constant 0 : i32
    %dma_wait3A_4 = tpu.memref_slice %arg2[%dma_wait3A, %dma_wait3A_3] : memref<2048x1024xf32, #tpu.memory_space<hbm>> -> memref<2048x1024xf32, #tpu.memory_space<hbm>>
    tpu.wait_indirect_dma semaphore(%arg10 : memref<!tpu.dma_semaphore, #tpu.memory_space<semaphore_mem>>) src(%dma_wait3A_4 : memref<2048x1024xf32, #tpu.memory_space<hbm>>) dst(%arg7 : memref<64x1024xf32, #tpu.memory_space<vmem>>)
    %get3A = arith.constant 0 : i32
    %get3A_5 = arith.constant 0 : i32
    %get3A_6 = arith.index_cast %get3A : i32 to index
    %get3A_7 = arith.index_cast %get3A_5 : i32 to index
    %get3A_8 = arith.constant 0 : index
    %get3A_9 = tpu.vector_load %arg9[%get3A_6, %get3A_7, %get3A_8] {strides = array<i32>} : memref<32x2x16xf32, #tpu.memory_space<vmem>>, vector<1x1x16xf32>,
    %get3A_10 = vector.shape_cast %get3A_9 : vector<1x1x16xf32> to vector<16xf32>
    %get3A_11 = arith.constant 0 : i32
    %get3A_12 = arith.constant 1 : i32
    %get3A_13 = arith.index_cast %get3A_11 : i32 to index
    %get3A_14 = arith.index_cast %get3A_12 : i32 to index
    %get3A_15 = arith.constant 0 : index
    %get3A_16 = tpu.vector_load %arg9[%get3A_13, %get3A_14, %get3A_15] {strides = array<i32>} : memref<32x2x16xf32, #tpu.memory_space<vmem>>, vector<1x1x16xf32>,
    %get3A_17 = vector.shape_cast %get3A_16 : vector<1x1x16xf32> to vector<16xf32>
    %scan3A = arith.constant 0 : i32
    %scan3A_18 = arith.constant 0 : i32
    %scan3A_19 = arith.constant 64 : i32
    %scan3A_20 = arith.addi %scan3A_18, %scan3A_19 : i32
    %scan3A_21 = arith.constant 1 : i32
    scf.for %scan3A_645 = %scan3A_18 to %scan3A_20 step %scan3A_21  : i32 {
      %mul3A_646 = arith.constant 16 : i32
      %mul3A_647 = arith.muli %scan3A_645, %mul3A_646 : i32
      %get3A_648 = arith.constant 0 : i32
      %get3A_649 = arith.index_cast %get3A_648 : i32 to index
      %get3A_650 = arith.index_cast %mul3A_647 : i32 to index
      %get3A_651 = tpu.vector_load %arg7[%get3A_649, %get3A_650] {strides = array<i32>} : memref<64x1024xf32, #tpu.memory_space<vmem>>, vector<1x16xf32>,
      %get3A_652 = vector.shape_cast %get3A_651 : vector<1x16xf32> to vector<16xf32>
      %mul3A_653 = arith.constant 16 : i32
      %mul3A_654 = arith.muli %scan3A_645, %mul3A_653 : i32
      %get3A_655 = arith.constant 1 : i32
      %get3A_656 = arith.index_cast %get3A_655 : i32 to index
      %get3A_657 = arith.index_cast %mul3A_654 : i32 to index
      %get3A_658 = tpu.vector_load %arg7[%get3A_656, %get3A_657] {strides = array<i32>} : memref<64x1024xf32, #tpu.memory_space<vmem>>, vector<1x16xf32>,
      %get3A_659 = vector.shape_cast %get3A_658 : vector<1x16xf32> to vector<16xf32>
      %mul3A_660 = arith.mulf %get3A_10, %get3A_652 : vector<16xf32>
      %mul3A_661 = arith.mulf %get3A_17, %get3A_659 : vector<16xf32>
      %add3A_662 = arith.addf %mul3A_660, %mul3A_661 : vector<16xf32>
      %mul3A_663 = arith.constant 16 : i32
      %mul3A_664 = arith.muli %scan3A_645, %mul3A_663 : i32
      %swap3A = arith.constant 0 : i32
      %swap3A_665 = arith.index_cast %swap3A : i32 to index
      %swap3A_666 = arith.index_cast %mul3A_664 : i32 to index
      %swap3A_667 = tpu.vector_load %arg8[%swap3A_665, %swap3A_666] {strides = array<i32>} : memref<32x1024xf32, #tpu.memory_space<vmem>>, vector<1x16xf32>,
      %swap3A_668 = vector.shape_cast %swap3A_667 : vector<1x16xf32> to vector<16xf32>
      %swap3A_669 = vector.shape_cast %add3A_662 : vector<16xf32> to vector<1x16xf32>
      tpu.vector_store %arg8[%swap3A_665, %swap3A_666], %swap3A_669 {strides = array<i32>} : memref<32x1024xf32, #tpu.memory_space<vmem>>, vector<1x16xf32>,
    }
    %scan3A_22 = arith.constant 64 : i32
    %get3A_23 = arith.constant 1 : i32
    %get3A_24 = arith.constant 0 : i32
    %get3A_25 = arith.index_cast %get3A_23 : i32 to index
    %get3A_26 = arith.index_cast %get3A_24 : i32 to index
    %get3A_27 = arith.constant 0 : index
    %get3A_28 = tpu.vector_load %arg9[%get3A_25, %get3A_26, %get3A_27] {strides = array<i32>} : memref<32x2x16xf32, #tpu.memory_space<vmem>>, vector<1x1x16xf32>,
    %get3A_29 = vector.shape_cast %get3A_28 : vector<1x1x16xf32> to vector<16xf32>
    %get3A_30 = arith.constant 1 : i32
    %get3A_31 = arith.constant 1 : i32
    %get3A_32 = arith.index_cast %get3A_30 : i32 to index
    %get3A_33 = arith.index_cast %get3A_31 : i32 to index
    %get3A_34 = arith.constant 0 : index
    %get3A_35 = tpu.vector_load %arg9[%get3A_32, %get3A_33, %get3A_34] {strides = array<i32>} : memref<32x2x16xf32, #tpu.memory_space<vmem>>, vector<1x1x16xf32>,
    %get3A_36 = vector.shape_cast %get3A_35 : vector<1x1x16xf32> to vector<16xf32>
    %scan3A_37 = arith.constant 0 : i32
    %scan3A_38 = arith.constant 0 : i32
    %scan3A_39 = arith.constant 64 : i32
    %scan3A_40 = arith.addi %scan3A_38, %scan3A_39 : i32
    %scan3A_41 = arith.constant 1 : i32
    scf.for %scan3A_645 = %scan3A_38 to %scan3A_40 step %scan3A_41  : i32 {
      %mul3A_646 = arith.constant 16 : i32
      %mul3A_647 = arith.muli %scan3A_645, %mul3A_646 : i32
      %get3A_648 = arith.constant 2 : i32
      %get3A_649 = arith.index_cast %get3A_648 : i32 to index
      %get3A_650 = arith.index_cast %mul3A_647 : i32 to index
      %get3A_651 = tpu.vector_load %arg7[%get3A_649, %get3A_650] {strides = array<i32>} : memref<64x1024xf32, #tpu.memory_space<vmem>>, vector<1x16xf32>,
      %get3A_652 = vector.shape_cast %get3A_651 : vector<1x16xf32> to vector<16xf32>
      %mul3A_653 = arith.constant 16 : i32
      %mul3A_654 = arith.muli %scan3A_645, %mul3A_653 : i32
      %get3A_655 = arith.constant 3 : i32
      %get3A_656 = arith.index_cast %get3A_655 : i32 to index
      %get3A_657 = arith.index_cast %mul3A_654 : i32 to index
      %get3A_658 = tpu.vector_load %arg7[%get3A_656, %get3A_657] {strides = array<i32>} : memref<64x1024xf32, #tpu.memory_space<vmem>>, vector<1x16xf32>,
      %get3A_659 = vector.shape_cast %get3A_658 : vector<1x16xf32> to vector<16xf32>
      %mul3A_660 = arith.mulf %get3A_29, %get3A_652 : vector<16xf32>
      %mul3A_661 = arith.mulf %get3A_36, %get3A_659 : vector<16xf32>
      %add3A_662 = arith.addf %mul3A_660, %mul3A_661 : vector<16xf32>
      %mul3A_663 = arith.constant 16 : i32
      %mul3A_664 = arith.muli %scan3A_645, %mul3A_663 : i32
      %swap3A = arith.constant 1 : i32
      %swap3A_665 = arith.index_cast %swap3A : i32 to index
      %swap3A_666 = arith.index_cast %mul3A_664 : i32 to index
      %swap3A_667 = tpu.vector_load %arg8[%swap3A_665, %swap3A_666] {strides = array<i32>} : memref<32x1024xf32, #tpu.memory_space<vmem>>, vector<1x16xf32>,
      %swap3A_668 = vector.shape_cast %swap3A_667 : vector<1x16xf32> to vector<16xf32>
      %swap3A_669 = vector.shape_cast %add3A_662 : vector<16xf32> to vector<1x16xf32>
      tpu.vector_store %arg8[%swap3A_665, %swap3A_666], %swap3A_669 {strides = array<i32>} : memref<32x1024xf32, #tpu.memory_space<vmem>>, vector<1x16xf32>,
    }
    %scan3A_42 = arith.constant 64 : i32
    %get3A_43 = arith.constant 2 : i32
    %get3A_44 = arith.constant 0 : i32
    %get3A_45 = arith.index_cast %get3A_43 : i32 to index
    %get3A_46 = arith.index_cast %get3A_44 : i32 to index
    %get3A_47 = arith.constant 0 : index
    %get3A_48 = tpu.vector_load %arg9[%get3A_45, %get3A_46, %get3A_47] {strides = array<i32>} : memref<32x2x16xf32, #tpu.memory_space<vmem>>, vector<1x1x16xf32>,
    %get3A_49 = vector.shape_cast %get3A_48 : vector<1x1x16xf32> to vector<16xf32>
    %get3A_50 = arith.constant 2 : i32
    %get3A_51 = arith.constant 1 : i32
    %get3A_52 = arith.index_cast %get3A_50 : i32 to index
    %get3A_53 = arith.index_cast %get3A_51 : i32 to index
    %get3A_54 = arith.constant 0 : index
    %get3A_55 = tpu.vector_load %arg9[%get3A_52, %get3A_53, %get3A_54] {strides = array<i32>} : memref<32x2x16xf32, #tpu.memory_space<vmem>>, vector<1x1x16xf32>,
    %get3A_56 = vector.shape_cast %get3A_55 : vector<1x1x16xf32> to vector<16xf32>
    %scan3A_57 = arith.constant 0 : i32
    %scan3A_58 = arith.constant 0 : i32
    %scan3A_59 = arith.constant 64 : i32
    %scan3A_60 = arith.addi %scan3A_58, %scan3A_59 : i32
    %scan3A_61 = arith.constant 1 : i32
    scf.for %scan3A_645 = %scan3A_58 to %scan3A_60 step %scan3A_61  : i32 {
      %mul3A_646 = arith.constant 16 : i32
      %mul3A_647 = arith.muli %scan3A_645, %mul3A_646 : i32
      %get3A_648 = arith.constant 4 : i32
      %get3A_649 = arith.index_cast %get3A_648 : i32 to index
      %get3A_650 = arith.index_cast %mul3A_647 : i32 to index
      %get3A_651 = tpu.vector_load %arg7[%get3A_649, %get3A_650] {strides = array<i32>} : memref<64x1024xf32, #tpu.memory_space<vmem>>, vector<1x16xf32>,
      %get3A_652 = vector.shape_cast %get3A_651 : vector<1x16xf32> to vector<16xf32>
      %mul3A_653 = arith.constant 16 : i32
      %mul3A_654 = arith.muli %scan3A_645, %mul3A_653 : i32
      %get3A_655 = arith.constant 5 : i32
      %get3A_656 = arith.index_cast %get3A_655 : i32 to index
      %get3A_657 = arith.index_cast %mul3A_654 : i32 to index
      %get3A_658 = tpu.vector_load %arg7[%get3A_656, %get3A_657] {strides = array<i32>} : memref<64x1024xf32, #tpu.memory_space<vmem>>, vector<1x16xf32>,
      %get3A_659 = vector.shape_cast %get3A_658 : vector<1x16xf32> to vector<16xf32>
      %mul3A_660 = arith.mulf %get3A_49, %get3A_652 : vector<16xf32>
      %mul3A_661 = arith.mulf %get3A_56, %get3A_659 : vector<16xf32>
      %add3A_662 = arith.addf %mul3A_660, %mul3A_661 : vector<16xf32>
      %mul3A_663 = arith.constant 16 : i32
      %mul3A_664 = arith.muli %scan3A_645, %mul3A_663 : i32
      %swap3A = arith.constant 2 : i32
      %swap3A_665 = arith.index_cast %swap3A : i32 to index
      %swap3A_666 = arith.index_cast %mul3A_664 : i32 to index
      %swap3A_667 = tpu.vector_load %arg8[%swap3A_665, %swap3A_666] {strides = array<i32>} : memref<32x1024xf32, #tpu.memory_space<vmem>>, vector<1x16xf32>,
      %swap3A_668 = vector.shape_cast %swap3A_667 : vector<1x16xf32> to vector<16xf32>
      %swap3A_669 = vector.shape_cast %add3A_662 : vector<16xf32> to vector<1x16xf32>
      tpu.vector_store %arg8[%swap3A_665, %swap3A_666], %swap3A_669 {strides = array<i32>} : memref<32x1024xf32, #tpu.memory_space<vmem>>, vector<1x16xf32>,
    }
    %scan3A_62 = arith.constant 64 : i32
    %get3A_63 = arith.constant 3 : i32
    %get3A_64 = arith.constant 0 : i32
    %get3A_65 = arith.index_cast %get3A_63 : i32 to index
    %get3A_66 = arith.index_cast %get3A_64 : i32 to index
    %get3A_67 = arith.constant 0 : index
    %get3A_68 = tpu.vector_load %arg9[%get3A_65, %get3A_66, %get3A_67] {strides = array<i32>} : memref<32x2x16xf32, #tpu.memory_space<vmem>>, vector<1x1x16xf32>,
    %get3A_69 = vector.shape_cast %get3A_68 : vector<1x1x16xf32> to vector<16xf32>
    %get3A_70 = arith.constant 3 : i32
    %get3A_71 = arith.constant 1 : i32
    %get3A_72 = arith.index_cast %get3A_70 : i32 to index
    %get3A_73 = arith.index_cast %get3A_71 : i32 to index
    %get3A_74 = arith.constant 0 : index
    %get3A_75 = tpu.vector_load %arg9[%get3A_72, %get3A_73, %get3A_74] {strides = array<i32>} : memref<32x2x16xf32, #tpu.memory_space<vmem>>, vector<1x1x16xf32>,
    %get3A_76 = vector.shape_cast %get3A_75 : vector<1x1x16xf32> to vector<16xf32>
    %scan3A_77 = arith.constant 0 : i32
    %scan3A_78 = arith.constant 0 : i32
    %scan3A_79 = arith.constant 64 : i32
    %scan3A_80 = arith.addi %scan3A_78, %scan3A_79 : i32
    %scan3A_81 = arith.constant 1 : i32
    scf.for %scan3A_645 = %scan3A_78 to %scan3A_80 step %scan3A_81  : i32 {
      %mul3A_646 = arith.constant 16 : i32
      %mul3A_647 = arith.muli %scan3A_645, %mul3A_646 : i32
      %get3A_648 = arith.constant 6 : i32
      %get3A_649 = arith.index_cast %get3A_648 : i32 to index
      %get3A_650 = arith.index_cast %mul3A_647 : i32 to index
      %get3A_651 = tpu.vector_load %arg7[%get3A_649, %get3A_650] {strides = array<i32>} : memref<64x1024xf32, #tpu.memory_space<vmem>>, vector<1x16xf32>,
      %get3A_652 = vector.shape_cast %get3A_651 : vector<1x16xf32> to vector<16xf32>
      %mul3A_653 = arith.constant 16 : i32
      %mul3A_654 = arith.muli %scan3A_645, %mul3A_653 : i32
      %get3A_655 = arith.constant 7 : i32
      %get3A_656 = arith.index_cast %get3A_655 : i32 to index
      %get3A_657 = arith.index_cast %mul3A_654 : i32 to index
      %get3A_658 = tpu.vector_load %arg7[%get3A_656, %get3A_657] {strides = array<i32>} : memref<64x1024xf32, #tpu.memory_space<vmem>>, vector<1x16xf32>,
      %get3A_659 = vector.shape_cast %get3A_658 : vector<1x16xf32> to vector<16xf32>
      %mul3A_660 = arith.mulf %get3A_69, %get3A_652 : vector<16xf32>
      %mul3A_661 = arith.mulf %get3A_76, %get3A_659 : vector<16xf32>
      %add3A_662 = arith.addf %mul3A_660, %mul3A_661 : vector<16xf32>
      %mul3A_663 = arith.constant 16 : i32
      %mul3A_664 = arith.muli %scan3A_645, %mul3A_663 : i32
      %swap3A = arith.constant 3 : i32
      %swap3A_665 = arith.index_cast %swap3A : i32 to index
      %swap3A_666 = arith.index_cast %mul3A_664 : i32 to index
      %swap3A_667 = tpu.vector_load %arg8[%swap3A_665, %swap3A_666] {strides = array<i32>} : memref<32x1024xf32, #tpu.memory_space<vmem>>, vector<1x16xf32>,
      %swap3A_668 = vector.shape_cast %swap3A_667 : vector<1x16xf32> to vector<16xf32>
      %swap3A_669 = vector.shape_cast %add3A_662 : vector<16xf32> to vector<1x16xf32>
      tpu.vector_store %arg8[%swap3A_665, %swap3A_666], %swap3A_669 {strides = array<i32>} : memref<32x1024xf32, #tpu.memory_space<vmem>>, vector<1x16xf32>,
    }
    %scan3A_82 = arith.constant 64 : i32
    %get3A_83 = arith.constant 4 : i32
    %get3A_84 = arith.constant 0 : i32
    %get3A_85 = arith.index_cast %get3A_83 : i32 to index
    %get3A_86 = arith.index_cast %get3A_84 : i32 to index
    %get3A_87 = arith.constant 0 : index
    %get3A_88 = tpu.vector_load %arg9[%get3A_85, %get3A_86, %get3A_87] {strides = array<i32>} : memref<32x2x16xf32, #tpu.memory_space<vmem>>, vector<1x1x16xf32>,
    %get3A_89 = vector.shape_cast %get3A_88 : vector<1x1x16xf32> to vector<16xf32>
    %get3A_90 = arith.constant 4 : i32
    %get3A_91 = arith.constant 1 : i32
    %get3A_92 = arith.index_cast %get3A_90 : i32 to index
    %get3A_93 = arith.index_cast %get3A_91 : i32 to index
    %get3A_94 = arith.constant 0 : index
    %get3A_95 = tpu.vector_load %arg9[%get3A_92, %get3A_93, %get3A_94] {strides = array<i32>} : memref<32x2x16xf32, #tpu.memory_space<vmem>>, vector<1x1x16xf32>,
    %get3A_96 = vector.shape_cast %get3A_95 : vector<1x1x16xf32> to vector<16xf32>
    %scan3A_97 = arith.constant 0 : i32
    %scan3A_98 = arith.constant 0 : i32
    %scan3A_99 = arith.constant 64 : i32
    %scan3A_100 = arith.addi %scan3A_98, %scan3A_99 : i32
    %scan3A_101 = arith.constant 1 : i32
    scf.for %scan3A_645 = %scan3A_98 to %scan3A_100 step %scan3A_101  : i32 {
      %mul3A_646 = arith.constant 16 : i32
      %mul3A_647 = arith.muli %scan3A_645, %mul3A_646 : i32
      %get3A_648 = arith.constant 8 : i32
      %get3A_649 = arith.index_cast %get3A_648 : i32 to index
      %get3A_650 = arith.index_cast %mul3A_647 : i32 to index
      %get3A_651 = tpu.vector_load %arg7[%get3A_649, %get3A_650] {strides = array<i32>} : memref<64x1024xf32, #tpu.memory_space<vmem>>, vector<1x16xf32>,
      %get3A_652 = vector.shape_cast %get3A_651 : vector<1x16xf32> to vector<16xf32>
      %mul3A_653 = arith.constant 16 : i32
      %mul3A_654 = arith.muli %scan3A_645, %mul3A_653 : i32
      %get3A_655 = arith.constant 9 : i32
      %get3A_656 = arith.index_cast %get3A_655 : i32 to index
      %get3A_657 = arith.index_cast %mul3A_654 : i32 to index
      %get3A_658 = tpu.vector_load %arg7[%get3A_656, %get3A_657] {strides = array<i32>} : memref<64x1024xf32, #tpu.memory_space<vmem>>, vector<1x16xf32>,
      %get3A_659 = vector.shape_cast %get3A_658 : vector<1x16xf32> to vector<16xf32>
      %mul3A_660 = arith.mulf %get3A_89, %get3A_652 : vector<16xf32>
      %mul3A_661 = arith.mulf %get3A_96, %get3A_659 : vector<16xf32>
      %add3A_662 = arith.addf %mul3A_660, %mul3A_661 : vector<16xf32>
      %mul3A_663 = arith.constant 16 : i32
      %mul3A_664 = arith.muli %scan3A_645, %mul3A_663 : i32
      %swap3A = arith.constant 4 : i32
      %swap3A_665 = arith.index_cast %swap3A : i32 to index
      %swap3A_666 = arith.index_cast %mul3A_664 : i32 to index
      %swap3A_667 = tpu.vector_load %arg8[%swap3A_665, %swap3A_666] {strides = array<i32>} : memref<32x1024xf32, #tpu.memory_space<vmem>>, vector<1x16xf32>,
      %swap3A_668 = vector.shape_cast %swap3A_667 : vector<1x16xf32> to vector<16xf32>
      %swap3A_669 = vector.shape_cast %add3A_662 : vector<16xf32> to vector<1x16xf32>
      tpu.vector_store %arg8[%swap3A_665, %swap3A_666], %swap3A_669 {strides = array<i32>} : memref<32x1024xf32, #tpu.memory_space<vmem>>, vector<1x16xf32>,
    }
    %scan3A_102 = arith.constant 64 : i32
    %get3A_103 = arith.constant 5 : i32
    %get3A_104 = arith.constant 0 : i32
    %get3A_105 = arith.index_cast %get3A_103 : i32 to index
    %get3A_106 = arith.index_cast %get3A_104 : i32 to index
    %get3A_107 = arith.constant 0 : index
    %get3A_108 = tpu.vector_load %arg9[%get3A_105, %get3A_106, %get3A_107] {strides = array<i32>} : memref<32x2x16xf32, #tpu.memory_space<vmem>>, vector<1x1x16xf32>,
    %get3A_109 = vector.shape_cast %get3A_108 : vector<1x1x16xf32> to vector<16xf32>
    %get3A_110 = arith.constant 5 : i32
    %get3A_111 = arith.constant 1 : i32
    %get3A_112 = arith.index_cast %get3A_110 : i32 to index
    %get3A_113 = arith.index_cast %get3A_111 : i32 to index
    %get3A_114 = arith.constant 0 : index
    %get3A_115 = tpu.vector_load %arg9[%get3A_112, %get3A_113, %get3A_114] {strides = array<i32>} : memref<32x2x16xf32, #tpu.memory_space<vmem>>, vector<1x1x16xf32>,
    %get3A_116 = vector.shape_cast %get3A_115 : vector<1x1x16xf32> to vector<16xf32>
    %scan3A_117 = arith.constant 0 : i32
    %scan3A_118 = arith.constant 0 : i32
    %scan3A_119 = arith.constant 64 : i32
    %scan3A_120 = arith.addi %scan3A_118, %scan3A_119 : i32
    %scan3A_121 = arith.constant 1 : i32
    scf.for %scan3A_645 = %scan3A_118 to %scan3A_120 step %scan3A_121  : i32 {
      %mul3A_646 = arith.constant 16 : i32
      %mul3A_647 = arith.muli %scan3A_645, %mul3A_646 : i32
      %get3A_648 = arith.constant 10 : i32
      %get3A_649 = arith.index_cast %get3A_648 : i32 to index
      %get3A_650 = arith.index_cast %mul3A_647 : i32 to index
      %get3A_651 = tpu.vector_load %arg7[%get3A_649, %get3A_650] {strides = array<i32>} : memref<64x1024xf32, #tpu.memory_space<vmem>>, vector<1x16xf32>,
      %get3A_652 = vector.shape_cast %get3A_651 : vector<1x16xf32> to vector<16xf32>
      %mul3A_653 = arith.constant 16 : i32
      %mul3A_654 = arith.muli %scan3A_645, %mul3A_653 : i32
      %get3A_655 = arith.constant 11 : i32
      %get3A_656 = arith.index_cast %get3A_655 : i32 to index
      %get3A_657 = arith.index_cast %mul3A_654 : i32 to index
      %get3A_658 = tpu.vector_load %arg7[%get3A_656, %get3A_657] {strides = array<i32>} : memref<64x1024xf32, #tpu.memory_space<vmem>>, vector<1x16xf32>,
      %get3A_659 = vector.shape_cast %get3A_658 : vector<1x16xf32> to vector<16xf32>
      %mul3A_660 = arith.mulf %get3A_109, %get3A_652 : vector<16xf32>
      %mul3A_661 = arith.mulf %get3A_116, %get3A_659 : vector<16xf32>
      %add3A_662 = arith.addf %mul3A_660, %mul3A_661 : vector<16xf32>
      %mul3A_663 = arith.constant 16 : i32
      %mul3A_664 = arith.muli %scan3A_645, %mul3A_663 : i32
      %swap3A = arith.constant 5 : i32
      %swap3A_665 = arith.index_cast %swap3A : i32 to index
      %swap3A_666 = arith.index_cast %mul3A_664 : i32 to index
      %swap3A_667 = tpu.vector_load %arg8[%swap3A_665, %swap3A_666] {strides = array<i32>} : memref<32x1024xf32, #tpu.memory_space<vmem>>, vector<1x16xf32>,
      %swap3A_668 = vector.shape_cast %swap3A_667 : vector<1x16xf32> to vector<16xf32>
      %swap3A_669 = vector.shape_cast %add3A_662 : vector<16xf32> to vector<1x16xf32>
      tpu.vector_store %arg8[%swap3A_665, %swap3A_666], %swap3A_669 {strides = array<i32>} : memref<32x1024xf32, #tpu.memory_space<vmem>>, vector<1x16xf32>,
    }
    %scan3A_122 = arith.constant 64 : i32
    %get3A_123 = arith.constant 6 : i32
    %get3A_124 = arith.constant 0 : i32
    %get3A_125 = arith.index_cast %get3A_123 : i32 to index
    %get3A_126 = arith.index_cast %get3A_124 : i32 to index
    %get3A_127 = arith.constant 0 : index
    %get3A_128 = tpu.vector_load %arg9[%get3A_125, %get3A_126, %get3A_127] {strides = array<i32>} : memref<32x2x16xf32, #tpu.memory_space<vmem>>, vector<1x1x16xf32>,
    %get3A_129 = vector.shape_cast %get3A_128 : vector<1x1x16xf32> to vector<16xf32>
    %get3A_130 = arith.constant 6 : i32
    %get3A_131 = arith.constant 1 : i32
    %get3A_132 = arith.index_cast %get3A_130 : i32 to index
    %get3A_133 = arith.index_cast %get3A_131 : i32 to index
    %get3A_134 = arith.constant 0 : index
    %get3A_135 = tpu.vector_load %arg9[%get3A_132, %get3A_133, %get3A_134] {strides = array<i32>} : memref<32x2x16xf32, #tpu.memory_space<vmem>>, vector<1x1x16xf32>,
    %get3A_136 = vector.shape_cast %get3A_135 : vector<1x1x16xf32> to vector<16xf32>
    %scan3A_137 = arith.constant 0 : i32
    %scan3A_138 = arith.constant 0 : i32
    %scan3A_139 = arith.constant 64 : i32
    %scan3A_140 = arith.addi %scan3A_138, %scan3A_139 : i32
    %scan3A_141 = arith.constant 1 : i32
    scf.for %scan3A_645 = %scan3A_138 to %scan3A_140 step %scan3A_141  : i32 {
      %mul3A_646 = arith.constant 16 : i32
      %mul3A_647 = arith.muli %scan3A_645, %mul3A_646 : i32
      %get3A_648 = arith.constant 12 : i32
      %get3A_649 = arith.index_cast %get3A_648 : i32 to index
      %get3A_650 = arith.index_cast %mul3A_647 : i32 to index
      %get3A_651 = tpu.vector_load %arg7[%get3A_649, %get3A_650] {strides = array<i32>} : memref<64x1024xf32, #tpu.memory_space<vmem>>, vector<1x16xf32>,
      %get3A_652 = vector.shape_cast %get3A_651 : vector<1x16xf32> to vector<16xf32>
      %mul3A_653 = arith.constant 16 : i32
      %mul3A_654 = arith.muli %scan3A_645, %mul3A_653 : i32
      %get3A_655 = arith.constant 13 : i32
      %get3A_656 = arith.index_cast %get3A_655 : i32 to index
      %get3A_657 = arith.index_cast %mul3A_654 : i32 to index
      %get3A_658 = tpu.vector_load %arg7[%get3A_656, %get3A_657] {strides = array<i32>} : memref<64x1024xf32, #tpu.memory_space<vmem>>, vector<1x16xf32>,
      %get3A_659 = vector.shape_cast %get3A_658 : vector<1x16xf32> to vector<16xf32>
      %mul3A_660 = arith.mulf %get3A_129, %get3A_652 : vector<16xf32>
      %mul3A_661 = arith.mulf %get3A_136, %get3A_659 : vector<16xf32>
      %add3A_662 = arith.addf %mul3A_660, %mul3A_661 : vector<16xf32>
      %mul3A_663 = arith.constant 16 : i32
      %mul3A_664 = arith.muli %scan3A_645, %mul3A_663 : i32
      %swap3A = arith.constant 6 : i32
      %swap3A_665 = arith.index_cast %swap3A : i32 to index
      %swap3A_666 = arith.index_cast %mul3A_664 : i32 to index
      %swap3A_667 = tpu.vector_load %arg8[%swap3A_665, %swap3A_666] {strides = array<i32>} : memref<32x1024xf32, #tpu.memory_space<vmem>>, vector<1x16xf32>,
      %swap3A_668 = vector.shape_cast %swap3A_667 : vector<1x16xf32> to vector<16xf32>
      %swap3A_669 = vector.shape_cast %add3A_662 : vector<16xf32> to vector<1x16xf32>
      tpu.vector_store %arg8[%swap3A_665, %swap3A_666], %swap3A_669 {strides = array<i32>} : memref<32x1024xf32, #tpu.memory_space<vmem>>, vector<1x16xf32>,
    }
    %scan3A_142 = arith.constant 64 : i32
    %get3A_143 = arith.constant 7 : i32
    %get3A_144 = arith.constant 0 : i32
    %get3A_145 = arith.index_cast %get3A_143 : i32 to index
    %get3A_146 = arith.index_cast %get3A_144 : i32 to index
    %get3A_147 = arith.constant 0 : index
    %get3A_148 = tpu.vector_load %arg9[%get3A_145, %get3A_146, %get3A_147] {strides = array<i32>} : memref<32x2x16xf32, #tpu.memory_space<vmem>>, vector<1x1x16xf32>,
    %get3A_149 = vector.shape_cast %get3A_148 : vector<1x1x16xf32> to vector<16xf32>
    %get3A_150 = arith.constant 7 : i32
    %get3A_151 = arith.constant 1 : i32
    %get3A_152 = arith.index_cast %get3A_150 : i32 to index
    %get3A_153 = arith.index_cast %get3A_151 : i32 to index
    %get3A_154 = arith.constant 0 : index
    %get3A_155 = tpu.vector_load %arg9[%get3A_152, %get3A_153, %get3A_154] {strides = array<i32>} : memref<32x2x16xf32, #tpu.memory_space<vmem>>, vector<1x1x16xf32>,
    %get3A_156 = vector.shape_cast %get3A_155 : vector<1x1x16xf32> to vector<16xf32>
    %scan3A_157 = arith.constant 0 : i32
    %scan3A_158 = arith.constant 0 : i32
    %scan3A_159 = arith.constant 64 : i32
    %scan3A_160 = arith.addi %scan3A_158, %scan3A_159 : i32
    %scan3A_161 = arith.constant 1 : i32
    scf.for %scan3A_645 = %scan3A_158 to %scan3A_160 step %scan3A_161  : i32 {
      %mul3A_646 = arith.constant 16 : i32
      %mul3A_647 = arith.muli %scan3A_645, %mul3A_646 : i32
      %get3A_648 = arith.constant 14 : i32
      %get3A_649 = arith.index_cast %get3A_648 : i32 to index
      %get3A_650 = arith.index_cast %mul3A_647 : i32 to index
      %get3A_651 = tpu.vector_load %arg7[%get3A_649, %get3A_650] {strides = array<i32>} : memref<64x1024xf32, #tpu.memory_space<vmem>>, vector<1x16xf32>,
      %get3A_652 = vector.shape_cast %get3A_651 : vector<1x16xf32> to vector<16xf32>
      %mul3A_653 = arith.constant 16 : i32
      %mul3A_654 = arith.muli %scan3A_645, %mul3A_653 : i32
      %get3A_655 = arith.constant 15 : i32
      %get3A_656 = arith.index_cast %get3A_655 : i32 to index
      %get3A_657 = arith.index_cast %mul3A_654 : i32 to index
      %get3A_658 = tpu.vector_load %arg7[%get3A_656, %get3A_657] {strides = array<i32>} : memref<64x1024xf32, #tpu.memory_space<vmem>>, vector<1x16xf32>,
      %get3A_659 = vector.shape_cast %get3A_658 : vector<1x16xf32> to vector<16xf32>
      %mul3A_660 = arith.mulf %get3A_149, %get3A_652 : vector<16xf32>
      %mul3A_661 = arith.mulf %get3A_156, %get3A_659 : vector<16xf32>
      %add3A_662 = arith.addf %mul3A_660, %mul3A_661 : vector<16xf32>
      %mul3A_663 = arith.constant 16 : i32
      %mul3A_664 = arith.muli %scan3A_645, %mul3A_663 : i32
      %swap3A = arith.constant 7 : i32
      %swap3A_665 = arith.index_cast %swap3A : i32 to index
      %swap3A_666 = arith.index_cast %mul3A_664 : i32 to index
      %swap3A_667 = tpu.vector_load %arg8[%swap3A_665, %swap3A_666] {strides = array<i32>} : memref<32x1024xf32, #tpu.memory_space<vmem>>, vector<1x16xf32>,
      %swap3A_668 = vector.shape_cast %swap3A_667 : vector<1x16xf32> to vector<16xf32>
      %swap3A_669 = vector.shape_cast %add3A_662 : vector<16xf32> to vector<1x16xf32>
      tpu.vector_store %arg8[%swap3A_665, %swap3A_666], %swap3A_669 {strides = array<i32>} : memref<32x1024xf32, #tpu.memory_space<vmem>>, vector<1x16xf32>,
    }
    %scan3A_162 = arith.constant 64 : i32
    %get3A_163 = arith.constant 8 : i32
    %get3A_164 = arith.constant 0 : i32
    %get3A_165 = arith.index_cast %get3A_163 : i32 to index
    %get3A_166 = arith.index_cast %get3A_164 : i32 to index
    %get3A_167 = arith.constant 0 : index
    %get3A_168 = tpu.vector_load %arg9[%get3A_165, %get3A_166, %get3A_167] {strides = array<i32>} : memref<32x2x16xf32, #tpu.memory_space<vmem>>, vector<1x1x16xf32>,
    %get3A_169 = vector.shape_cast %get3A_168 : vector<1x1x16xf32> to vector<16xf32>
    %get3A_170 = arith.constant 8 : i32
    %get3A_171 = arith.constant 1 : i32
    %get3A_172 = arith.index_cast %get3A_170 : i32 to index
    %get3A_173 = arith.index_cast %get3A_171 : i32 to index
    %get3A_174 = arith.constant 0 : index
    %get3A_175 = tpu.vector_load %arg9[%get3A_172, %get3A_173, %get3A_174] {strides = array<i32>} : memref<32x2x16xf32, #tpu.memory_space<vmem>>, vector<1x1x16xf32>,
    %get3A_176 = vector.shape_cast %get3A_175 : vector<1x1x16xf32> to vector<16xf32>
    %scan3A_177 = arith.constant 0 : i32
    %scan3A_178 = arith.constant 0 : i32
    %scan3A_179 = arith.constant 64 : i32
    %scan3A_180 = arith.addi %scan3A_178, %scan3A_179 : i32
    %scan3A_181 = arith.constant 1 : i32
    scf.for %scan3A_645 = %scan3A_178 to %scan3A_180 step %scan3A_181  : i32 {
      %mul3A_646 = arith.constant 16 : i32
      %mul3A_647 = arith.muli %scan3A_645, %mul3A_646 : i32
      %get3A_648 = arith.constant 16 : i32
      %get3A_649 = arith.index_cast %get3A_648 : i32 to index
      %get3A_650 = arith.index_cast %mul3A_647 : i32 to index
      %get3A_651 = tpu.vector_load %arg7[%get3A_649, %get3A_650] {strides = array<i32>} : memref<64x1024xf32, #tpu.memory_space<vmem>>, vector<1x16xf32>,
      %get3A_652 = vector.shape_cast %get3A_651 : vector<1x16xf32> to vector<16xf32>
      %mul3A_653 = arith.constant 16 : i32
      %mul3A_654 = arith.muli %scan3A_645, %mul3A_653 : i32
      %get3A_655 = arith.constant 17 : i32
      %get3A_656 = arith.index_cast %get3A_655 : i32 to index
      %get3A_657 = arith.index_cast %mul3A_654 : i32 to index
      %get3A_658 = tpu.vector_load %arg7[%get3A_656, %get3A_657] {strides = array<i32>} : memref<64x1024xf32, #tpu.memory_space<vmem>>, vector<1x16xf32>,
      %get3A_659 = vector.shape_cast %get3A_658 : vector<1x16xf32> to vector<16xf32>
      %mul3A_660 = arith.mulf %get3A_169, %get3A_652 : vector<16xf32>
      %mul3A_661 = arith.mulf %get3A_176, %get3A_659 : vector<16xf32>
      %add3A_662 = arith.addf %mul3A_660, %mul3A_661 : vector<16xf32>
      %mul3A_663 = arith.constant 16 : i32
      %mul3A_664 = arith.muli %scan3A_645, %mul3A_663 : i32
      %swap3A = arith.constant 8 : i32
      %swap3A_665 = arith.index_cast %swap3A : i32 to index
      %swap3A_666 = arith.index_cast %mul3A_664 : i32 to index
      %swap3A_667 = tpu.vector_load %arg8[%swap3A_665, %swap3A_666] {strides = array<i32>} : memref<32x1024xf32, #tpu.memory_space<vmem>>, vector<1x16xf32>,
      %swap3A_668 = vector.shape_cast %swap3A_667 : vector<1x16xf32> to vector<16xf32>
      %swap3A_669 = vector.shape_cast %add3A_662 : vector<16xf32> to vector<1x16xf32>
      tpu.vector_store %arg8[%swap3A_665, %swap3A_666], %swap3A_669 {strides = array<i32>} : memref<32x1024xf32, #tpu.memory_space<vmem>>, vector<1x16xf32>,
    }
    %scan3A_182 = arith.constant 64 : i32
    %get3A_183 = arith.constant 9 : i32
    %get3A_184 = arith.constant 0 : i32
    %get3A_185 = arith.index_cast %get3A_183 : i32 to index
    %get3A_186 = arith.index_cast %get3A_184 : i32 to index
    %get3A_187 = arith.constant 0 : index
    %get3A_188 = tpu.vector_load %arg9[%get3A_185, %get3A_186, %get3A_187] {strides = array<i32>} : memref<32x2x16xf32, #tpu.memory_space<vmem>>, vector<1x1x16xf32>,
    %get3A_189 = vector.shape_cast %get3A_188 : vector<1x1x16xf32> to vector<16xf32>
    %get3A_190 = arith.constant 9 : i32
    %get3A_191 = arith.constant 1 : i32
    %get3A_192 = arith.index_cast %get3A_190 : i32 to index
    %get3A_193 = arith.index_cast %get3A_191 : i32 to index
    %get3A_194 = arith.constant 0 : index
    %get3A_195 = tpu.vector_load %arg9[%get3A_192, %get3A_193, %get3A_194] {strides = array<i32>} : memref<32x2x16xf32, #tpu.memory_space<vmem>>, vector<1x1x16xf32>,
    %get3A_196 = vector.shape_cast %get3A_195 : vector<1x1x16xf32> to vector<16xf32>
    %scan3A_197 = arith.constant 0 : i32
    %scan3A_198 = arith.constant 0 : i32
    %scan3A_199 = arith.constant 64 : i32
    %scan3A_200 = arith.addi %scan3A_198, %scan3A_199 : i32
    %scan3A_201 = arith.constant 1 : i32
    scf.for %scan3A_645 = %scan3A_198 to %scan3A_200 step %scan3A_201  : i32 {
      %mul3A_646 = arith.constant 16 : i32
      %mul3A_647 = arith.muli %scan3A_645, %mul3A_646 : i32
      %get3A_648 = arith.constant 18 : i32
      %get3A_649 = arith.index_cast %get3A_648 : i32 to index
      %get3A_650 = arith.index_cast %mul3A_647 : i32 to index
      %get3A_651 = tpu.vector_load %arg7[%get3A_649, %get3A_650] {strides = array<i32>} : memref<64x1024xf32, #tpu.memory_space<vmem>>, vector<1x16xf32>,
      %get3A_652 = vector.shape_cast %get3A_651 : vector<1x16xf32> to vector<16xf32>
      %mul3A_653 = arith.constant 16 : i32
      %mul3A_654 = arith.muli %scan3A_645, %mul3A_653 : i32
      %get3A_655 = arith.constant 19 : i32
      %get3A_656 = arith.index_cast %get3A_655 : i32 to index
      %get3A_657 = arith.index_cast %mul3A_654 : i32 to index
      %get3A_658 = tpu.vector_load %arg7[%get3A_656, %get3A_657] {strides = array<i32>} : memref<64x1024xf32, #tpu.memory_space<vmem>>, vector<1x16xf32>,
      %get3A_659 = vector.shape_cast %get3A_658 : vector<1x16xf32> to vector<16xf32>
      %mul3A_660 = arith.mulf %get3A_189, %get3A_652 : vector<16xf32>
      %mul3A_661 = arith.mulf %get3A_196, %get3A_659 : vector<16xf32>
      %add3A_662 = arith.addf %mul3A_660, %mul3A_661 : vector<16xf32>
      %mul3A_663 = arith.constant 16 : i32
      %mul3A_664 = arith.muli %scan3A_645, %mul3A_663 : i32
      %swap3A = arith.constant 9 : i32
      %swap3A_665 = arith.index_cast %swap3A : i32 to index
      %swap3A_666 = arith.index_cast %mul3A_664 : i32 to index
      %swap3A_667 = tpu.vector_load %arg8[%swap3A_665, %swap3A_666] {strides = array<i32>} : memref<32x1024xf32, #tpu.memory_space<vmem>>, vector<1x16xf32>,
      %swap3A_668 = vector.shape_cast %swap3A_667 : vector<1x16xf32> to vector<16xf32>
      %swap3A_669 = vector.shape_cast %add3A_662 : vector<16xf32> to vector<1x16xf32>
      tpu.vector_store %arg8[%swap3A_665, %swap3A_666], %swap3A_669 {strides = array<i32>} : memref<32x1024xf32, #tpu.memory_space<vmem>>, vector<1x16xf32>,
    }
    %scan3A_202 = arith.constant 64 : i32
    %get3A_203 = arith.constant 10 : i32
    %get3A_204 = arith.constant 0 : i32
    %get3A_205 = arith.index_cast %get3A_203 : i32 to index
    %get3A_206 = arith.index_cast %get3A_204 : i32 to index
    %get3A_207 = arith.constant 0 : index
    %get3A_208 = tpu.vector_load %arg9[%get3A_205, %get3A_206, %get3A_207] {strides = array<i32>} : memref<32x2x16xf32, #tpu.memory_space<vmem>>, vector<1x1x16xf32>,
    %get3A_209 = vector.shape_cast %get3A_208 : vector<1x1x16xf32> to vector<16xf32>
    %get3A_210 = arith.constant 10 : i32
    %get3A_211 = arith.constant 1 : i32
    %get3A_212 = arith.index_cast %get3A_210 : i32 to index
    %get3A_213 = arith.index_cast %get3A_211 : i32 to index
    %get3A_214 = arith.constant 0 : index
    %get3A_215 = tpu.vector_load %arg9[%get3A_212, %get3A_213, %get3A_214] {strides = array<i32>} : memref<32x2x16xf32, #tpu.memory_space<vmem>>, vector<1x1x16xf32>,
    %get3A_216 = vector.shape_cast %get3A_215 : vector<1x1x16xf32> to vector<16xf32>
    %scan3A_217 = arith.constant 0 : i32
    %scan3A_218 = arith.constant 0 : i32
    %scan3A_219 = arith.constant 64 : i32
    %scan3A_220 = arith.addi %scan3A_218, %scan3A_219 : i32
    %scan3A_221 = arith.constant 1 : i32
    scf.for %scan3A_645 = %scan3A_218 to %scan3A_220 step %scan3A_221  : i32 {
      %mul3A_646 = arith.constant 16 : i32
      %mul3A_647 = arith.muli %scan3A_645, %mul3A_646 : i32
      %get3A_648 = arith.constant 20 : i32
      %get3A_649 = arith.index_cast %get3A_648 : i32 to index
      %get3A_650 = arith.index_cast %mul3A_647 : i32 to index
      %get3A_651 = tpu.vector_load %arg7[%get3A_649, %get3A_650] {strides = array<i32>} : memref<64x1024xf32, #tpu.memory_space<vmem>>, vector<1x16xf32>,
      %get3A_652 = vector.shape_cast %get3A_651 : vector<1x16xf32> to vector<16xf32>
      %mul3A_653 = arith.constant 16 : i32
      %mul3A_654 = arith.muli %scan3A_645, %mul3A_653 : i32
      %get3A_655 = arith.constant 21 : i32
      %get3A_656 = arith.index_cast %get3A_655 : i32 to index
      %get3A_657 = arith.index_cast %mul3A_654 : i32 to index
      %get3A_658 = tpu.vector_load %arg7[%get3A_656, %get3A_657] {strides = array<i32>} : memref<64x1024xf32, #tpu.memory_space<vmem>>, vector<1x16xf32>,
      %get3A_659 = vector.shape_cast %get3A_658 : vector<1x16xf32> to vector<16xf32>
      %mul3A_660 = arith.mulf %get3A_209, %get3A_652 : vector<16xf32>
      %mul3A_661 = arith.mulf %get3A_216, %get3A_659 : vector<16xf32>
      %add3A_662 = arith.addf %mul3A_660, %mul3A_661 : vector<16xf32>
      %mul3A_663 = arith.constant 16 : i32
      %mul3A_664 = arith.muli %scan3A_645, %mul3A_663 : i32
      %swap3A = arith.constant 10 : i32
      %swap3A_665 = arith.index_cast %swap3A : i32 to index
      %swap3A_666 = arith.index_cast %mul3A_664 : i32 to index
      %swap3A_667 = tpu.vector_load %arg8[%swap3A_665, %swap3A_666] {strides = array<i32>} : memref<32x1024xf32, #tpu.memory_space<vmem>>, vector<1x16xf32>,
      %swap3A_668 = vector.shape_cast %swap3A_667 : vector<1x16xf32> to vector<16xf32>
      %swap3A_669 = vector.shape_cast %add3A_662 : vector<16xf32> to vector<1x16xf32>
      tpu.vector_store %arg8[%swap3A_665, %swap3A_666], %swap3A_669 {strides = array<i32>} : memref<32x1024xf32, #tpu.memory_space<vmem>>, vector<1x16xf32>,
    }
    %scan3A_222 = arith.constant 64 : i32
    %get3A_223 = arith.constant 11 : i32
    %get3A_224 = arith.constant 0 : i32
    %get3A_225 = arith.index_cast %get3A_223 : i32 to index
    %get3A_226 = arith.index_cast %get3A_224 : i32 to index
    %get3A_227 = arith.constant 0 : index
    %get3A_228 = tpu.vector_load %arg9[%get3A_225, %get3A_226, %get3A_227] {strides = array<i32>} : memref<32x2x16xf32, #tpu.memory_space<vmem>>, vector<1x1x16xf32>,
    %get3A_229 = vector.shape_cast %get3A_228 : vector<1x1x16xf32> to vector<16xf32>
    %get3A_230 = arith.constant 11 : i32
    %get3A_231 = arith.constant 1 : i32
    %get3A_232 = arith.index_cast %get3A_230 : i32 to index
    %get3A_233 = arith.index_cast %get3A_231 : i32 to index
    %get3A_234 = arith.constant 0 : index
    %get3A_235 = tpu.vector_load %arg9[%get3A_232, %get3A_233, %get3A_234] {strides = array<i32>} : memref<32x2x16xf32, #tpu.memory_space<vmem>>, vector<1x1x16xf32>,
    %get3A_236 = vector.shape_cast %get3A_235 : vector<1x1x16xf32> to vector<16xf32>
    %scan3A_237 = arith.constant 0 : i32
    %scan3A_238 = arith.constant 0 : i32
    %scan3A_239 = arith.constant 64 : i32
    %scan3A_240 = arith.addi %scan3A_238, %scan3A_239 : i32
    %scan3A_241 = arith.constant 1 : i32
    scf.for %scan3A_645 = %scan3A_238 to %scan3A_240 step %scan3A_241  : i32 {
      %mul3A_646 = arith.constant 16 : i32
      %mul3A_647 = arith.muli %scan3A_645, %mul3A_646 : i32
      %get3A_648 = arith.constant 22 : i32
      %get3A_649 = arith.index_cast %get3A_648 : i32 to index
      %get3A_650 = arith.index_cast %mul3A_647 : i32 to index
      %get3A_651 = tpu.vector_load %arg7[%get3A_649, %get3A_650] {strides = array<i32>} : memref<64x1024xf32, #tpu.memory_space<vmem>>, vector<1x16xf32>,
      %get3A_652 = vector.shape_cast %get3A_651 : vector<1x16xf32> to vector<16xf32>
      %mul3A_653 = arith.constant 16 : i32
      %mul3A_654 = arith.muli %scan3A_645, %mul3A_653 : i32
      %get3A_655 = arith.constant 23 : i32
      %get3A_656 = arith.index_cast %get3A_655 : i32 to index
      %get3A_657 = arith.index_cast %mul3A_654 : i32 to index
      %get3A_658 = tpu.vector_load %arg7[%get3A_656, %get3A_657] {strides = array<i32>} : memref<64x1024xf32, #tpu.memory_space<vmem>>, vector<1x16xf32>,
      %get3A_659 = vector.shape_cast %get3A_658 : vector<1x16xf32> to vector<16xf32>
      %mul3A_660 = arith.mulf %get3A_229, %get3A_652 : vector<16xf32>
      %mul3A_661 = arith.mulf %get3A_236, %get3A_659 : vector<16xf32>
      %add3A_662 = arith.addf %mul3A_660, %mul3A_661 : vector<16xf32>
      %mul3A_663 = arith.constant 16 : i32
      %mul3A_664 = arith.muli %scan3A_645, %mul3A_663 : i32
      %swap3A = arith.constant 11 : i32
      %swap3A_665 = arith.index_cast %swap3A : i32 to index
      %swap3A_666 = arith.index_cast %mul3A_664 : i32 to index
      %swap3A_667 = tpu.vector_load %arg8[%swap3A_665, %swap3A_666] {strides = array<i32>} : memref<32x1024xf32, #tpu.memory_space<vmem>>, vector<1x16xf32>,
      %swap3A_668 = vector.shape_cast %swap3A_667 : vector<1x16xf32> to vector<16xf32>
      %swap3A_669 = vector.shape_cast %add3A_662 : vector<16xf32> to vector<1x16xf32>
      tpu.vector_store %arg8[%swap3A_665, %swap3A_666], %swap3A_669 {strides = array<i32>} : memref<32x1024xf32, #tpu.memory_space<vmem>>, vector<1x16xf32>,
    }
    %scan3A_242 = arith.constant 64 : i32
    %get3A_243 = arith.constant 12 : i32
    %get3A_244 = arith.constant 0 : i32
    %get3A_245 = arith.index_cast %get3A_243 : i32 to index
    %get3A_246 = arith.index_cast %get3A_244 : i32 to index
    %get3A_247 = arith.constant 0 : index
    %get3A_248 = tpu.vector_load %arg9[%get3A_245, %get3A_246, %get3A_247] {strides = array<i32>} : memref<32x2x16xf32, #tpu.memory_space<vmem>>, vector<1x1x16xf32>,
    %get3A_249 = vector.shape_cast %get3A_248 : vector<1x1x16xf32> to vector<16xf32>
    %get3A_250 = arith.constant 12 : i32
    %get3A_251 = arith.constant 1 : i32
    %get3A_252 = arith.index_cast %get3A_250 : i32 to index
    %get3A_253 = arith.index_cast %get3A_251 : i32 to index
    %get3A_254 = arith.constant 0 : index
    %get3A_255 = tpu.vector_load %arg9[%get3A_252, %get3A_253, %get3A_254] {strides = array<i32>} : memref<32x2x16xf32, #tpu.memory_space<vmem>>, vector<1x1x16xf32>,
    %get3A_256 = vector.shape_cast %get3A_255 : vector<1x1x16xf32> to vector<16xf32>
    %scan3A_257 = arith.constant 0 : i32
    %scan3A_258 = arith.constant 0 : i32
    %scan3A_259 = arith.constant 64 : i32
    %scan3A_260 = arith.addi %scan3A_258, %scan3A_259 : i32
    %scan3A_261 = arith.constant 1 : i32
    scf.for %scan3A_645 = %scan3A_258 to %scan3A_260 step %scan3A_261  : i32 {
      %mul3A_646 = arith.constant 16 : i32
      %mul3A_647 = arith.muli %scan3A_645, %mul3A_646 : i32
      %get3A_648 = arith.constant 24 : i32
      %get3A_649 = arith.index_cast %get3A_648 : i32 to index
      %get3A_650 = arith.index_cast %mul3A_647 : i32 to index
      %get3A_651 = tpu.vector_load %arg7[%get3A_649, %get3A_650] {strides = array<i32>} : memref<64x1024xf32, #tpu.memory_space<vmem>>, vector<1x16xf32>,
      %get3A_652 = vector.shape_cast %get3A_651 : vector<1x16xf32> to vector<16xf32>
      %mul3A_653 = arith.constant 16 : i32
      %mul3A_654 = arith.muli %scan3A_645, %mul3A_653 : i32
      %get3A_655 = arith.constant 25 : i32
      %get3A_656 = arith.index_cast %get3A_655 : i32 to index
      %get3A_657 = arith.index_cast %mul3A_654 : i32 to index
      %get3A_658 = tpu.vector_load %arg7[%get3A_656, %get3A_657] {strides = array<i32>} : memref<64x1024xf32, #tpu.memory_space<vmem>>, vector<1x16xf32>,
      %get3A_659 = vector.shape_cast %get3A_658 : vector<1x16xf32> to vector<16xf32>
      %mul3A_660 = arith.mulf %get3A_249, %get3A_652 : vector<16xf32>
      %mul3A_661 = arith.mulf %get3A_256, %get3A_659 : vector<16xf32>
      %add3A_662 = arith.addf %mul3A_660, %mul3A_661 : vector<16xf32>
      %mul3A_663 = arith.constant 16 : i32
      %mul3A_664 = arith.muli %scan3A_645, %mul3A_663 : i32
      %swap3A = arith.constant 12 : i32
      %swap3A_665 = arith.index_cast %swap3A : i32 to index
      %swap3A_666 = arith.index_cast %mul3A_664 : i32 to index
      %swap3A_667 = tpu.vector_load %arg8[%swap3A_665, %swap3A_666] {strides = array<i32>} : memref<32x1024xf32, #tpu.memory_space<vmem>>, vector<1x16xf32>,
      %swap3A_668 = vector.shape_cast %swap3A_667 : vector<1x16xf32> to vector<16xf32>
      %swap3A_669 = vector.shape_cast %add3A_662 : vector<16xf32> to vector<1x16xf32>
      tpu.vector_store %arg8[%swap3A_665, %swap3A_666], %swap3A_669 {strides = array<i32>} : memref<32x1024xf32, #tpu.memory_space<vmem>>, vector<1x16xf32>,
    }
    %scan3A_262 = arith.constant 64 : i32
    %get3A_263 = arith.constant 13 : i32
    %get3A_264 = arith.constant 0 : i32
    %get3A_265 = arith.index_cast %get3A_263 : i32 to index
    %get3A_266 = arith.index_cast %get3A_264 : i32 to index
    %get3A_267 = arith.constant 0 : index
    %get3A_268 = tpu.vector_load %arg9[%get3A_265, %get3A_266, %get3A_267] {strides = array<i32>} : memref<32x2x16xf32, #tpu.memory_space<vmem>>, vector<1x1x16xf32>,
    %get3A_269 = vector.shape_cast %get3A_268 : vector<1x1x16xf32> to vector<16xf32>
    %get3A_270 = arith.constant 13 : i32
    %get3A_271 = arith.constant 1 : i32
    %get3A_272 = arith.index_cast %get3A_270 : i32 to index
    %get3A_273 = arith.index_cast %get3A_271 : i32 to index
    %get3A_274 = arith.constant 0 : index
    %get3A_275 = tpu.vector_load %arg9[%get3A_272, %get3A_273, %get3A_274] {strides = array<i32>} : memref<32x2x16xf32, #tpu.memory_space<vmem>>, vector<1x1x16xf32>,
    %get3A_276 = vector.shape_cast %get3A_275 : vector<1x1x16xf32> to vector<16xf32>
    %scan3A_277 = arith.constant 0 : i32
    %scan3A_278 = arith.constant 0 : i32
    %scan3A_279 = arith.constant 64 : i32
    %scan3A_280 = arith.addi %scan3A_278, %scan3A_279 : i32
    %scan3A_281 = arith.constant 1 : i32
    scf.for %scan3A_645 = %scan3A_278 to %scan3A_280 step %scan3A_281  : i32 {
      %mul3A_646 = arith.constant 16 : i32
      %mul3A_647 = arith.muli %scan3A_645, %mul3A_646 : i32
      %get3A_648 = arith.constant 26 : i32
      %get3A_649 = arith.index_cast %get3A_648 : i32 to index
      %get3A_650 = arith.index_cast %mul3A_647 : i32 to index
      %get3A_651 = tpu.vector_load %arg7[%get3A_649, %get3A_650] {strides = array<i32>} : memref<64x1024xf32, #tpu.memory_space<vmem>>, vector<1x16xf32>,
      %get3A_652 = vector.shape_cast %get3A_651 : vector<1x16xf32> to vector<16xf32>
      %mul3A_653 = arith.constant 16 : i32
      %mul3A_654 = arith.muli %scan3A_645, %mul3A_653 : i32
      %get3A_655 = arith.constant 27 : i32
      %get3A_656 = arith.index_cast %get3A_655 : i32 to index
      %get3A_657 = arith.index_cast %mul3A_654 : i32 to index
      %get3A_658 = tpu.vector_load %arg7[%get3A_656, %get3A_657] {strides = array<i32>} : memref<64x1024xf32, #tpu.memory_space<vmem>>, vector<1x16xf32>,
      %get3A_659 = vector.shape_cast %get3A_658 : vector<1x16xf32> to vector<16xf32>
      %mul3A_660 = arith.mulf %get3A_269, %get3A_652 : vector<16xf32>
      %mul3A_661 = arith.mulf %get3A_276, %get3A_659 : vector<16xf32>
      %add3A_662 = arith.addf %mul3A_660, %mul3A_661 : vector<16xf32>
      %mul3A_663 = arith.constant 16 : i32
      %mul3A_664 = arith.muli %scan3A_645, %mul3A_663 : i32
      %swap3A = arith.constant 13 : i32
      %swap3A_665 = arith.index_cast %swap3A : i32 to index
      %swap3A_666 = arith.index_cast %mul3A_664 : i32 to index
      %swap3A_667 = tpu.vector_load %arg8[%swap3A_665, %swap3A_666] {strides = array<i32>} : memref<32x1024xf32, #tpu.memory_space<vmem>>, vector<1x16xf32>,
      %swap3A_668 = vector.shape_cast %swap3A_667 : vector<1x16xf32> to vector<16xf32>
      %swap3A_669 = vector.shape_cast %add3A_662 : vector<16xf32> to vector<1x16xf32>
      tpu.vector_store %arg8[%swap3A_665, %swap3A_666], %swap3A_669 {strides = array<i32>} : memref<32x1024xf32, #tpu.memory_space<vmem>>, vector<1x16xf32>,
    }
    %scan3A_282 = arith.constant 64 : i32
    %get3A_283 = arith.constant 14 : i32
    %get3A_284 = arith.constant 0 : i32
    %get3A_285 = arith.index_cast %get3A_283 : i32 to index
    %get3A_286 = arith.index_cast %get3A_284 : i32 to index
    %get3A_287 = arith.constant 0 : index
    %get3A_288 = tpu.vector_load %arg9[%get3A_285, %get3A_286, %get3A_287] {strides = array<i32>} : memref<32x2x16xf32, #tpu.memory_space<vmem>>, vector<1x1x16xf32>,
    %get3A_289 = vector.shape_cast %get3A_288 : vector<1x1x16xf32> to vector<16xf32>
    %get3A_290 = arith.constant 14 : i32
    %get3A_291 = arith.constant 1 : i32
    %get3A_292 = arith.index_cast %get3A_290 : i32 to index
    %get3A_293 = arith.index_cast %get3A_291 : i32 to index
    %get3A_294 = arith.constant 0 : index
    %get3A_295 = tpu.vector_load %arg9[%get3A_292, %get3A_293, %get3A_294] {strides = array<i32>} : memref<32x2x16xf32, #tpu.memory_space<vmem>>, vector<1x1x16xf32>,
    %get3A_296 = vector.shape_cast %get3A_295 : vector<1x1x16xf32> to vector<16xf32>
    %scan3A_297 = arith.constant 0 : i32
    %scan3A_298 = arith.constant 0 : i32
    %scan3A_299 = arith.constant 64 : i32
    %scan3A_300 = arith.addi %scan3A_298, %scan3A_299 : i32
    %scan3A_301 = arith.constant 1 : i32
    scf.for %scan3A_645 = %scan3A_298 to %scan3A_300 step %scan3A_301  : i32 {
      %mul3A_646 = arith.constant 16 : i32
      %mul3A_647 = arith.muli %scan3A_645, %mul3A_646 : i32
      %get3A_648 = arith.constant 28 : i32
      %get3A_649 = arith.index_cast %get3A_648 : i32 to index
      %get3A_650 = arith.index_cast %mul3A_647 : i32 to index
      %get3A_651 = tpu.vector_load %arg7[%get3A_649, %get3A_650] {strides = array<i32>} : memref<64x1024xf32, #tpu.memory_space<vmem>>, vector<1x16xf32>,
      %get3A_652 = vector.shape_cast %get3A_651 : vector<1x16xf32> to vector<16xf32>
      %mul3A_653 = arith.constant 16 : i32
      %mul3A_654 = arith.muli %scan3A_645, %mul3A_653 : i32
      %get3A_655 = arith.constant 29 : i32
      %get3A_656 = arith.index_cast %get3A_655 : i32 to index
      %get3A_657 = arith.index_cast %mul3A_654 : i32 to index
      %get3A_658 = tpu.vector_load %arg7[%get3A_656, %get3A_657] {strides = array<i32>} : memref<64x1024xf32, #tpu.memory_space<vmem>>, vector<1x16xf32>,
      %get3A_659 = vector.shape_cast %get3A_658 : vector<1x16xf32> to vector<16xf32>
      %mul3A_660 = arith.mulf %get3A_289, %get3A_652 : vector<16xf32>
      %mul3A_661 = arith.mulf %get3A_296, %get3A_659 : vector<16xf32>
      %add3A_662 = arith.addf %mul3A_660, %mul3A_661 : vector<16xf32>
      %mul3A_663 = arith.constant 16 : i32
      %mul3A_664 = arith.muli %scan3A_645, %mul3A_663 : i32
      %swap3A = arith.constant 14 : i32
      %swap3A_665 = arith.index_cast %swap3A : i32 to index
      %swap3A_666 = arith.index_cast %mul3A_664 : i32 to index
      %swap3A_667 = tpu.vector_load %arg8[%swap3A_665, %swap3A_666] {strides = array<i32>} : memref<32x1024xf32, #tpu.memory_space<vmem>>, vector<1x16xf32>,
      %swap3A_668 = vector.shape_cast %swap3A_667 : vector<1x16xf32> to vector<16xf32>
      %swap3A_669 = vector.shape_cast %add3A_662 : vector<16xf32> to vector<1x16xf32>
      tpu.vector_store %arg8[%swap3A_665, %swap3A_666], %swap3A_669 {strides = array<i32>} : memref<32x1024xf32, #tpu.memory_space<vmem>>, vector<1x16xf32>,
    }
    %scan3A_302 = arith.constant 64 : i32
    %get3A_303 = arith.constant 15 : i32
    %get3A_304 = arith.constant 0 : i32
    %get3A_305 = arith.index_cast %get3A_303 : i32 to index
    %get3A_306 = arith.index_cast %get3A_304 : i32 to index
    %get3A_307 = arith.constant 0 : index
    %get3A_308 = tpu.vector_load %arg9[%get3A_305, %get3A_306, %get3A_307] {strides = array<i32>} : memref<32x2x16xf32, #tpu.memory_space<vmem>>, vector<1x1x16xf32>,
    %get3A_309 = vector.shape_cast %get3A_308 : vector<1x1x16xf32> to vector<16xf32>
    %get3A_310 = arith.constant 15 : i32
    %get3A_311 = arith.constant 1 : i32
    %get3A_312 = arith.index_cast %get3A_310 : i32 to index
    %get3A_313 = arith.index_cast %get3A_311 : i32 to index
    %get3A_314 = arith.constant 0 : index
    %get3A_315 = tpu.vector_load %arg9[%get3A_312, %get3A_313, %get3A_314] {strides = array<i32>} : memref<32x2x16xf32, #tpu.memory_space<vmem>>, vector<1x1x16xf32>,
    %get3A_316 = vector.shape_cast %get3A_315 : vector<1x1x16xf32> to vector<16xf32>
    %scan3A_317 = arith.constant 0 : i32
    %scan3A_318 = arith.constant 0 : i32
    %scan3A_319 = arith.constant 64 : i32
    %scan3A_320 = arith.addi %scan3A_318, %scan3A_319 : i32
    %scan3A_321 = arith.constant 1 : i32
    scf.for %scan3A_645 = %scan3A_318 to %scan3A_320 step %scan3A_321  : i32 {
      %mul3A_646 = arith.constant 16 : i32
      %mul3A_647 = arith.muli %scan3A_645, %mul3A_646 : i32
      %get3A_648 = arith.constant 30 : i32
      %get3A_649 = arith.index_cast %get3A_648 : i32 to index
      %get3A_650 = arith.index_cast %mul3A_647 : i32 to index
      %get3A_651 = tpu.vector_load %arg7[%get3A_649, %get3A_650] {strides = array<i32>} : memref<64x1024xf32, #tpu.memory_space<vmem>>, vector<1x16xf32>,
      %get3A_652 = vector.shape_cast %get3A_651 : vector<1x16xf32> to vector<16xf32>
      %mul3A_653 = arith.constant 16 : i32
      %mul3A_654 = arith.muli %scan3A_645, %mul3A_653 : i32
      %get3A_655 = arith.constant 31 : i32
      %get3A_656 = arith.index_cast %get3A_655 : i32 to index
      %get3A_657 = arith.index_cast %mul3A_654 : i32 to index
      %get3A_658 = tpu.vector_load %arg7[%get3A_656, %get3A_657] {strides = array<i32>} : memref<64x1024xf32, #tpu.memory_space<vmem>>, vector<1x16xf32>,
      %get3A_659 = vector.shape_cast %get3A_658 : vector<1x16xf32> to vector<16xf32>
      %mul3A_660 = arith.mulf %get3A_309, %get3A_652 : vector<16xf32>
      %mul3A_661 = arith.mulf %get3A_316, %get3A_659 : vector<16xf32>
      %add3A_662 = arith.addf %mul3A_660, %mul3A_661 : vector<16xf32>
      %mul3A_663 = arith.constant 16 : i32
      %mul3A_664 = arith.muli %scan3A_645, %mul3A_663 : i32
      %swap3A = arith.constant 15 : i32
      %swap3A_665 = arith.index_cast %swap3A : i32 to index
      %swap3A_666 = arith.index_cast %mul3A_664 : i32 to index
      %swap3A_667 = tpu.vector_load %arg8[%swap3A_665, %swap3A_666] {strides = array<i32>} : memref<32x1024xf32, #tpu.memory_space<vmem>>, vector<1x16xf32>,
      %swap3A_668 = vector.shape_cast %swap3A_667 : vector<1x16xf32> to vector<16xf32>
      %swap3A_669 = vector.shape_cast %add3A_662 : vector<16xf32> to vector<1x16xf32>
      tpu.vector_store %arg8[%swap3A_665, %swap3A_666], %swap3A_669 {strides = array<i32>} : memref<32x1024xf32, #tpu.memory_space<vmem>>, vector<1x16xf32>,
    }
    %scan3A_322 = arith.constant 64 : i32
    %get3A_323 = arith.constant 16 : i32
    %get3A_324 = arith.constant 0 : i32
    %get3A_325 = arith.index_cast %get3A_323 : i32 to index
    %get3A_326 = arith.index_cast %get3A_324 : i32 to index
    %get3A_327 = arith.constant 0 : index
    %get3A_328 = tpu.vector_load %arg9[%get3A_325, %get3A_326, %get3A_327] {strides = array<i32>} : memref<32x2x16xf32, #tpu.memory_space<vmem>>, vector<1x1x16xf32>,
    %get3A_329 = vector.shape_cast %get3A_328 : vector<1x1x16xf32> to vector<16xf32>
    %get3A_330 = arith.constant 16 : i32
    %get3A_331 = arith.constant 1 : i32
    %get3A_332 = arith.index_cast %get3A_330 : i32 to index
    %get3A_333 = arith.index_cast %get3A_331 : i32 to index
    %get3A_334 = arith.constant 0 : index
    %get3A_335 = tpu.vector_load %arg9[%get3A_332, %get3A_333, %get3A_334] {strides = array<i32>} : memref<32x2x16xf32, #tpu.memory_space<vmem>>, vector<1x1x16xf32>,
    %get3A_336 = vector.shape_cast %get3A_335 : vector<1x1x16xf32> to vector<16xf32>
    %scan3A_337 = arith.constant 0 : i32
    %scan3A_338 = arith.constant 0 : i32
    %scan3A_339 = arith.constant 64 : i32
    %scan3A_340 = arith.addi %scan3A_338, %scan3A_339 : i32
    %scan3A_341 = arith.constant 1 : i32
    scf.for %scan3A_645 = %scan3A_338 to %scan3A_340 step %scan3A_341  : i32 {
      %mul3A_646 = arith.constant 16 : i32
      %mul3A_647 = arith.muli %scan3A_645, %mul3A_646 : i32
      %get3A_648 = arith.constant 32 : i32
      %get3A_649 = arith.index_cast %get3A_648 : i32 to index
      %get3A_650 = arith.index_cast %mul3A_647 : i32 to index
      %get3A_651 = tpu.vector_load %arg7[%get3A_649, %get3A_650] {strides = array<i32>} : memref<64x1024xf32, #tpu.memory_space<vmem>>, vector<1x16xf32>,
      %get3A_652 = vector.shape_cast %get3A_651 : vector<1x16xf32> to vector<16xf32>
      %mul3A_653 = arith.constant 16 : i32
      %mul3A_654 = arith.muli %scan3A_645, %mul3A_653 : i32
      %get3A_655 = arith.constant 33 : i32
      %get3A_656 = arith.index_cast %get3A_655 : i32 to index
      %get3A_657 = arith.index_cast %mul3A_654 : i32 to index
      %get3A_658 = tpu.vector_load %arg7[%get3A_656, %get3A_657] {strides = array<i32>} : memref<64x1024xf32, #tpu.memory_space<vmem>>, vector<1x16xf32>,
      %get3A_659 = vector.shape_cast %get3A_658 : vector<1x16xf32> to vector<16xf32>
      %mul3A_660 = arith.mulf %get3A_329, %get3A_652 : vector<16xf32>
      %mul3A_661 = arith.mulf %get3A_336, %get3A_659 : vector<16xf32>
      %add3A_662 = arith.addf %mul3A_660, %mul3A_661 : vector<16xf32>
      %mul3A_663 = arith.constant 16 : i32
      %mul3A_664 = arith.muli %scan3A_645, %mul3A_663 : i32
      %swap3A = arith.constant 16 : i32
      %swap3A_665 = arith.index_cast %swap3A : i32 to index
      %swap3A_666 = arith.index_cast %mul3A_664 : i32 to index
      %swap3A_667 = tpu.vector_load %arg8[%swap3A_665, %swap3A_666] {strides = array<i32>} : memref<32x1024xf32, #tpu.memory_space<vmem>>, vector<1x16xf32>,
      %swap3A_668 = vector.shape_cast %swap3A_667 : vector<1x16xf32> to vector<16xf32>
      %swap3A_669 = vector.shape_cast %add3A_662 : vector<16xf32> to vector<1x16xf32>
      tpu.vector_store %arg8[%swap3A_665, %swap3A_666], %swap3A_669 {strides = array<i32>} : memref<32x1024xf32, #tpu.memory_space<vmem>>, vector<1x16xf32>,
    }
    %scan3A_342 = arith.constant 64 : i32
    %get3A_343 = arith.constant 17 : i32
    %get3A_344 = arith.constant 0 : i32
    %get3A_345 = arith.index_cast %get3A_343 : i32 to index
    %get3A_346 = arith.index_cast %get3A_344 : i32 to index
    %get3A_347 = arith.constant 0 : index
    %get3A_348 = tpu.vector_load %arg9[%get3A_345, %get3A_346, %get3A_347] {strides = array<i32>} : memref<32x2x16xf32, #tpu.memory_space<vmem>>, vector<1x1x16xf32>,
    %get3A_349 = vector.shape_cast %get3A_348 : vector<1x1x16xf32> to vector<16xf32>
    %get3A_350 = arith.constant 17 : i32
    %get3A_351 = arith.constant 1 : i32
    %get3A_352 = arith.index_cast %get3A_350 : i32 to index
    %get3A_353 = arith.index_cast %get3A_351 : i32 to index
    %get3A_354 = arith.constant 0 : index
    %get3A_355 = tpu.vector_load %arg9[%get3A_352, %get3A_353, %get3A_354] {strides = array<i32>} : memref<32x2x16xf32, #tpu.memory_space<vmem>>, vector<1x1x16xf32>,
    %get3A_356 = vector.shape_cast %get3A_355 : vector<1x1x16xf32> to vector<16xf32>
    %scan3A_357 = arith.constant 0 : i32
    %scan3A_358 = arith.constant 0 : i32
    %scan3A_359 = arith.constant 64 : i32
    %scan3A_360 = arith.addi %scan3A_358, %scan3A_359 : i32
    %scan3A_361 = arith.constant 1 : i32
    scf.for %scan3A_645 = %scan3A_358 to %scan3A_360 step %scan3A_361  : i32 {
      %mul3A_646 = arith.constant 16 : i32
      %mul3A_647 = arith.muli %scan3A_645, %mul3A_646 : i32
      %get3A_648 = arith.constant 34 : i32
      %get3A_649 = arith.index_cast %get3A_648 : i32 to index
      %get3A_650 = arith.index_cast %mul3A_647 : i32 to index
      %get3A_651 = tpu.vector_load %arg7[%get3A_649, %get3A_650] {strides = array<i32>} : memref<64x1024xf32, #tpu.memory_space<vmem>>, vector<1x16xf32>,
      %get3A_652 = vector.shape_cast %get3A_651 : vector<1x16xf32> to vector<16xf32>
      %mul3A_653 = arith.constant 16 : i32
      %mul3A_654 = arith.muli %scan3A_645, %mul3A_653 : i32
      %get3A_655 = arith.constant 35 : i32
      %get3A_656 = arith.index_cast %get3A_655 : i32 to index
      %get3A_657 = arith.index_cast %mul3A_654 : i32 to index
      %get3A_658 = tpu.vector_load %arg7[%get3A_656, %get3A_657] {strides = array<i32>} : memref<64x1024xf32, #tpu.memory_space<vmem>>, vector<1x16xf32>,
      %get3A_659 = vector.shape_cast %get3A_658 : vector<1x16xf32> to vector<16xf32>
      %mul3A_660 = arith.mulf %get3A_349, %get3A_652 : vector<16xf32>
      %mul3A_661 = arith.mulf %get3A_356, %get3A_659 : vector<16xf32>
      %add3A_662 = arith.addf %mul3A_660, %mul3A_661 : vector<16xf32>
      %mul3A_663 = arith.constant 16 : i32
      %mul3A_664 = arith.muli %scan3A_645, %mul3A_663 : i32
      %swap3A = arith.constant 17 : i32
      %swap3A_665 = arith.index_cast %swap3A : i32 to index
      %swap3A_666 = arith.index_cast %mul3A_664 : i32 to index
      %swap3A_667 = tpu.vector_load %arg8[%swap3A_665, %swap3A_666] {strides = array<i32>} : memref<32x1024xf32, #tpu.memory_space<vmem>>, vector<1x16xf32>,
      %swap3A_668 = vector.shape_cast %swap3A_667 : vector<1x16xf32> to vector<16xf32>
      %swap3A_669 = vector.shape_cast %add3A_662 : vector<16xf32> to vector<1x16xf32>
      tpu.vector_store %arg8[%swap3A_665, %swap3A_666], %swap3A_669 {strides = array<i32>} : memref<32x1024xf32, #tpu.memory_space<vmem>>, vector<1x16xf32>,
    }
    %scan3A_362 = arith.constant 64 : i32
    %get3A_363 = arith.constant 18 : i32
    %get3A_364 = arith.constant 0 : i32
    %get3A_365 = arith.index_cast %get3A_363 : i32 to index
    %get3A_366 = arith.index_cast %get3A_364 : i32 to index
    %get3A_367 = arith.constant 0 : index
    %get3A_368 = tpu.vector_load %arg9[%get3A_365, %get3A_366, %get3A_367] {strides = array<i32>} : memref<32x2x16xf32, #tpu.memory_space<vmem>>, vector<1x1x16xf32>,
    %get3A_369 = vector.shape_cast %get3A_368 : vector<1x1x16xf32> to vector<16xf32>
    %get3A_370 = arith.constant 18 : i32
    %get3A_371 = arith.constant 1 : i32
    %get3A_372 = arith.index_cast %get3A_370 : i32 to index
    %get3A_373 = arith.index_cast %get3A_371 : i32 to index
    %get3A_374 = arith.constant 0 : index
    %get3A_375 = tpu.vector_load %arg9[%get3A_372, %get3A_373, %get3A_374] {strides = array<i32>} : memref<32x2x16xf32, #tpu.memory_space<vmem>>, vector<1x1x16xf32>,
    %get3A_376 = vector.shape_cast %get3A_375 : vector<1x1x16xf32> to vector<16xf32>
    %scan3A_377 = arith.constant 0 : i32
    %scan3A_378 = arith.constant 0 : i32
    %scan3A_379 = arith.constant 64 : i32
    %scan3A_380 = arith.addi %scan3A_378, %scan3A_379 : i32
    %scan3A_381 = arith.constant 1 : i32
    scf.for %scan3A_645 = %scan3A_378 to %scan3A_380 step %scan3A_381  : i32 {
      %mul3A_646 = arith.constant 16 : i32
      %mul3A_647 = arith.muli %scan3A_645, %mul3A_646 : i32
      %get3A_648 = arith.constant 36 : i32
      %get3A_649 = arith.index_cast %get3A_648 : i32 to index
      %get3A_650 = arith.index_cast %mul3A_647 : i32 to index
      %get3A_651 = tpu.vector_load %arg7[%get3A_649, %get3A_650] {strides = array<i32>} : memref<64x1024xf32, #tpu.memory_space<vmem>>, vector<1x16xf32>,
      %get3A_652 = vector.shape_cast %get3A_651 : vector<1x16xf32> to vector<16xf32>
      %mul3A_653 = arith.constant 16 : i32
      %mul3A_654 = arith.muli %scan3A_645, %mul3A_653 : i32
      %get3A_655 = arith.constant 37 : i32
      %get3A_656 = arith.index_cast %get3A_655 : i32 to index
      %get3A_657 = arith.index_cast %mul3A_654 : i32 to index
      %get3A_658 = tpu.vector_load %arg7[%get3A_656, %get3A_657] {strides = array<i32>} : memref<64x1024xf32, #tpu.memory_space<vmem>>, vector<1x16xf32>,
      %get3A_659 = vector.shape_cast %get3A_658 : vector<1x16xf32> to vector<16xf32>
      %mul3A_660 = arith.mulf %get3A_369, %get3A_652 : vector<16xf32>
      %mul3A_661 = arith.mulf %get3A_376, %get3A_659 : vector<16xf32>
      %add3A_662 = arith.addf %mul3A_660, %mul3A_661 : vector<16xf32>
      %mul3A_663 = arith.constant 16 : i32
      %mul3A_664 = arith.muli %scan3A_645, %mul3A_663 : i32
      %swap3A = arith.constant 18 : i32
      %swap3A_665 = arith.index_cast %swap3A : i32 to index
      %swap3A_666 = arith.index_cast %mul3A_664 : i32 to index
      %swap3A_667 = tpu.vector_load %arg8[%swap3A_665, %swap3A_666] {strides = array<i32>} : memref<32x1024xf32, #tpu.memory_space<vmem>>, vector<1x16xf32>,
      %swap3A_668 = vector.shape_cast %swap3A_667 : vector<1x16xf32> to vector<16xf32>
      %swap3A_669 = vector.shape_cast %add3A_662 : vector<16xf32> to vector<1x16xf32>
      tpu.vector_store %arg8[%swap3A_665, %swap3A_666], %swap3A_669 {strides = array<i32>} : memref<32x1024xf32, #tpu.memory_space<vmem>>, vector<1x16xf32>,
    }
    %scan3A_382 = arith.constant 64 : i32
    %get3A_383 = arith.constant 19 : i32
    %get3A_384 = arith.constant 0 : i32
    %get3A_385 = arith.index_cast %get3A_383 : i32 to index
    %get3A_386 = arith.index_cast %get3A_384 : i32 to index
    %get3A_387 = arith.constant 0 : index
    %get3A_388 = tpu.vector_load %arg9[%get3A_385, %get3A_386, %get3A_387] {strides = array<i32>} : memref<32x2x16xf32, #tpu.memory_space<vmem>>, vector<1x1x16xf32>,
    %get3A_389 = vector.shape_cast %get3A_388 : vector<1x1x16xf32> to vector<16xf32>
    %get3A_390 = arith.constant 19 : i32
    %get3A_391 = arith.constant 1 : i32
    %get3A_392 = arith.index_cast %get3A_390 : i32 to index
    %get3A_393 = arith.index_cast %get3A_391 : i32 to index
    %get3A_394 = arith.constant 0 : index
    %get3A_395 = tpu.vector_load %arg9[%get3A_392, %get3A_393, %get3A_394] {strides = array<i32>} : memref<32x2x16xf32, #tpu.memory_space<vmem>>, vector<1x1x16xf32>,
    %get3A_396 = vector.shape_cast %get3A_395 : vector<1x1x16xf32> to vector<16xf32>
    %scan3A_397 = arith.constant 0 : i32
    %scan3A_398 = arith.constant 0 : i32
    %scan3A_399 = arith.constant 64 : i32
    %scan3A_400 = arith.addi %scan3A_398, %scan3A_399 : i32
    %scan3A_401 = arith.constant 1 : i32
    scf.for %scan3A_645 = %scan3A_398 to %scan3A_400 step %scan3A_401  : i32 {
      %mul3A_646 = arith.constant 16 : i32
      %mul3A_647 = arith.muli %scan3A_645, %mul3A_646 : i32
      %get3A_648 = arith.constant 38 : i32
      %get3A_649 = arith.index_cast %get3A_648 : i32 to index
      %get3A_650 = arith.index_cast %mul3A_647 : i32 to index
      %get3A_651 = tpu.vector_load %arg7[%get3A_649, %get3A_650] {strides = array<i32>} : memref<64x1024xf32, #tpu.memory_space<vmem>>, vector<1x16xf32>,
      %get3A_652 = vector.shape_cast %get3A_651 : vector<1x16xf32> to vector<16xf32>
      %mul3A_653 = arith.constant 16 : i32
      %mul3A_654 = arith.muli %scan3A_645, %mul3A_653 : i32
      %get3A_655 = arith.constant 39 : i32
      %get3A_656 = arith.index_cast %get3A_655 : i32 to index
      %get3A_657 = arith.index_cast %mul3A_654 : i32 to index
      %get3A_658 = tpu.vector_load %arg7[%get3A_656, %get3A_657] {strides = array<i32>} : memref<64x1024xf32, #tpu.memory_space<vmem>>, vector<1x16xf32>,
      %get3A_659 = vector.shape_cast %get3A_658 : vector<1x16xf32> to vector<16xf32>
      %mul3A_660 = arith.mulf %get3A_389, %get3A_652 : vector<16xf32>
      %mul3A_661 = arith.mulf %get3A_396, %get3A_659 : vector<16xf32>
      %add3A_662 = arith.addf %mul3A_660, %mul3A_661 : vector<16xf32>
      %mul3A_663 = arith.constant 16 : i32
      %mul3A_664 = arith.muli %scan3A_645, %mul3A_663 : i32
      %swap3A = arith.constant 19 : i32
      %swap3A_665 = arith.index_cast %swap3A : i32 to index
      %swap3A_666 = arith.index_cast %mul3A_664 : i32 to index
      %swap3A_667 = tpu.vector_load %arg8[%swap3A_665, %swap3A_666] {strides = array<i32>} : memref<32x1024xf32, #tpu.memory_space<vmem>>, vector<1x16xf32>,
      %swap3A_668 = vector.shape_cast %swap3A_667 : vector<1x16xf32> to vector<16xf32>
      %swap3A_669 = vector.shape_cast %add3A_662 : vector<16xf32> to vector<1x16xf32>
      tpu.vector_store %arg8[%swap3A_665, %swap3A_666], %swap3A_669 {strides = array<i32>} : memref<32x1024xf32, #tpu.memory_space<vmem>>, vector<1x16xf32>,
    }
    %scan3A_402 = arith.constant 64 : i32
    %get3A_403 = arith.constant 20 : i32
    %get3A_404 = arith.constant 0 : i32
    %get3A_405 = arith.index_cast %get3A_403 : i32 to index
    %get3A_406 = arith.index_cast %get3A_404 : i32 to index
    %get3A_407 = arith.constant 0 : index
    %get3A_408 = tpu.vector_load %arg9[%get3A_405, %get3A_406, %get3A_407] {strides = array<i32>} : memref<32x2x16xf32, #tpu.memory_space<vmem>>, vector<1x1x16xf32>,
    %get3A_409 = vector.shape_cast %get3A_408 : vector<1x1x16xf32> to vector<16xf32>
    %get3A_410 = arith.constant 20 : i32
    %get3A_411 = arith.constant 1 : i32
    %get3A_412 = arith.index_cast %get3A_410 : i32 to index
    %get3A_413 = arith.index_cast %get3A_411 : i32 to index
    %get3A_414 = arith.constant 0 : index
    %get3A_415 = tpu.vector_load %arg9[%get3A_412, %get3A_413, %get3A_414] {strides = array<i32>} : memref<32x2x16xf32, #tpu.memory_space<vmem>>, vector<1x1x16xf32>,
    %get3A_416 = vector.shape_cast %get3A_415 : vector<1x1x16xf32> to vector<16xf32>
    %scan3A_417 = arith.constant 0 : i32
    %scan3A_418 = arith.constant 0 : i32
    %scan3A_419 = arith.constant 64 : i32
    %scan3A_420 = arith.addi %scan3A_418, %scan3A_419 : i32
    %scan3A_421 = arith.constant 1 : i32
    scf.for %scan3A_645 = %scan3A_418 to %scan3A_420 step %scan3A_421  : i32 {
      %mul3A_646 = arith.constant 16 : i32
      %mul3A_647 = arith.muli %scan3A_645, %mul3A_646 : i32
      %get3A_648 = arith.constant 40 : i32
      %get3A_649 = arith.index_cast %get3A_648 : i32 to index
      %get3A_650 = arith.index_cast %mul3A_647 : i32 to index
      %get3A_651 = tpu.vector_load %arg7[%get3A_649, %get3A_650] {strides = array<i32>} : memref<64x1024xf32, #tpu.memory_space<vmem>>, vector<1x16xf32>,
      %get3A_652 = vector.shape_cast %get3A_651 : vector<1x16xf32> to vector<16xf32>
      %mul3A_653 = arith.constant 16 : i32
      %mul3A_654 = arith.muli %scan3A_645, %mul3A_653 : i32
      %get3A_655 = arith.constant 41 : i32
      %get3A_656 = arith.index_cast %get3A_655 : i32 to index
      %get3A_657 = arith.index_cast %mul3A_654 : i32 to index
      %get3A_658 = tpu.vector_load %arg7[%get3A_656, %get3A_657] {strides = array<i32>} : memref<64x1024xf32, #tpu.memory_space<vmem>>, vector<1x16xf32>,
      %get3A_659 = vector.shape_cast %get3A_658 : vector<1x16xf32> to vector<16xf32>
      %mul3A_660 = arith.mulf %get3A_409, %get3A_652 : vector<16xf32>
      %mul3A_661 = arith.mulf %get3A_416, %get3A_659 : vector<16xf32>
      %add3A_662 = arith.addf %mul3A_660, %mul3A_661 : vector<16xf32>
      %mul3A_663 = arith.constant 16 : i32
      %mul3A_664 = arith.muli %scan3A_645, %mul3A_663 : i32
      %swap3A = arith.constant 20 : i32
      %swap3A_665 = arith.index_cast %swap3A : i32 to index
      %swap3A_666 = arith.index_cast %mul3A_664 : i32 to index
      %swap3A_667 = tpu.vector_load %arg8[%swap3A_665, %swap3A_666] {strides = array<i32>} : memref<32x1024xf32, #tpu.memory_space<vmem>>, vector<1x16xf32>,
      %swap3A_668 = vector.shape_cast %swap3A_667 : vector<1x16xf32> to vector<16xf32>
      %swap3A_669 = vector.shape_cast %add3A_662 : vector<16xf32> to vector<1x16xf32>
      tpu.vector_store %arg8[%swap3A_665, %swap3A_666], %swap3A_669 {strides = array<i32>} : memref<32x1024xf32, #tpu.memory_space<vmem>>, vector<1x16xf32>,
    }
    %scan3A_422 = arith.constant 64 : i32
    %get3A_423 = arith.constant 21 : i32
    %get3A_424 = arith.constant 0 : i32
    %get3A_425 = arith.index_cast %get3A_423 : i32 to index
    %get3A_426 = arith.index_cast %get3A_424 : i32 to index
    %get3A_427 = arith.constant 0 : index
    %get3A_428 = tpu.vector_load %arg9[%get3A_425, %get3A_426, %get3A_427] {strides = array<i32>} : memref<32x2x16xf32, #tpu.memory_space<vmem>>, vector<1x1x16xf32>,
    %get3A_429 = vector.shape_cast %get3A_428 : vector<1x1x16xf32> to vector<16xf32>
    %get3A_430 = arith.constant 21 : i32
    %get3A_431 = arith.constant 1 : i32
    %get3A_432 = arith.index_cast %get3A_430 : i32 to index
    %get3A_433 = arith.index_cast %get3A_431 : i32 to index
    %get3A_434 = arith.constant 0 : index
    %get3A_435 = tpu.vector_load %arg9[%get3A_432, %get3A_433, %get3A_434] {strides = array<i32>} : memref<32x2x16xf32, #tpu.memory_space<vmem>>, vector<1x1x16xf32>,
    %get3A_436 = vector.shape_cast %get3A_435 : vector<1x1x16xf32> to vector<16xf32>
    %scan3A_437 = arith.constant 0 : i32
    %scan3A_438 = arith.constant 0 : i32
    %scan3A_439 = arith.constant 64 : i32
    %scan3A_440 = arith.addi %scan3A_438, %scan3A_439 : i32
    %scan3A_441 = arith.constant 1 : i32
    scf.for %scan3A_645 = %scan3A_438 to %scan3A_440 step %scan3A_441  : i32 {
      %mul3A_646 = arith.constant 16 : i32
      %mul3A_647 = arith.muli %scan3A_645, %mul3A_646 : i32
      %get3A_648 = arith.constant 42 : i32
      %get3A_649 = arith.index_cast %get3A_648 : i32 to index
      %get3A_650 = arith.index_cast %mul3A_647 : i32 to index
      %get3A_651 = tpu.vector_load %arg7[%get3A_649, %get3A_650] {strides = array<i32>} : memref<64x1024xf32, #tpu.memory_space<vmem>>, vector<1x16xf32>,
      %get3A_652 = vector.shape_cast %get3A_651 : vector<1x16xf32> to vector<16xf32>
      %mul3A_653 = arith.constant 16 : i32
      %mul3A_654 = arith.muli %scan3A_645, %mul3A_653 : i32
      %get3A_655 = arith.constant 43 : i32
      %get3A_656 = arith.index_cast %get3A_655 : i32 to index
      %get3A_657 = arith.index_cast %mul3A_654 : i32 to index
      %get3A_658 = tpu.vector_load %arg7[%get3A_656, %get3A_657] {strides = array<i32>} : memref<64x1024xf32, #tpu.memory_space<vmem>>, vector<1x16xf32>,
      %get3A_659 = vector.shape_cast %get3A_658 : vector<1x16xf32> to vector<16xf32>
      %mul3A_660 = arith.mulf %get3A_429, %get3A_652 : vector<16xf32>
      %mul3A_661 = arith.mulf %get3A_436, %get3A_659 : vector<16xf32>
      %add3A_662 = arith.addf %mul3A_660, %mul3A_661 : vector<16xf32>
      %mul3A_663 = arith.constant 16 : i32
      %mul3A_664 = arith.muli %scan3A_645, %mul3A_663 : i32
      %swap3A = arith.constant 21 : i32
      %swap3A_665 = arith.index_cast %swap3A : i32 to index
      %swap3A_666 = arith.index_cast %mul3A_664 : i32 to index
      %swap3A_667 = tpu.vector_load %arg8[%swap3A_665, %swap3A_666] {strides = array<i32>} : memref<32x1024xf32, #tpu.memory_space<vmem>>, vector<1x16xf32>,
      %swap3A_668 = vector.shape_cast %swap3A_667 : vector<1x16xf32> to vector<16xf32>
      %swap3A_669 = vector.shape_cast %add3A_662 : vector<16xf32> to vector<1x16xf32>
      tpu.vector_store %arg8[%swap3A_665, %swap3A_666], %swap3A_669 {strides = array<i32>} : memref<32x1024xf32, #tpu.memory_space<vmem>>, vector<1x16xf32>,
    }
    %scan3A_442 = arith.constant 64 : i32
    %get3A_443 = arith.constant 22 : i32
    %get3A_444 = arith.constant 0 : i32
    %get3A_445 = arith.index_cast %get3A_443 : i32 to index
    %get3A_446 = arith.index_cast %get3A_444 : i32 to index
    %get3A_447 = arith.constant 0 : index
    %get3A_448 = tpu.vector_load %arg9[%get3A_445, %get3A_446, %get3A_447] {strides = array<i32>} : memref<32x2x16xf32, #tpu.memory_space<vmem>>, vector<1x1x16xf32>,
    %get3A_449 = vector.shape_cast %get3A_448 : vector<1x1x16xf32> to vector<16xf32>
    %get3A_450 = arith.constant 22 : i32
    %get3A_451 = arith.constant 1 : i32
    %get3A_452 = arith.index_cast %get3A_450 : i32 to index
    %get3A_453 = arith.index_cast %get3A_451 : i32 to index
    %get3A_454 = arith.constant 0 : index
    %get3A_455 = tpu.vector_load %arg9[%get3A_452, %get3A_453, %get3A_454] {strides = array<i32>} : memref<32x2x16xf32, #tpu.memory_space<vmem>>, vector<1x1x16xf32>,
    %get3A_456 = vector.shape_cast %get3A_455 : vector<1x1x16xf32> to vector<16xf32>
    %scan3A_457 = arith.constant 0 : i32
    %scan3A_458 = arith.constant 0 : i32
    %scan3A_459 = arith.constant 64 : i32
    %scan3A_460 = arith.addi %scan3A_458, %scan3A_459 : i32
    %scan3A_461 = arith.constant 1 : i32
    scf.for %scan3A_645 = %scan3A_458 to %scan3A_460 step %scan3A_461  : i32 {
      %mul3A_646 = arith.constant 16 : i32
      %mul3A_647 = arith.muli %scan3A_645, %mul3A_646 : i32
      %get3A_648 = arith.constant 44 : i32
      %get3A_649 = arith.index_cast %get3A_648 : i32 to index
      %get3A_650 = arith.index_cast %mul3A_647 : i32 to index
      %get3A_651 = tpu.vector_load %arg7[%get3A_649, %get3A_650] {strides = array<i32>} : memref<64x1024xf32, #tpu.memory_space<vmem>>, vector<1x16xf32>,
      %get3A_652 = vector.shape_cast %get3A_651 : vector<1x16xf32> to vector<16xf32>
      %mul3A_653 = arith.constant 16 : i32
      %mul3A_654 = arith.muli %scan3A_645, %mul3A_653 : i32
      %get3A_655 = arith.constant 45 : i32
      %get3A_656 = arith.index_cast %get3A_655 : i32 to index
      %get3A_657 = arith.index_cast %mul3A_654 : i32 to index
      %get3A_658 = tpu.vector_load %arg7[%get3A_656, %get3A_657] {strides = array<i32>} : memref<64x1024xf32, #tpu.memory_space<vmem>>, vector<1x16xf32>,
      %get3A_659 = vector.shape_cast %get3A_658 : vector<1x16xf32> to vector<16xf32>
      %mul3A_660 = arith.mulf %get3A_449, %get3A_652 : vector<16xf32>
      %mul3A_661 = arith.mulf %get3A_456, %get3A_659 : vector<16xf32>
      %add3A_662 = arith.addf %mul3A_660, %mul3A_661 : vector<16xf32>
      %mul3A_663 = arith.constant 16 : i32
      %mul3A_664 = arith.muli %scan3A_645, %mul3A_663 : i32
      %swap3A = arith.constant 22 : i32
      %swap3A_665 = arith.index_cast %swap3A : i32 to index
      %swap3A_666 = arith.index_cast %mul3A_664 : i32 to index
      %swap3A_667 = tpu.vector_load %arg8[%swap3A_665, %swap3A_666] {strides = array<i32>} : memref<32x1024xf32, #tpu.memory_space<vmem>>, vector<1x16xf32>,
      %swap3A_668 = vector.shape_cast %swap3A_667 : vector<1x16xf32> to vector<16xf32>
      %swap3A_669 = vector.shape_cast %add3A_662 : vector<16xf32> to vector<1x16xf32>
      tpu.vector_store %arg8[%swap3A_665, %swap3A_666], %swap3A_669 {strides = array<i32>} : memref<32x1024xf32, #tpu.memory_space<vmem>>, vector<1x16xf32>,
    }
    %scan3A_462 = arith.constant 64 : i32
    %get3A_463 = arith.constant 23 : i32
    %get3A_464 = arith.constant 0 : i32
    %get3A_465 = arith.index_cast %get3A_463 : i32 to index
    %get3A_466 = arith.index_cast %get3A_464 : i32 to index
    %get3A_467 = arith.constant 0 : index
    %get3A_468 = tpu.vector_load %arg9[%get3A_465, %get3A_466, %get3A_467] {strides = array<i32>} : memref<32x2x16xf32, #tpu.memory_space<vmem>>, vector<1x1x16xf32>,
    %get3A_469 = vector.shape_cast %get3A_468 : vector<1x1x16xf32> to vector<16xf32>
    %get3A_470 = arith.constant 23 : i32
    %get3A_471 = arith.constant 1 : i32
    %get3A_472 = arith.index_cast %get3A_470 : i32 to index
    %get3A_473 = arith.index_cast %get3A_471 : i32 to index
    %get3A_474 = arith.constant 0 : index
    %get3A_475 = tpu.vector_load %arg9[%get3A_472, %get3A_473, %get3A_474] {strides = array<i32>} : memref<32x2x16xf32, #tpu.memory_space<vmem>>, vector<1x1x16xf32>,
    %get3A_476 = vector.shape_cast %get3A_475 : vector<1x1x16xf32> to vector<16xf32>
    %scan3A_477 = arith.constant 0 : i32
    %scan3A_478 = arith.constant 0 : i32
    %scan3A_479 = arith.constant 64 : i32
    %scan3A_480 = arith.addi %scan3A_478, %scan3A_479 : i32
    %scan3A_481 = arith.constant 1 : i32
    scf.for %scan3A_645 = %scan3A_478 to %scan3A_480 step %scan3A_481  : i32 {
      %mul3A_646 = arith.constant 16 : i32
      %mul3A_647 = arith.muli %scan3A_645, %mul3A_646 : i32
      %get3A_648 = arith.constant 46 : i32
      %get3A_649 = arith.index_cast %get3A_648 : i32 to index
      %get3A_650 = arith.index_cast %mul3A_647 : i32 to index
      %get3A_651 = tpu.vector_load %arg7[%get3A_649, %get3A_650] {strides = array<i32>} : memref<64x1024xf32, #tpu.memory_space<vmem>>, vector<1x16xf32>,
      %get3A_652 = vector.shape_cast %get3A_651 : vector<1x16xf32> to vector<16xf32>
      %mul3A_653 = arith.constant 16 : i32
      %mul3A_654 = arith.muli %scan3A_645, %mul3A_653 : i32
      %get3A_655 = arith.constant 47 : i32
      %get3A_656 = arith.index_cast %get3A_655 : i32 to index
      %get3A_657 = arith.index_cast %mul3A_654 : i32 to index
      %get3A_658 = tpu.vector_load %arg7[%get3A_656, %get3A_657] {strides = array<i32>} : memref<64x1024xf32, #tpu.memory_space<vmem>>, vector<1x16xf32>,
      %get3A_659 = vector.shape_cast %get3A_658 : vector<1x16xf32> to vector<16xf32>
      %mul3A_660 = arith.mulf %get3A_469, %get3A_652 : vector<16xf32>
      %mul3A_661 = arith.mulf %get3A_476, %get3A_659 : vector<16xf32>
      %add3A_662 = arith.addf %mul3A_660, %mul3A_661 : vector<16xf32>
      %mul3A_663 = arith.constant 16 : i32
      %mul3A_664 = arith.muli %scan3A_645, %mul3A_663 : i32
      %swap3A = arith.constant 23 : i32
      %swap3A_665 = arith.index_cast %swap3A : i32 to index
      %swap3A_666 = arith.index_cast %mul3A_664 : i32 to index
      %swap3A_667 = tpu.vector_load %arg8[%swap3A_665, %swap3A_666] {strides = array<i32>} : memref<32x1024xf32, #tpu.memory_space<vmem>>, vector<1x16xf32>,
      %swap3A_668 = vector.shape_cast %swap3A_667 : vector<1x16xf32> to vector<16xf32>
      %swap3A_669 = vector.shape_cast %add3A_662 : vector<16xf32> to vector<1x16xf32>
      tpu.vector_store %arg8[%swap3A_665, %swap3A_666], %swap3A_669 {strides = array<i32>} : memref<32x1024xf32, #tpu.memory_space<vmem>>, vector<1x16xf32>,
    }
    %scan3A_482 = arith.constant 64 : i32
    %get3A_483 = arith.constant 24 : i32
    %get3A_484 = arith.constant 0 : i32
    %get3A_485 = arith.index_cast %get3A_483 : i32 to index
    %get3A_486 = arith.index_cast %get3A_484 : i32 to index
    %get3A_487 = arith.constant 0 : index
    %get3A_488 = tpu.vector_load %arg9[%get3A_485, %get3A_486, %get3A_487] {strides = array<i32>} : memref<32x2x16xf32, #tpu.memory_space<vmem>>, vector<1x1x16xf32>,
    %get3A_489 = vector.shape_cast %get3A_488 : vector<1x1x16xf32> to vector<16xf32>
    %get3A_490 = arith.constant 24 : i32
    %get3A_491 = arith.constant 1 : i32
    %get3A_492 = arith.index_cast %get3A_490 : i32 to index
    %get3A_493 = arith.index_cast %get3A_491 : i32 to index
    %get3A_494 = arith.constant 0 : index
    %get3A_495 = tpu.vector_load %arg9[%get3A_492, %get3A_493, %get3A_494] {strides = array<i32>} : memref<32x2x16xf32, #tpu.memory_space<vmem>>, vector<1x1x16xf32>,
    %get3A_496 = vector.shape_cast %get3A_495 : vector<1x1x16xf32> to vector<16xf32>
    %scan3A_497 = arith.constant 0 : i32
    %scan3A_498 = arith.constant 0 : i32
    %scan3A_499 = arith.constant 64 : i32
    %scan3A_500 = arith.addi %scan3A_498, %scan3A_499 : i32
    %scan3A_501 = arith.constant 1 : i32
    scf.for %scan3A_645 = %scan3A_498 to %scan3A_500 step %scan3A_501  : i32 {
      %mul3A_646 = arith.constant 16 : i32
      %mul3A_647 = arith.muli %scan3A_645, %mul3A_646 : i32
      %get3A_648 = arith.constant 48 : i32
      %get3A_649 = arith.index_cast %get3A_648 : i32 to index
      %get3A_650 = arith.index_cast %mul3A_647 : i32 to index
      %get3A_651 = tpu.vector_load %arg7[%get3A_649, %get3A_650] {strides = array<i32>} : memref<64x1024xf32, #tpu.memory_space<vmem>>, vector<1x16xf32>,
      %get3A_652 = vector.shape_cast %get3A_651 : vector<1x16xf32> to vector<16xf32>
      %mul3A_653 = arith.constant 16 : i32
      %mul3A_654 = arith.muli %scan3A_645, %mul3A_653 : i32
      %get3A_655 = arith.constant 49 : i32
      %get3A_656 = arith.index_cast %get3A_655 : i32 to index
      %get3A_657 = arith.index_cast %mul3A_654 : i32 to index
      %get3A_658 = tpu.vector_load %arg7[%get3A_656, %get3A_657] {strides = array<i32>} : memref<64x1024xf32, #tpu.memory_space<vmem>>, vector<1x16xf32>,
      %get3A_659 = vector.shape_cast %get3A_658 : vector<1x16xf32> to vector<16xf32>
      %mul3A_660 = arith.mulf %get3A_489, %get3A_652 : vector<16xf32>
      %mul3A_661 = arith.mulf %get3A_496, %get3A_659 : vector<16xf32>
      %add3A_662 = arith.addf %mul3A_660, %mul3A_661 : vector<16xf32>
      %mul3A_663 = arith.constant 16 : i32
      %mul3A_664 = arith.muli %scan3A_645, %mul3A_663 : i32
      %swap3A = arith.constant 24 : i32
      %swap3A_665 = arith.index_cast %swap3A : i32 to index
      %swap3A_666 = arith.index_cast %mul3A_664 : i32 to index
      %swap3A_667 = tpu.vector_load %arg8[%swap3A_665, %swap3A_666] {strides = array<i32>} : memref<32x1024xf32, #tpu.memory_space<vmem>>, vector<1x16xf32>,
      %swap3A_668 = vector.shape_cast %swap3A_667 : vector<1x16xf32> to vector<16xf32>
      %swap3A_669 = vector.shape_cast %add3A_662 : vector<16xf32> to vector<1x16xf32>
      tpu.vector_store %arg8[%swap3A_665, %swap3A_666], %swap3A_669 {strides = array<i32>} : memref<32x1024xf32, #tpu.memory_space<vmem>>, vector<1x16xf32>,
    }
    %scan3A_502 = arith.constant 64 : i32
    %get3A_503 = arith.constant 25 : i32
    %get3A_504 = arith.constant 0 : i32
    %get3A_505 = arith.index_cast %get3A_503 : i32 to index
    %get3A_506 = arith.index_cast %get3A_504 : i32 to index
    %get3A_507 = arith.constant 0 : index
    %get3A_508 = tpu.vector_load %arg9[%get3A_505, %get3A_506, %get3A_507] {strides = array<i32>} : memref<32x2x16xf32, #tpu.memory_space<vmem>>, vector<1x1x16xf32>,
    %get3A_509 = vector.shape_cast %get3A_508 : vector<1x1x16xf32> to vector<16xf32>
    %get3A_510 = arith.constant 25 : i32
    %get3A_511 = arith.constant 1 : i32
    %get3A_512 = arith.index_cast %get3A_510 : i32 to index
    %get3A_513 = arith.index_cast %get3A_511 : i32 to index
    %get3A_514 = arith.constant 0 : index
    %get3A_515 = tpu.vector_load %arg9[%get3A_512, %get3A_513, %get3A_514] {strides = array<i32>} : memref<32x2x16xf32, #tpu.memory_space<vmem>>, vector<1x1x16xf32>,
    %get3A_516 = vector.shape_cast %get3A_515 : vector<1x1x16xf32> to vector<16xf32>
    %scan3A_517 = arith.constant 0 : i32
    %scan3A_518 = arith.constant 0 : i32
    %scan3A_519 = arith.constant 64 : i32
    %scan3A_520 = arith.addi %scan3A_518, %scan3A_519 : i32
    %scan3A_521 = arith.constant 1 : i32
    scf.for %scan3A_645 = %scan3A_518 to %scan3A_520 step %scan3A_521  : i32 {
      %mul3A_646 = arith.constant 16 : i32
      %mul3A_647 = arith.muli %scan3A_645, %mul3A_646 : i32
      %get3A_648 = arith.constant 50 : i32
      %get3A_649 = arith.index_cast %get3A_648 : i32 to index
      %get3A_650 = arith.index_cast %mul3A_647 : i32 to index
      %get3A_651 = tpu.vector_load %arg7[%get3A_649, %get3A_650] {strides = array<i32>} : memref<64x1024xf32, #tpu.memory_space<vmem>>, vector<1x16xf32>,
      %get3A_652 = vector.shape_cast %get3A_651 : vector<1x16xf32> to vector<16xf32>
      %mul3A_653 = arith.constant 16 : i32
      %mul3A_654 = arith.muli %scan3A_645, %mul3A_653 : i32
      %get3A_655 = arith.constant 51 : i32
      %get3A_656 = arith.index_cast %get3A_655 : i32 to index
      %get3A_657 = arith.index_cast %mul3A_654 : i32 to index
      %get3A_658 = tpu.vector_load %arg7[%get3A_656, %get3A_657] {strides = array<i32>} : memref<64x1024xf32, #tpu.memory_space<vmem>>, vector<1x16xf32>,
      %get3A_659 = vector.shape_cast %get3A_658 : vector<1x16xf32> to vector<16xf32>
      %mul3A_660 = arith.mulf %get3A_509, %get3A_652 : vector<16xf32>
      %mul3A_661 = arith.mulf %get3A_516, %get3A_659 : vector<16xf32>
      %add3A_662 = arith.addf %mul3A_660, %mul3A_661 : vector<16xf32>
      %mul3A_663 = arith.constant 16 : i32
      %mul3A_664 = arith.muli %scan3A_645, %mul3A_663 : i32
      %swap3A = arith.constant 25 : i32
      %swap3A_665 = arith.index_cast %swap3A : i32 to index
      %swap3A_666 = arith.index_cast %mul3A_664 : i32 to index
      %swap3A_667 = tpu.vector_load %arg8[%swap3A_665, %swap3A_666] {strides = array<i32>} : memref<32x1024xf32, #tpu.memory_space<vmem>>, vector<1x16xf32>,
      %swap3A_668 = vector.shape_cast %swap3A_667 : vector<1x16xf32> to vector<16xf32>
      %swap3A_669 = vector.shape_cast %add3A_662 : vector<16xf32> to vector<1x16xf32>
      tpu.vector_store %arg8[%swap3A_665, %swap3A_666], %swap3A_669 {strides = array<i32>} : memref<32x1024xf32, #tpu.memory_space<vmem>>, vector<1x16xf32>,
    }
    %scan3A_522 = arith.constant 64 : i32
    %get3A_523 = arith.constant 26 : i32
    %get3A_524 = arith.constant 0 : i32
    %get3A_525 = arith.index_cast %get3A_523 : i32 to index
    %get3A_526 = arith.index_cast %get3A_524 : i32 to index
    %get3A_527 = arith.constant 0 : index
    %get3A_528 = tpu.vector_load %arg9[%get3A_525, %get3A_526, %get3A_527] {strides = array<i32>} : memref<32x2x16xf32, #tpu.memory_space<vmem>>, vector<1x1x16xf32>,
    %get3A_529 = vector.shape_cast %get3A_528 : vector<1x1x16xf32> to vector<16xf32>
    %get3A_530 = arith.constant 26 : i32
    %get3A_531 = arith.constant 1 : i32
    %get3A_532 = arith.index_cast %get3A_530 : i32 to index
    %get3A_533 = arith.index_cast %get3A_531 : i32 to index
    %get3A_534 = arith.constant 0 : index
    %get3A_535 = tpu.vector_load %arg9[%get3A_532, %get3A_533, %get3A_534] {strides = array<i32>} : memref<32x2x16xf32, #tpu.memory_space<vmem>>, vector<1x1x16xf32>,
    %get3A_536 = vector.shape_cast %get3A_535 : vector<1x1x16xf32> to vector<16xf32>
    %scan3A_537 = arith.constant 0 : i32
    %scan3A_538 = arith.constant 0 : i32
    %scan3A_539 = arith.constant 64 : i32
    %scan3A_540 = arith.addi %scan3A_538, %scan3A_539 : i32
    %scan3A_541 = arith.constant 1 : i32
    scf.for %scan3A_645 = %scan3A_538 to %scan3A_540 step %scan3A_541  : i32 {
      %mul3A_646 = arith.constant 16 : i32
      %mul3A_647 = arith.muli %scan3A_645, %mul3A_646 : i32
      %get3A_648 = arith.constant 52 : i32
      %get3A_649 = arith.index_cast %get3A_648 : i32 to index
      %get3A_650 = arith.index_cast %mul3A_647 : i32 to index
      %get3A_651 = tpu.vector_load %arg7[%get3A_649, %get3A_650] {strides = array<i32>} : memref<64x1024xf32, #tpu.memory_space<vmem>>, vector<1x16xf32>,
      %get3A_652 = vector.shape_cast %get3A_651 : vector<1x16xf32> to vector<16xf32>
      %mul3A_653 = arith.constant 16 : i32
      %mul3A_654 = arith.muli %scan3A_645, %mul3A_653 : i32
      %get3A_655 = arith.constant 53 : i32
      %get3A_656 = arith.index_cast %get3A_655 : i32 to index
      %get3A_657 = arith.index_cast %mul3A_654 : i32 to index
      %get3A_658 = tpu.vector_load %arg7[%get3A_656, %get3A_657] {strides = array<i32>} : memref<64x1024xf32, #tpu.memory_space<vmem>>, vector<1x16xf32>,
      %get3A_659 = vector.shape_cast %get3A_658 : vector<1x16xf32> to vector<16xf32>
      %mul3A_660 = arith.mulf %get3A_529, %get3A_652 : vector<16xf32>
      %mul3A_661 = arith.mulf %get3A_536, %get3A_659 : vector<16xf32>
      %add3A_662 = arith.addf %mul3A_660, %mul3A_661 : vector<16xf32>
      %mul3A_663 = arith.constant 16 : i32
      %mul3A_664 = arith.muli %scan3A_645, %mul3A_663 : i32
      %swap3A = arith.constant 26 : i32
      %swap3A_665 = arith.index_cast %swap3A : i32 to index
      %swap3A_666 = arith.index_cast %mul3A_664 : i32 to index
      %swap3A_667 = tpu.vector_load %arg8[%swap3A_665, %swap3A_666] {strides = array<i32>} : memref<32x1024xf32, #tpu.memory_space<vmem>>, vector<1x16xf32>,
      %swap3A_668 = vector.shape_cast %swap3A_667 : vector<1x16xf32> to vector<16xf32>
      %swap3A_669 = vector.shape_cast %add3A_662 : vector<16xf32> to vector<1x16xf32>
      tpu.vector_store %arg8[%swap3A_665, %swap3A_666], %swap3A_669 {strides = array<i32>} : memref<32x1024xf32, #tpu.memory_space<vmem>>, vector<1x16xf32>,
    }
    %scan3A_542 = arith.constant 64 : i32
    %get3A_543 = arith.constant 27 : i32
    %get3A_544 = arith.constant 0 : i32
    %get3A_545 = arith.index_cast %get3A_543 : i32 to index
    %get3A_546 = arith.index_cast %get3A_544 : i32 to index
    %get3A_547 = arith.constant 0 : index
    %get3A_548 = tpu.vector_load %arg9[%get3A_545, %get3A_546, %get3A_547] {strides = array<i32>} : memref<32x2x16xf32, #tpu.memory_space<vmem>>, vector<1x1x16xf32>,
    %get3A_549 = vector.shape_cast %get3A_548 : vector<1x1x16xf32> to vector<16xf32>
    %get3A_550 = arith.constant 27 : i32
    %get3A_551 = arith.constant 1 : i32
    %get3A_552 = arith.index_cast %get3A_550 : i32 to index
    %get3A_553 = arith.index_cast %get3A_551 : i32 to index
    %get3A_554 = arith.constant 0 : index
    %get3A_555 = tpu.vector_load %arg9[%get3A_552, %get3A_553, %get3A_554] {strides = array<i32>} : memref<32x2x16xf32, #tpu.memory_space<vmem>>, vector<1x1x16xf32>,
    %get3A_556 = vector.shape_cast %get3A_555 : vector<1x1x16xf32> to vector<16xf32>
    %scan3A_557 = arith.constant 0 : i32
    %scan3A_558 = arith.constant 0 : i32
    %scan3A_559 = arith.constant 64 : i32
    %scan3A_560 = arith.addi %scan3A_558, %scan3A_559 : i32
    %scan3A_561 = arith.constant 1 : i32
    scf.for %scan3A_645 = %scan3A_558 to %scan3A_560 step %scan3A_561  : i32 {
      %mul3A_646 = arith.constant 16 : i32
      %mul3A_647 = arith.muli %scan3A_645, %mul3A_646 : i32
      %get3A_648 = arith.constant 54 : i32
      %get3A_649 = arith.index_cast %get3A_648 : i32 to index
      %get3A_650 = arith.index_cast %mul3A_647 : i32 to index
      %get3A_651 = tpu.vector_load %arg7[%get3A_649, %get3A_650] {strides = array<i32>} : memref<64x1024xf32, #tpu.memory_space<vmem>>, vector<1x16xf32>,
      %get3A_652 = vector.shape_cast %get3A_651 : vector<1x16xf32> to vector<16xf32>
      %mul3A_653 = arith.constant 16 : i32
      %mul3A_654 = arith.muli %scan3A_645, %mul3A_653 : i32
      %get3A_655 = arith.constant 55 : i32
      %get3A_656 = arith.index_cast %get3A_655 : i32 to index
      %get3A_657 = arith.index_cast %mul3A_654 : i32 to index
      %get3A_658 = tpu.vector_load %arg7[%get3A_656, %get3A_657] {strides = array<i32>} : memref<64x1024xf32, #tpu.memory_space<vmem>>, vector<1x16xf32>,
      %get3A_659 = vector.shape_cast %get3A_658 : vector<1x16xf32> to vector<16xf32>
      %mul3A_660 = arith.mulf %get3A_549, %get3A_652 : vector<16xf32>
      %mul3A_661 = arith.mulf %get3A_556, %get3A_659 : vector<16xf32>
      %add3A_662 = arith.addf %mul3A_660, %mul3A_661 : vector<16xf32>
      %mul3A_663 = arith.constant 16 : i32
      %mul3A_664 = arith.muli %scan3A_645, %mul3A_663 : i32
      %swap3A = arith.constant 27 : i32
      %swap3A_665 = arith.index_cast %swap3A : i32 to index
      %swap3A_666 = arith.index_cast %mul3A_664 : i32 to index
      %swap3A_667 = tpu.vector_load %arg8[%swap3A_665, %swap3A_666] {strides = array<i32>} : memref<32x1024xf32, #tpu.memory_space<vmem>>, vector<1x16xf32>,
      %swap3A_668 = vector.shape_cast %swap3A_667 : vector<1x16xf32> to vector<16xf32>
      %swap3A_669 = vector.shape_cast %add3A_662 : vector<16xf32> to vector<1x16xf32>
      tpu.vector_store %arg8[%swap3A_665, %swap3A_666], %swap3A_669 {strides = array<i32>} : memref<32x1024xf32, #tpu.memory_space<vmem>>, vector<1x16xf32>,
    }
    %scan3A_562 = arith.constant 64 : i32
    %get3A_563 = arith.constant 28 : i32
    %get3A_564 = arith.constant 0 : i32
    %get3A_565 = arith.index_cast %get3A_563 : i32 to index
    %get3A_566 = arith.index_cast %get3A_564 : i32 to index
    %get3A_567 = arith.constant 0 : index
    %get3A_568 = tpu.vector_load %arg9[%get3A_565, %get3A_566, %get3A_567] {strides = array<i32>} : memref<32x2x16xf32, #tpu.memory_space<vmem>>, vector<1x1x16xf32>,
    %get3A_569 = vector.shape_cast %get3A_568 : vector<1x1x16xf32> to vector<16xf32>
    %get3A_570 = arith.constant 28 : i32
    %get3A_571 = arith.constant 1 : i32
    %get3A_572 = arith.index_cast %get3A_570 : i32 to index
    %get3A_573 = arith.index_cast %get3A_571 : i32 to index
    %get3A_574 = arith.constant 0 : index
    %get3A_575 = tpu.vector_load %arg9[%get3A_572, %get3A_573, %get3A_574] {strides = array<i32>} : memref<32x2x16xf32, #tpu.memory_space<vmem>>, vector<1x1x16xf32>,
    %get3A_576 = vector.shape_cast %get3A_575 : vector<1x1x16xf32> to vector<16xf32>
    %scan3A_577 = arith.constant 0 : i32
    %scan3A_578 = arith.constant 0 : i32
    %scan3A_579 = arith.constant 64 : i32
    %scan3A_580 = arith.addi %scan3A_578, %scan3A_579 : i32
    %scan3A_581 = arith.constant 1 : i32
    scf.for %scan3A_645 = %scan3A_578 to %scan3A_580 step %scan3A_581  : i32 {
      %mul3A_646 = arith.constant 16 : i32
      %mul3A_647 = arith.muli %scan3A_645, %mul3A_646 : i32
      %get3A_648 = arith.constant 56 : i32
      %get3A_649 = arith.index_cast %get3A_648 : i32 to index
      %get3A_650 = arith.index_cast %mul3A_647 : i32 to index
      %get3A_651 = tpu.vector_load %arg7[%get3A_649, %get3A_650] {strides = array<i32>} : memref<64x1024xf32, #tpu.memory_space<vmem>>, vector<1x16xf32>,
      %get3A_652 = vector.shape_cast %get3A_651 : vector<1x16xf32> to vector<16xf32>
      %mul3A_653 = arith.constant 16 : i32
      %mul3A_654 = arith.muli %scan3A_645, %mul3A_653 : i32
      %get3A_655 = arith.constant 57 : i32
      %get3A_656 = arith.index_cast %get3A_655 : i32 to index
      %get3A_657 = arith.index_cast %mul3A_654 : i32 to index
      %get3A_658 = tpu.vector_load %arg7[%get3A_656, %get3A_657] {strides = array<i32>} : memref<64x1024xf32, #tpu.memory_space<vmem>>, vector<1x16xf32>,
      %get3A_659 = vector.shape_cast %get3A_658 : vector<1x16xf32> to vector<16xf32>
      %mul3A_660 = arith.mulf %get3A_569, %get3A_652 : vector<16xf32>
      %mul3A_661 = arith.mulf %get3A_576, %get3A_659 : vector<16xf32>
      %add3A_662 = arith.addf %mul3A_660, %mul3A_661 : vector<16xf32>
      %mul3A_663 = arith.constant 16 : i32
      %mul3A_664 = arith.muli %scan3A_645, %mul3A_663 : i32
      %swap3A = arith.constant 28 : i32
      %swap3A_665 = arith.index_cast %swap3A : i32 to index
      %swap3A_666 = arith.index_cast %mul3A_664 : i32 to index
      %swap3A_667 = tpu.vector_load %arg8[%swap3A_665, %swap3A_666] {strides = array<i32>} : memref<32x1024xf32, #tpu.memory_space<vmem>>, vector<1x16xf32>,
      %swap3A_668 = vector.shape_cast %swap3A_667 : vector<1x16xf32> to vector<16xf32>
      %swap3A_669 = vector.shape_cast %add3A_662 : vector<16xf32> to vector<1x16xf32>
      tpu.vector_store %arg8[%swap3A_665, %swap3A_666], %swap3A_669 {strides = array<i32>} : memref<32x1024xf32, #tpu.memory_space<vmem>>, vector<1x16xf32>,
    }
    %scan3A_582 = arith.constant 64 : i32
    %get3A_583 = arith.constant 29 : i32
    %get3A_584 = arith.constant 0 : i32
    %get3A_585 = arith.index_cast %get3A_583 : i32 to index
    %get3A_586 = arith.index_cast %get3A_584 : i32 to index
    %get3A_587 = arith.constant 0 : index
    %get3A_588 = tpu.vector_load %arg9[%get3A_585, %get3A_586, %get3A_587] {strides = array<i32>} : memref<32x2x16xf32, #tpu.memory_space<vmem>>, vector<1x1x16xf32>,
    %get3A_589 = vector.shape_cast %get3A_588 : vector<1x1x16xf32> to vector<16xf32>
    %get3A_590 = arith.constant 29 : i32
    %get3A_591 = arith.constant 1 : i32
    %get3A_592 = arith.index_cast %get3A_590 : i32 to index
    %get3A_593 = arith.index_cast %get3A_591 : i32 to index
    %get3A_594 = arith.constant 0 : index
    %get3A_595 = tpu.vector_load %arg9[%get3A_592, %get3A_593, %get3A_594] {strides = array<i32>} : memref<32x2x16xf32, #tpu.memory_space<vmem>>, vector<1x1x16xf32>,
    %get3A_596 = vector.shape_cast %get3A_595 : vector<1x1x16xf32> to vector<16xf32>
    %scan3A_597 = arith.constant 0 : i32
    %scan3A_598 = arith.constant 0 : i32
    %scan3A_599 = arith.constant 64 : i32
    %scan3A_600 = arith.addi %scan3A_598, %scan3A_599 : i32
    %scan3A_601 = arith.constant 1 : i32
    scf.for %scan3A_645 = %scan3A_598 to %scan3A_600 step %scan3A_601  : i32 {
      %mul3A_646 = arith.constant 16 : i32
      %mul3A_647 = arith.muli %scan3A_645, %mul3A_646 : i32
      %get3A_648 = arith.constant 58 : i32
      %get3A_649 = arith.index_cast %get3A_648 : i32 to index
      %get3A_650 = arith.index_cast %mul3A_647 : i32 to index
      %get3A_651 = tpu.vector_load %arg7[%get3A_649, %get3A_650] {strides = array<i32>} : memref<64x1024xf32, #tpu.memory_space<vmem>>, vector<1x16xf32>,
      %get3A_652 = vector.shape_cast %get3A_651 : vector<1x16xf32> to vector<16xf32>
      %mul3A_653 = arith.constant 16 : i32
      %mul3A_654 = arith.muli %scan3A_645, %mul3A_653 : i32
      %get3A_655 = arith.constant 59 : i32
      %get3A_656 = arith.index_cast %get3A_655 : i32 to index
      %get3A_657 = arith.index_cast %mul3A_654 : i32 to index
      %get3A_658 = tpu.vector_load %arg7[%get3A_656, %get3A_657] {strides = array<i32>} : memref<64x1024xf32, #tpu.memory_space<vmem>>, vector<1x16xf32>,
      %get3A_659 = vector.shape_cast %get3A_658 : vector<1x16xf32> to vector<16xf32>
      %mul3A_660 = arith.mulf %get3A_589, %get3A_652 : vector<16xf32>
      %mul3A_661 = arith.mulf %get3A_596, %get3A_659 : vector<16xf32>
      %add3A_662 = arith.addf %mul3A_660, %mul3A_661 : vector<16xf32>
      %mul3A_663 = arith.constant 16 : i32
      %mul3A_664 = arith.muli %scan3A_645, %mul3A_663 : i32
      %swap3A = arith.constant 29 : i32
      %swap3A_665 = arith.index_cast %swap3A : i32 to index
      %swap3A_666 = arith.index_cast %mul3A_664 : i32 to index
      %swap3A_667 = tpu.vector_load %arg8[%swap3A_665, %swap3A_666] {strides = array<i32>} : memref<32x1024xf32, #tpu.memory_space<vmem>>, vector<1x16xf32>,
      %swap3A_668 = vector.shape_cast %swap3A_667 : vector<1x16xf32> to vector<16xf32>
      %swap3A_669 = vector.shape_cast %add3A_662 : vector<16xf32> to vector<1x16xf32>
      tpu.vector_store %arg8[%swap3A_665, %swap3A_666], %swap3A_669 {strides = array<i32>} : memref<32x1024xf32, #tpu.memory_space<vmem>>, vector<1x16xf32>,
    }
    %scan3A_602 = arith.constant 64 : i32
    %get3A_603 = arith.constant 30 : i32
    %get3A_604 = arith.constant 0 : i32
    %get3A_605 = arith.index_cast %get3A_603 : i32 to index
    %get3A_606 = arith.index_cast %get3A_604 : i32 to index
    %get3A_607 = arith.constant 0 : index
    %get3A_608 = tpu.vector_load %arg9[%get3A_605, %get3A_606, %get3A_607] {strides = array<i32>} : memref<32x2x16xf32, #tpu.memory_space<vmem>>, vector<1x1x16xf32>,
    %get3A_609 = vector.shape_cast %get3A_608 : vector<1x1x16xf32> to vector<16xf32>
    %get3A_610 = arith.constant 30 : i32
    %get3A_611 = arith.constant 1 : i32
    %get3A_612 = arith.index_cast %get3A_610 : i32 to index
    %get3A_613 = arith.index_cast %get3A_611 : i32 to index
    %get3A_614 = arith.constant 0 : index
    %get3A_615 = tpu.vector_load %arg9[%get3A_612, %get3A_613, %get3A_614] {strides = array<i32>} : memref<32x2x16xf32, #tpu.memory_space<vmem>>, vector<1x1x16xf32>,
    %get3A_616 = vector.shape_cast %get3A_615 : vector<1x1x16xf32> to vector<16xf32>
    %scan3A_617 = arith.constant 0 : i32
    %scan3A_618 = arith.constant 0 : i32
    %scan3A_619 = arith.constant 64 : i32
    %scan3A_620 = arith.addi %scan3A_618, %scan3A_619 : i32
    %scan3A_621 = arith.constant 1 : i32
    scf.for %scan3A_645 = %scan3A_618 to %scan3A_620 step %scan3A_621  : i32 {
      %mul3A_646 = arith.constant 16 : i32
      %mul3A_647 = arith.muli %scan3A_645, %mul3A_646 : i32
      %get3A_648 = arith.constant 60 : i32
      %get3A_649 = arith.index_cast %get3A_648 : i32 to index
      %get3A_650 = arith.index_cast %mul3A_647 : i32 to index
      %get3A_651 = tpu.vector_load %arg7[%get3A_649, %get3A_650] {strides = array<i32>} : memref<64x1024xf32, #tpu.memory_space<vmem>>, vector<1x16xf32>,
      %get3A_652 = vector.shape_cast %get3A_651 : vector<1x16xf32> to vector<16xf32>
      %mul3A_653 = arith.constant 16 : i32
      %mul3A_654 = arith.muli %scan3A_645, %mul3A_653 : i32
      %get3A_655 = arith.constant 61 : i32
      %get3A_656 = arith.index_cast %get3A_655 : i32 to index
      %get3A_657 = arith.index_cast %mul3A_654 : i32 to index
      %get3A_658 = tpu.vector_load %arg7[%get3A_656, %get3A_657] {strides = array<i32>} : memref<64x1024xf32, #tpu.memory_space<vmem>>, vector<1x16xf32>,
      %get3A_659 = vector.shape_cast %get3A_658 : vector<1x16xf32> to vector<16xf32>
      %mul3A_660 = arith.mulf %get3A_609, %get3A_652 : vector<16xf32>
      %mul3A_661 = arith.mulf %get3A_616, %get3A_659 : vector<16xf32>
      %add3A_662 = arith.addf %mul3A_660, %mul3A_661 : vector<16xf32>
      %mul3A_663 = arith.constant 16 : i32
      %mul3A_664 = arith.muli %scan3A_645, %mul3A_663 : i32
      %swap3A = arith.constant 30 : i32
      %swap3A_665 = arith.index_cast %swap3A : i32 to index
      %swap3A_666 = arith.index_cast %mul3A_664 : i32 to index
      %swap3A_667 = tpu.vector_load %arg8[%swap3A_665, %swap3A_666] {strides = array<i32>} : memref<32x1024xf32, #tpu.memory_space<vmem>>, vector<1x16xf32>,
      %swap3A_668 = vector.shape_cast %swap3A_667 : vector<1x16xf32> to vector<16xf32>
      %swap3A_669 = vector.shape_cast %add3A_662 : vector<16xf32> to vector<1x16xf32>
      tpu.vector_store %arg8[%swap3A_665, %swap3A_666], %swap3A_669 {strides = array<i32>} : memref<32x1024xf32, #tpu.memory_space<vmem>>, vector<1x16xf32>,
    }
    %scan3A_622 = arith.constant 64 : i32
    %get3A_623 = arith.constant 31 : i32
    %get3A_624 = arith.constant 0 : i32
    %get3A_625 = arith.index_cast %get3A_623 : i32 to index
    %get3A_626 = arith.index_cast %get3A_624 : i32 to index
    %get3A_627 = arith.constant 0 : index
    %get3A_628 = tpu.vector_load %arg9[%get3A_625, %get3A_626, %get3A_627] {strides = array<i32>} : memref<32x2x16xf32, #tpu.memory_space<vmem>>, vector<1x1x16xf32>,
    %get3A_629 = vector.shape_cast %get3A_628 : vector<1x1x16xf32> to vector<16xf32>
    %get3A_630 = arith.constant 31 : i32
    %get3A_631 = arith.constant 1 : i32
    %get3A_632 = arith.index_cast %get3A_630 : i32 to index
    %get3A_633 = arith.index_cast %get3A_631 : i32 to index
    %get3A_634 = arith.constant 0 : index
    %get3A_635 = tpu.vector_load %arg9[%get3A_632, %get3A_633, %get3A_634] {strides = array<i32>} : memref<32x2x16xf32, #tpu.memory_space<vmem>>, vector<1x1x16xf32>,
    %get3A_636 = vector.shape_cast %get3A_635 : vector<1x1x16xf32> to vector<16xf32>
    %scan3A_637 = arith.constant 0 : i32
    %scan3A_638 = arith.constant 0 : i32
    %scan3A_639 = arith.constant 64 : i32
    %scan3A_640 = arith.addi %scan3A_638, %scan3A_639 : i32
    %scan3A_641 = arith.constant 1 : i32
    scf.for %scan3A_645 = %scan3A_638 to %scan3A_640 step %scan3A_641  : i32 {
      %mul3A_646 = arith.constant 16 : i32
      %mul3A_647 = arith.muli %scan3A_645, %mul3A_646 : i32
      %get3A_648 = arith.constant 62 : i32
      %get3A_649 = arith.index_cast %get3A_648 : i32 to index
      %get3A_650 = arith.index_cast %mul3A_647 : i32 to index
      %get3A_651 = tpu.vector_load %arg7[%get3A_649, %get3A_650] {strides = array<i32>} : memref<64x1024xf32, #tpu.memory_space<vmem>>, vector<1x16xf32>,
      %get3A_652 = vector.shape_cast %get3A_651 : vector<1x16xf32> to vector<16xf32>
      %mul3A_653 = arith.constant 16 : i32
      %mul3A_654 = arith.muli %scan3A_645, %mul3A_653 : i32
      %get3A_655 = arith.constant 63 : i32
      %get3A_656 = arith.index_cast %get3A_655 : i32 to index
      %get3A_657 = arith.index_cast %mul3A_654 : i32 to index
      %get3A_658 = tpu.vector_load %arg7[%get3A_656, %get3A_657] {strides = array<i32>} : memref<64x1024xf32, #tpu.memory_space<vmem>>, vector<1x16xf32>,
      %get3A_659 = vector.shape_cast %get3A_658 : vector<1x16xf32> to vector<16xf32>
      %mul3A_660 = arith.mulf %get3A_629, %get3A_652 : vector<16xf32>
      %mul3A_661 = arith.mulf %get3A_636, %get3A_659 : vector<16xf32>
      %add3A_662 = arith.addf %mul3A_660, %mul3A_661 : vector<16xf32>
      %mul3A_663 = arith.constant 16 : i32
      %mul3A_664 = arith.muli %scan3A_645, %mul3A_663 : i32
      %swap3A = arith.constant 31 : i32
      %swap3A_665 = arith.index_cast %swap3A : i32 to index
      %swap3A_666 = arith.index_cast %mul3A_664 : i32 to index
      %swap3A_667 = tpu.vector_load %arg8[%swap3A_665, %swap3A_666] {strides = array<i32>} : memref<32x1024xf32, #tpu.memory_space<vmem>>, vector<1x16xf32>,
      %swap3A_668 = vector.shape_cast %swap3A_667 : vector<1x16xf32> to vector<16xf32>
      %swap3A_669 = vector.shape_cast %add3A_662 : vector<16xf32> to vector<1x16xf32>
      tpu.vector_store %arg8[%swap3A_665, %swap3A_666], %swap3A_669 {strides = array<i32>} : memref<32x1024xf32, #tpu.memory_space<vmem>>, vector<1x16xf32>,
    }
    %scan3A_642 = arith.constant 64 : i32
    %mul3A_643 = arith.constant 32 : i32
    %mul3A_644 = arith.muli %add3A, %mul3A_643 : i32
    "tpu.region"() ({
      %run_scoped3A = tpu.sem_alloc : memref<!tpu.dma_semaphore, #tpu.memory_space<semaphore_mem>>
      %dma_start3A_645 = arith.constant 0 : i32
      %dma_start3A_646 = tpu.memref_slice %arg5[%mul3A_644, %dma_start3A_645] : memref<1024x1024xf32, #tpu.memory_space<hbm>> -> memref<32x1024xf32, #tpu.memory_space<hbm>>
      %dma_start3A_647 = arith.constant 0 : i32
      %dma_start3A_648 = tpu.memref_slice %arg5[%mul3A_644, %dma_start3A_647] : memref<1024x1024xf32, #tpu.memory_space<hbm>> -> memref<32x1024xf32, #tpu.memory_space<hbm>>
      tpu.enqueue_dma source(%arg8 : memref<32x1024xf32, #tpu.memory_space<vmem>>) target(%dma_start3A_648 : memref<32x1024xf32, #tpu.memory_space<hbm>>) target_semaphore(%run_scoped3A : memref<!tpu.dma_semaphore, #tpu.memory_space<semaphore_mem>>)
      %dma_wait3A_649 = arith.constant 0 : i32
      %dma_wait3A_650 = tpu.memref_slice %arg5[%mul3A_644, %dma_wait3A_649] : memref<1024x1024xf32, #tpu.memory_space<hbm>> -> memref<32x1024xf32, #tpu.memory_space<hbm>>
      %dma_wait3A_651 = arith.constant 0 : i32
      %dma_wait3A_652 = tpu.memref_slice %arg5[%mul3A_644, %dma_wait3A_651] : memref<1024x1024xf32, #tpu.memory_space<hbm>> -> memref<32x1024xf32, #tpu.memory_space<hbm>>
      tpu.wait_dma2 semaphore(%run_scoped3A : memref<!tpu.dma_semaphore, #tpu.memory_space<semaphore_mem>>) src(%arg8 : memref<32x1024xf32, #tpu.memory_space<vmem>>) dst(%dma_wait3A_652 : memref<32x1024xf32, #tpu.memory_space<hbm>>)
      tpu.yield
    }) : () -> ()
    return
  }
}

module attributes {stable_mosaic.version = 14 : i64} {
  func.func @_ffn_kernel(%arg0: i32, %arg1: memref<32xi32, #tpu.memory_space<smem>>, %arg2: memref<32xi32, #tpu.memory_space<smem>>, %arg3: memref<16xi32, #tpu.memory_space<smem>>, %arg4: memref<2048x1024xf32, #tpu.memory_space<vmem>>, %arg5: memref<1x1024x1024xf32, #tpu.memory_space<vmem>>, %arg6: memref<1x1024x1024xf32, #tpu.memory_space<vmem>>, %arg7: memref<1x1024x1024xf32, #tpu.memory_space<vmem>>, %arg8: memref<2048x1024xf32, #tpu.memory_space<vmem>>) attributes {dimension_semantics = [#tpu.dimension_semantics<arbitrary>], iteration_bounds = array<i64: 23>, scalar_prefetch = 3 : i64, scratch_operands = 0 : i64, tpu.core_type = #tpu.core_type<tc>, window_params = [{pipeline_mode = #tpu.pipeline_mode<synchronous>, transform_indices = @transform_0, window_bounds = array<i64: 2048, 1024>}, {transform_indices = @transform_1, window_bounds = array<i64: 1, 1024, 1024>}, {transform_indices = @transform_2, window_bounds = array<i64: 1, 1024, 1024>}, {transform_indices = @transform_3, window_bounds = array<i64: 1, 1024, 1024>}, {pipeline_mode = #tpu.pipeline_mode<synchronous>, transform_indices = @transform_4, window_bounds = array<i64: 2048, 1024>}]} {
    %get3A = arith.index_cast %arg0 : i32 to index
    %get3A_0 = memref.load %arg1[%get3A] : memref<32xi32, #tpu.memory_space<smem>>
    %get3A_1 = arith.index_cast %arg0 : i32 to index
    %get3A_2 = memref.load %arg2[%get3A_1] : memref<32xi32, #tpu.memory_space<smem>>
    %get3A_3 = arith.index_cast %get3A_0 : i32 to index
    %get3A_4 = memref.load %arg3[%get3A_3] : memref<16xi32, #tpu.memory_space<smem>>
    %add3A = arith.constant 1 : i32
    %add3A_5 = arith.addi %get3A_0, %add3A : i32
    %get3A_6 = arith.index_cast %add3A_5 : i32 to index
    %get3A_7 = memref.load %arg3[%get3A_6] : memref<16xi32, #tpu.memory_space<smem>>
    %mul3A = arith.constant 128 : i32
    %mul3A_8 = arith.muli %get3A_2, %mul3A : i32
    %multiple_of3A = tpu.assume_multiple %mul3A_8, 128 : i32
    %get3A_9 = arith.index_cast %multiple_of3A : i32 to index
    %get3A_10 = arith.constant 0 : index
    %get3A_11 = vector.load %arg4[%get3A_9, %get3A_10] : memref<2048x1024xf32, #tpu.memory_space<vmem>>, vector<128x1024xf32>
    %convert_element_type3A = arith.truncf %get3A_11 : vector<128x1024xf32> to vector<128x1024xbf16>
    %get3A_12 = arith.constant 0 : index
    %get3A_13 = arith.constant 0 : index
    %get3A_14 = arith.constant 0 : index
    %get3A_15 = vector.load %arg5[%get3A_12, %get3A_13, %get3A_14] : memref<1x1024x1024xf32, #tpu.memory_space<vmem>>, vector<1x1024x1024xf32>
    %get3A_16 = vector.shape_cast %get3A_15 : vector<1x1024x1024xf32> to vector<1024x1024xf32>
    %convert_element_type3A_17 = arith.truncf %get3A_16 : vector<1024x1024xf32> to vector<1024x1024xbf16>
    %get3A_18 = arith.constant 0 : index
    %get3A_19 = arith.constant 0 : index
    %get3A_20 = arith.constant 0 : index
    %get3A_21 = vector.load %arg6[%get3A_18, %get3A_19, %get3A_20] : memref<1x1024x1024xf32, #tpu.memory_space<vmem>>, vector<1x1024x1024xf32>
    %get3A_22 = vector.shape_cast %get3A_21 : vector<1x1024x1024xf32> to vector<1024x1024xf32>
    %convert_element_type3A_23 = arith.truncf %get3A_22 : vector<1024x1024xf32> to vector<1024x1024xbf16>
    %get3A_24 = arith.constant 0 : index
    %get3A_25 = arith.constant 0 : index
    %get3A_26 = arith.constant 0 : index
    %get3A_27 = vector.load %arg7[%get3A_24, %get3A_25, %get3A_26] : memref<1x1024x1024xf32, #tpu.memory_space<vmem>>, vector<1x1024x1024xf32>
    %get3A_28 = vector.shape_cast %get3A_27 : vector<1x1024x1024xf32> to vector<1024x1024xf32>
    %convert_element_type3A_29 = arith.truncf %get3A_28 : vector<1024x1024xf32> to vector<1024x1024xbf16>
    %dot_general3A = arith.constant dense<0.000000e+00> : vector<128x1024xf32>
    %dot_general3A_30 = tpu.matmul %convert_element_type3A, %convert_element_type3A_17, %dot_general3A {dimension_numbers = #tpu.dot_dimension_numbers<[1], [1], [0], [0], [0, 0, 1, 0], [], []>, transpose_lhs_hint = false} : vector<128x1024xbf16>, vector<1024x1024xbf16>, vector<128x1024xf32> -> vector<128x1024xf32>
    %dot_general3A_31 = arith.constant dense<0.000000e+00> : vector<128x1024xf32>
    %dot_general3A_32 = tpu.matmul %convert_element_type3A, %convert_element_type3A_23, %dot_general3A_31 {dimension_numbers = #tpu.dot_dimension_numbers<[1], [1], [0], [0], [0, 0, 1, 0], [], []>, transpose_lhs_hint = false} : vector<128x1024xbf16>, vector<1024x1024xbf16>, vector<128x1024xf32> -> vector<128x1024xf32>
    %logistic3A = arith.negf %dot_general3A_30 : vector<128x1024xf32>
    %logistic3A_33 = math.exp %logistic3A : vector<128x1024xf32>
    %logistic3A_34 = arith.constant 1.000000e+00 : f32
    %logistic3A_35 = vector.broadcast %logistic3A_34 : f32 to vector<128x1024xf32>
    %logistic3A_36 = arith.addf %logistic3A_35, %logistic3A_33 : vector<128x1024xf32>
    %logistic3A_37 = arith.divf %logistic3A_35, %logistic3A_36 : vector<128x1024xf32>
    %mul3A_38 = arith.mulf %dot_general3A_30, %logistic3A_37 : vector<128x1024xf32>
    %mul3A_39 = arith.mulf %mul3A_38, %dot_general3A_32 : vector<128x1024xf32>
    %convert_element_type3A_40 = arith.truncf %mul3A_39 : vector<128x1024xf32> to vector<128x1024xbf16>
    %dot_general3A_41 = arith.constant dense<0.000000e+00> : vector<128x1024xf32>
    %dot_general3A_42 = tpu.matmul %convert_element_type3A_40, %convert_element_type3A_29, %dot_general3A_41 {dimension_numbers = #tpu.dot_dimension_numbers<[1], [1], [0], [0], [0, 0, 1, 0], [], []>, transpose_lhs_hint = false} : vector<128x1024xbf16>, vector<1024x1024xbf16>, vector<128x1024xf32> -> vector<128x1024xf32>
    %iota3A = tpu.iota {dimensions = array<i32: 0>} : vector<128x1xi32>
    %add3A_43 = vector.broadcast %multiple_of3A : i32 to vector<128x1xi32>
    %add3A_44 = arith.addi %add3A_43, %iota3A : vector<128x1xi32>
    %ge3A = vector.broadcast %get3A_4 : i32 to vector<128x1xi32>
    %ge3A_45 = arith.cmpi sge, %add3A_44, %ge3A : vector<128x1xi32>
    %lt3A = vector.broadcast %get3A_7 : i32 to vector<128x1xi32>
    %lt3A_46 = arith.cmpi slt, %add3A_44, %lt3A : vector<128x1xi32>
    %and3A = arith.andi %ge3A_45, %lt3A_46 : vector<128x1xi1>
    %jit3A = arith.constant 0.000000e+00 : f32
    %broadcast_in_dim3A = vector.shape_cast %and3A : vector<128x1xi1> to vector<128x1xi1>
    %broadcast_in_dim3A_47 = vector.broadcast %broadcast_in_dim3A : vector<128x1xi1> to vector<128x1024xi1>
    %broadcast_in_dim3A_48 = vector.broadcast %jit3A : f32 to vector<128x1024xf32>
    %select_n3A = arith.select %broadcast_in_dim3A_47, %dot_general3A_42, %broadcast_in_dim3A_48 : vector<128x1024xi1>, vector<128x1024xf32>
    %eq3A = arith.constant 0 : i32
    %eq3A_49 = arith.cmpi eq, %arg0, %eq3A : i32
    %sub3A = arith.constant 1 : i32
    %sub3A_50 = arith.subi %arg0, %sub3A : i32
    %max3A = arith.constant 0 : i32
    %max3A_51 = arith.maxsi %sub3A_50, %max3A : i32
    %get3A_52 = arith.index_cast %max3A_51 : i32 to index
    %get3A_53 = memref.load %arg2[%get3A_52] : memref<32xi32, #tpu.memory_space<smem>>
    %ne3A = arith.cmpi ne, %get3A_53, %get3A_2 : i32
    %or3A = arith.ori %eq3A_49, %ne3A : i1
    %convert_element_type3A_54 = arith.extui %or3A : i1 to i32
    %cond3A = arith.constant 0 : i32
    %cond3A_55 = arith.cmpi ne, %convert_element_type3A_54, %cond3A : i32
    scf.if %cond3A_55 {
      %swap3A = arith.index_cast %multiple_of3A : i32 to index
      %swap3A_60 = arith.constant 0 : index
      %swap3A_61 = vector.load %arg8[%swap3A, %swap3A_60] : memref<2048x1024xf32, #tpu.memory_space<vmem>>, vector<128x1024xf32>
      tpu.vector_store %arg8[%swap3A, %swap3A_60], %select_n3A {strides = array<i32>} : memref<2048x1024xf32, #tpu.memory_space<vmem>>, vector<128x1024xf32>,
    } else {
    }
    %not3A = arith.constant true
    %not3A_56 = arith.xori %or3A, %not3A : i1
    %convert_element_type3A_57 = arith.extui %not3A_56 : i1 to i32
    %cond3A_58 = arith.constant 0 : i32
    %cond3A_59 = arith.cmpi ne, %convert_element_type3A_57, %cond3A_58 : i32
    scf.if %cond3A_59 {
      %get3A_60 = arith.index_cast %multiple_of3A : i32 to index
      %get3A_61 = arith.constant 0 : index
      %get3A_62 = vector.load %arg8[%get3A_60, %get3A_61] : memref<2048x1024xf32, #tpu.memory_space<vmem>>, vector<128x1024xf32>
      %add3A_63 = arith.addf %get3A_62, %select_n3A : vector<128x1024xf32>
      %swap3A = arith.index_cast %multiple_of3A : i32 to index
      %swap3A_64 = arith.constant 0 : index
      %swap3A_65 = vector.load %arg8[%swap3A, %swap3A_64] : memref<2048x1024xf32, #tpu.memory_space<vmem>>, vector<128x1024xf32>
      tpu.vector_store %arg8[%swap3A, %swap3A_64], %add3A_63 {strides = array<i32>} : memref<2048x1024xf32, #tpu.memory_space<vmem>>, vector<128x1024xf32>,
    } else {
    }
    return
  }
  func.func @transform_0(%arg0: i32, %arg1: memref<32xi32, #tpu.memory_space<smem>>, %arg2: memref<32xi32, #tpu.memory_space<smem>>, %arg3: memref<16xi32, #tpu.memory_space<smem>>) -> (i32, i32) {
    %c0_i32 = arith.constant 0 : i32
    %c0_i32_0 = arith.constant 0 : i32
    %c0_i32_1 = arith.constant 0 : i32
    return %c0_i32, %c0_i32_0 : i32, i32
  }
  func.func @transform_1(%arg0: i32, %arg1: memref<32xi32, #tpu.memory_space<smem>>, %arg2: memref<32xi32, #tpu.memory_space<smem>>, %arg3: memref<16xi32, #tpu.memory_space<smem>>) -> (i32, i32, i32) {
    %get3A = arith.index_cast %arg0 : i32 to index
    %get3A_0 = memref.load %arg1[%get3A] : memref<32xi32, #tpu.memory_space<smem>>
    %min3A = arith.constant 7 : i32
    %min3A_1 = arith.minsi %get3A_0, %min3A : i32
    %c0_i32 = arith.constant 0 : i32
    %c0_i32_2 = arith.constant 0 : i32
    %c0_i32_3 = arith.constant 0 : i32
    return %min3A_1, %c0_i32, %c0_i32_2 : i32, i32, i32
  }
  func.func @transform_2(%arg0: i32, %arg1: memref<32xi32, #tpu.memory_space<smem>>, %arg2: memref<32xi32, #tpu.memory_space<smem>>, %arg3: memref<16xi32, #tpu.memory_space<smem>>) -> (i32, i32, i32) {
    %get3A = arith.index_cast %arg0 : i32 to index
    %get3A_0 = memref.load %arg1[%get3A] : memref<32xi32, #tpu.memory_space<smem>>
    %min3A = arith.constant 7 : i32
    %min3A_1 = arith.minsi %get3A_0, %min3A : i32
    %c1_i32 = arith.constant 1 : i32
    %c0_i32 = arith.constant 0 : i32
    %c0_i32_2 = arith.constant 0 : i32
    return %min3A_1, %c1_i32, %c0_i32 : i32, i32, i32
  }
  func.func @transform_3(%arg0: i32, %arg1: memref<32xi32, #tpu.memory_space<smem>>, %arg2: memref<32xi32, #tpu.memory_space<smem>>, %arg3: memref<16xi32, #tpu.memory_space<smem>>) -> (i32, i32, i32) {
    %get3A = arith.index_cast %arg0 : i32 to index
    %get3A_0 = memref.load %arg1[%get3A] : memref<32xi32, #tpu.memory_space<smem>>
    %min3A = arith.constant 7 : i32
    %min3A_1 = arith.minsi %get3A_0, %min3A : i32
    %c0_i32 = arith.constant 0 : i32
    %c0_i32_2 = arith.constant 0 : i32
    %c0_i32_3 = arith.constant 0 : i32
    return %min3A_1, %c0_i32, %c0_i32_2 : i32, i32, i32
  }
  func.func @transform_4(%arg0: i32, %arg1: memref<32xi32, #tpu.memory_space<smem>>, %arg2: memref<32xi32, #tpu.memory_space<smem>>, %arg3: memref<16xi32, #tpu.memory_space<smem>>) -> (i32, i32) {
    %c0_i32 = arith.constant 0 : i32
    %c0_i32_0 = arith.constant 0 : i32
    %c0_i32_1 = arith.constant 0 : i32
    return %c0_i32, %c0_i32_0 : i32, i32
  }
}

module attributes {stable_mosaic.version = 14 : i64} {
  func.func @_index_kernel(%arg0: memref<16x128xi32, #tpu.memory_space<vmem>>, %arg1: memref<16x128xi32, #tpu.memory_space<vmem>>, %arg2: memref<1x16xi32, #tpu.memory_space<vmem>>, %arg3: memref<1x32xi32, #tpu.memory_space<vmem>>, %arg4: memref<1x32xi32, #tpu.memory_space<vmem>>) attributes {dimension_semantics = [], scalar_prefetch = 0 : i64, scratch_operands = 0 : i64, tpu.core_type = #tpu.core_type<tc>} {
    %get3A = arith.constant 0 : index
    %get3A_0 = arith.constant 0 : index
    %get3A_1 = vector.load %arg0[%get3A, %get3A_0] : memref<16x128xi32, #tpu.memory_space<vmem>>, vector<16x128xi32>
    %iota3A = tpu.iota {dimensions = array<i32: 0>} : vector<128x128xi32>
    %iota3A_2 = tpu.iota {dimensions = array<i32: 1>} : vector<128x128xi32>
    %lt3A = arith.cmpi slt, %iota3A, %iota3A_2 : vector<128x128xi32>
    %convert_element_type3A = arith.extui %lt3A : vector<128x128xi1> to vector<128x128xi32>
    %convert_element_type3A_3 = arith.sitofp %convert_element_type3A : vector<128x128xi32> to vector<128x128xf32>
    %convert_element_type3A_4 = arith.truncf %convert_element_type3A_3 : vector<128x128xf32> to vector<128x128xbf16>
    %iota3A_5 = tpu.iota {dimensions = array<i32: 0>} : vector<16x16xi32>
    %iota3A_6 = tpu.iota {dimensions = array<i32: 1>} : vector<16x16xi32>
    %lt3A_7 = arith.cmpi slt, %iota3A_6, %iota3A_5 : vector<16x16xi32>
    %convert_element_type3A_8 = arith.extui %lt3A_7 : vector<16x16xi1> to vector<16x16xi32>
    %convert_element_type3A_9 = arith.sitofp %convert_element_type3A_8 : vector<16x16xi32> to vector<16x16xf32>
    %convert_element_type3A_10 = arith.truncf %convert_element_type3A_9 : vector<16x16xf32> to vector<16x16xbf16>
    %broadcast_in_dim3A = arith.constant 0.000000e+00 : f32
    %broadcast_in_dim3A_11 = vector.broadcast %broadcast_in_dim3A : f32 to vector<16x128xf32>
    %eq3A = arith.constant 0 : i32
    %eq3A_12 = vector.broadcast %eq3A : i32 to vector<16x128xi32>
    %eq3A_13 = arith.cmpi eq, %get3A_1, %eq3A_12 : vector<16x128xi32>
    %convert_element_type3A_14 = arith.extui %eq3A_13 : vector<16x128xi1> to vector<16x128xi32>
    %convert_element_type3A_15 = arith.sitofp %convert_element_type3A_14 : vector<16x128xi32> to vector<16x128xf32>
    %convert_element_type3A_16 = arith.truncf %convert_element_type3A_15 : vector<16x128xf32> to vector<16x128xbf16>
    %dot_general3A = arith.constant dense<0.000000e+00> : vector<16x128xf32>
    %dot_general3A_17 = tpu.matmul %convert_element_type3A_16, %convert_element_type3A_4, %dot_general3A {dimension_numbers = #tpu.dot_dimension_numbers<[1], [0], [0], [1], [0, 0, 1, 1], [], []>, transpose_lhs_hint = false} : vector<16x128xbf16>, vector<128x128xbf16>, vector<16x128xf32> -> vector<16x128xf32>
    %convert_element_type3A_18 = arith.extf %convert_element_type3A_16 : vector<16x128xbf16> to vector<16x128xf32>
    %reduce_sum3A = arith.constant dense<0.000000e+00> : vector<16xf32>
    %reduce_sum3A_19 = vector.multi_reduction <add>, %convert_element_type3A_18, %reduce_sum3A [1] : vector<16x128xf32> to vector<16xf32>
    %broadcast_in_dim3A_20 = vector.shape_cast %reduce_sum3A_19 : vector<16xf32> to vector<16x1xf32>
    %convert_element_type3A_21 = arith.truncf %broadcast_in_dim3A_20 : vector<16x1xf32> to vector<16x1xbf16>
    %dot_general3A_22 = arith.constant dense<0.000000e+00> : vector<16x1xf32>
    %dot_general3A_23 = tpu.matmul %convert_element_type3A_10, %convert_element_type3A_21, %dot_general3A_22 {dimension_numbers = #tpu.dot_dimension_numbers<[1], [0], [0], [1], [0, 0, 1, 1], [], []>, transpose_lhs_hint = false} : vector<16x16xbf16>, vector<16x1xbf16>, vector<16x1xf32> -> vector<16x1xf32>
    %add3A = vector.broadcast %dot_general3A_23 : vector<16x1xf32> to vector<16x128xf32>
    %add3A_24 = arith.addf %dot_general3A_17, %add3A : vector<16x128xf32>
    %eq3A_25 = arith.constant 0 : i32
    %eq3A_26 = vector.broadcast %eq3A_25 : i32 to vector<16x128xi32>
    %eq3A_27 = arith.cmpi eq, %get3A_1, %eq3A_26 : vector<16x128xi32>
    %add3A_28 = arith.constant 0.000000e+00 : f32
    %add3A_29 = vector.broadcast %add3A_28 : f32 to vector<16x128xf32>
    %add3A_30 = arith.addf %add3A_29, %add3A_24 : vector<16x128xf32>
    %jit3A = arith.constant 0.000000e+00 : f32
    %broadcast_in_dim3A_31 = vector.broadcast %jit3A : f32 to vector<16x128xf32>
    %select_n3A = arith.select %eq3A_27, %add3A_30, %broadcast_in_dim3A_31 : vector<16x128xi1>, vector<16x128xf32>
    %add3A_32 = arith.addf %broadcast_in_dim3A_11, %select_n3A : vector<16x128xf32>
    %reduce_sum3A_33 = vector.shape_cast %broadcast_in_dim3A_20 : vector<16x1xf32> to vector<1x16x1xf32>
    %reduce_sum3A_34 = arith.constant dense<0.000000e+00> : vector<1xf32>
    %reduce_sum3A_35 = vector.multi_reduction <add>, %reduce_sum3A_33, %reduce_sum3A_34 [1, 2] : vector<1x16x1xf32> to vector<1xf32>
    %reduce_sum3A_36 = vector.shape_cast %reduce_sum3A_35 : vector<1xf32> to vector<1x1x1xf32>
    %reduce_sum3A_37 = vector.extract %reduce_sum3A_36[0, 0, 0] : f32 from vector<1x1x1xf32>
    %convert_element_type3A_38 = arith.fptosi %reduce_sum3A_37 : f32 to i32
    %add3A_39 = arith.constant 0.000000e+00 : f32
    %add3A_40 = arith.addf %add3A_39, %reduce_sum3A_37 : f32
    %eq3A_41 = arith.constant 1 : i32
    %eq3A_42 = vector.broadcast %eq3A_41 : i32 to vector<16x128xi32>
    %eq3A_43 = arith.cmpi eq, %get3A_1, %eq3A_42 : vector<16x128xi32>
    %convert_element_type3A_44 = arith.extui %eq3A_43 : vector<16x128xi1> to vector<16x128xi32>
    %convert_element_type3A_45 = arith.sitofp %convert_element_type3A_44 : vector<16x128xi32> to vector<16x128xf32>
    %convert_element_type3A_46 = arith.truncf %convert_element_type3A_45 : vector<16x128xf32> to vector<16x128xbf16>
    %dot_general3A_47 = arith.constant dense<0.000000e+00> : vector<16x128xf32>
    %dot_general3A_48 = tpu.matmul %convert_element_type3A_46, %convert_element_type3A_4, %dot_general3A_47 {dimension_numbers = #tpu.dot_dimension_numbers<[1], [0], [0], [1], [0, 0, 1, 1], [], []>, transpose_lhs_hint = false} : vector<16x128xbf16>, vector<128x128xbf16>, vector<16x128xf32> -> vector<16x128xf32>
    %convert_element_type3A_49 = arith.extf %convert_element_type3A_46 : vector<16x128xbf16> to vector<16x128xf32>
    %reduce_sum3A_50 = arith.constant dense<0.000000e+00> : vector<16xf32>
    %reduce_sum3A_51 = vector.multi_reduction <add>, %convert_element_type3A_49, %reduce_sum3A_50 [1] : vector<16x128xf32> to vector<16xf32>
    %broadcast_in_dim3A_52 = vector.shape_cast %reduce_sum3A_51 : vector<16xf32> to vector<16x1xf32>
    %convert_element_type3A_53 = arith.truncf %broadcast_in_dim3A_52 : vector<16x1xf32> to vector<16x1xbf16>
    %dot_general3A_54 = arith.constant dense<0.000000e+00> : vector<16x1xf32>
    %dot_general3A_55 = tpu.matmul %convert_element_type3A_10, %convert_element_type3A_53, %dot_general3A_54 {dimension_numbers = #tpu.dot_dimension_numbers<[1], [0], [0], [1], [0, 0, 1, 1], [], []>, transpose_lhs_hint = false} : vector<16x16xbf16>, vector<16x1xbf16>, vector<16x1xf32> -> vector<16x1xf32>
    %add3A_56 = vector.broadcast %dot_general3A_55 : vector<16x1xf32> to vector<16x128xf32>
    %add3A_57 = arith.addf %dot_general3A_48, %add3A_56 : vector<16x128xf32>
    %eq3A_58 = arith.constant 1 : i32
    %eq3A_59 = vector.broadcast %eq3A_58 : i32 to vector<16x128xi32>
    %eq3A_60 = arith.cmpi eq, %get3A_1, %eq3A_59 : vector<16x128xi32>
    %add3A_61 = vector.broadcast %add3A_40 : f32 to vector<16x128xf32>
    %add3A_62 = arith.addf %add3A_61, %add3A_57 : vector<16x128xf32>
    %jit3A_63 = arith.constant 0.000000e+00 : f32
    %broadcast_in_dim3A_64 = vector.broadcast %jit3A_63 : f32 to vector<16x128xf32>
    %select_n3A_65 = arith.select %eq3A_60, %add3A_62, %broadcast_in_dim3A_64 : vector<16x128xi1>, vector<16x128xf32>
    %add3A_66 = arith.addf %add3A_32, %select_n3A_65 : vector<16x128xf32>
    %reduce_sum3A_67 = vector.shape_cast %broadcast_in_dim3A_52 : vector<16x1xf32> to vector<1x16x1xf32>
    %reduce_sum3A_68 = arith.constant dense<0.000000e+00> : vector<1xf32>
    %reduce_sum3A_69 = vector.multi_reduction <add>, %reduce_sum3A_67, %reduce_sum3A_68 [1, 2] : vector<1x16x1xf32> to vector<1xf32>
    %reduce_sum3A_70 = vector.shape_cast %reduce_sum3A_69 : vector<1xf32> to vector<1x1x1xf32>
    %reduce_sum3A_71 = vector.extract %reduce_sum3A_70[0, 0, 0] : f32 from vector<1x1x1xf32>
    %convert_element_type3A_72 = arith.fptosi %reduce_sum3A_71 : f32 to i32
    %convert_element_type3A_73 = arith.fptosi %add3A_40 : f32 to i32
    %add3A_74 = arith.addf %add3A_40, %reduce_sum3A_71 : f32
    %eq3A_75 = arith.constant 2 : i32
    %eq3A_76 = vector.broadcast %eq3A_75 : i32 to vector<16x128xi32>
    %eq3A_77 = arith.cmpi eq, %get3A_1, %eq3A_76 : vector<16x128xi32>
    %convert_element_type3A_78 = arith.extui %eq3A_77 : vector<16x128xi1> to vector<16x128xi32>
    %convert_element_type3A_79 = arith.sitofp %convert_element_type3A_78 : vector<16x128xi32> to vector<16x128xf32>
    %convert_element_type3A_80 = arith.truncf %convert_element_type3A_79 : vector<16x128xf32> to vector<16x128xbf16>
    %dot_general3A_81 = arith.constant dense<0.000000e+00> : vector<16x128xf32>
    %dot_general3A_82 = tpu.matmul %convert_element_type3A_80, %convert_element_type3A_4, %dot_general3A_81 {dimension_numbers = #tpu.dot_dimension_numbers<[1], [0], [0], [1], [0, 0, 1, 1], [], []>, transpose_lhs_hint = false} : vector<16x128xbf16>, vector<128x128xbf16>, vector<16x128xf32> -> vector<16x128xf32>
    %convert_element_type3A_83 = arith.extf %convert_element_type3A_80 : vector<16x128xbf16> to vector<16x128xf32>
    %reduce_sum3A_84 = arith.constant dense<0.000000e+00> : vector<16xf32>
    %reduce_sum3A_85 = vector.multi_reduction <add>, %convert_element_type3A_83, %reduce_sum3A_84 [1] : vector<16x128xf32> to vector<16xf32>
    %broadcast_in_dim3A_86 = vector.shape_cast %reduce_sum3A_85 : vector<16xf32> to vector<16x1xf32>
    %convert_element_type3A_87 = arith.truncf %broadcast_in_dim3A_86 : vector<16x1xf32> to vector<16x1xbf16>
    %dot_general3A_88 = arith.constant dense<0.000000e+00> : vector<16x1xf32>
    %dot_general3A_89 = tpu.matmul %convert_element_type3A_10, %convert_element_type3A_87, %dot_general3A_88 {dimension_numbers = #tpu.dot_dimension_numbers<[1], [0], [0], [1], [0, 0, 1, 1], [], []>, transpose_lhs_hint = false} : vector<16x16xbf16>, vector<16x1xbf16>, vector<16x1xf32> -> vector<16x1xf32>
    %add3A_90 = vector.broadcast %dot_general3A_89 : vector<16x1xf32> to vector<16x128xf32>
    %add3A_91 = arith.addf %dot_general3A_82, %add3A_90 : vector<16x128xf32>
    %eq3A_92 = arith.constant 2 : i32
    %eq3A_93 = vector.broadcast %eq3A_92 : i32 to vector<16x128xi32>
    %eq3A_94 = arith.cmpi eq, %get3A_1, %eq3A_93 : vector<16x128xi32>
    %add3A_95 = vector.broadcast %add3A_74 : f32 to vector<16x128xf32>
    %add3A_96 = arith.addf %add3A_95, %add3A_91 : vector<16x128xf32>
    %jit3A_97 = arith.constant 0.000000e+00 : f32
    %broadcast_in_dim3A_98 = vector.broadcast %jit3A_97 : f32 to vector<16x128xf32>
    %select_n3A_99 = arith.select %eq3A_94, %add3A_96, %broadcast_in_dim3A_98 : vector<16x128xi1>, vector<16x128xf32>
    %add3A_100 = arith.addf %add3A_66, %select_n3A_99 : vector<16x128xf32>
    %reduce_sum3A_101 = vector.shape_cast %broadcast_in_dim3A_86 : vector<16x1xf32> to vector<1x16x1xf32>
    %reduce_sum3A_102 = arith.constant dense<0.000000e+00> : vector<1xf32>
    %reduce_sum3A_103 = vector.multi_reduction <add>, %reduce_sum3A_101, %reduce_sum3A_102 [1, 2] : vector<1x16x1xf32> to vector<1xf32>
    %reduce_sum3A_104 = vector.shape_cast %reduce_sum3A_103 : vector<1xf32> to vector<1x1x1xf32>
    %reduce_sum3A_105 = vector.extract %reduce_sum3A_104[0, 0, 0] : f32 from vector<1x1x1xf32>
    %convert_element_type3A_106 = arith.fptosi %reduce_sum3A_105 : f32 to i32
    %convert_element_type3A_107 = arith.fptosi %add3A_74 : f32 to i32
    %add3A_108 = arith.addf %add3A_74, %reduce_sum3A_105 : f32
    %eq3A_109 = arith.constant 3 : i32
    %eq3A_110 = vector.broadcast %eq3A_109 : i32 to vector<16x128xi32>
    %eq3A_111 = arith.cmpi eq, %get3A_1, %eq3A_110 : vector<16x128xi32>
    %convert_element_type3A_112 = arith.extui %eq3A_111 : vector<16x128xi1> to vector<16x128xi32>
    %convert_element_type3A_113 = arith.sitofp %convert_element_type3A_112 : vector<16x128xi32> to vector<16x128xf32>
    %convert_element_type3A_114 = arith.truncf %convert_element_type3A_113 : vector<16x128xf32> to vector<16x128xbf16>
    %dot_general3A_115 = arith.constant dense<0.000000e+00> : vector<16x128xf32>
    %dot_general3A_116 = tpu.matmul %convert_element_type3A_114, %convert_element_type3A_4, %dot_general3A_115 {dimension_numbers = #tpu.dot_dimension_numbers<[1], [0], [0], [1], [0, 0, 1, 1], [], []>, transpose_lhs_hint = false} : vector<16x128xbf16>, vector<128x128xbf16>, vector<16x128xf32> -> vector<16x128xf32>
    %convert_element_type3A_117 = arith.extf %convert_element_type3A_114 : vector<16x128xbf16> to vector<16x128xf32>
    %reduce_sum3A_118 = arith.constant dense<0.000000e+00> : vector<16xf32>
    %reduce_sum3A_119 = vector.multi_reduction <add>, %convert_element_type3A_117, %reduce_sum3A_118 [1] : vector<16x128xf32> to vector<16xf32>
    %broadcast_in_dim3A_120 = vector.shape_cast %reduce_sum3A_119 : vector<16xf32> to vector<16x1xf32>
    %convert_element_type3A_121 = arith.truncf %broadcast_in_dim3A_120 : vector<16x1xf32> to vector<16x1xbf16>
    %dot_general3A_122 = arith.constant dense<0.000000e+00> : vector<16x1xf32>
    %dot_general3A_123 = tpu.matmul %convert_element_type3A_10, %convert_element_type3A_121, %dot_general3A_122 {dimension_numbers = #tpu.dot_dimension_numbers<[1], [0], [0], [1], [0, 0, 1, 1], [], []>, transpose_lhs_hint = false} : vector<16x16xbf16>, vector<16x1xbf16>, vector<16x1xf32> -> vector<16x1xf32>
    %add3A_124 = vector.broadcast %dot_general3A_123 : vector<16x1xf32> to vector<16x128xf32>
    %add3A_125 = arith.addf %dot_general3A_116, %add3A_124 : vector<16x128xf32>
    %eq3A_126 = arith.constant 3 : i32
    %eq3A_127 = vector.broadcast %eq3A_126 : i32 to vector<16x128xi32>
    %eq3A_128 = arith.cmpi eq, %get3A_1, %eq3A_127 : vector<16x128xi32>
    %add3A_129 = vector.broadcast %add3A_108 : f32 to vector<16x128xf32>
    %add3A_130 = arith.addf %add3A_129, %add3A_125 : vector<16x128xf32>
    %jit3A_131 = arith.constant 0.000000e+00 : f32
    %broadcast_in_dim3A_132 = vector.broadcast %jit3A_131 : f32 to vector<16x128xf32>
    %select_n3A_133 = arith.select %eq3A_128, %add3A_130, %broadcast_in_dim3A_132 : vector<16x128xi1>, vector<16x128xf32>
    %add3A_134 = arith.addf %add3A_100, %select_n3A_133 : vector<16x128xf32>
    %reduce_sum3A_135 = vector.shape_cast %broadcast_in_dim3A_120 : vector<16x1xf32> to vector<1x16x1xf32>
    %reduce_sum3A_136 = arith.constant dense<0.000000e+00> : vector<1xf32>
    %reduce_sum3A_137 = vector.multi_reduction <add>, %reduce_sum3A_135, %reduce_sum3A_136 [1, 2] : vector<1x16x1xf32> to vector<1xf32>
    %reduce_sum3A_138 = vector.shape_cast %reduce_sum3A_137 : vector<1xf32> to vector<1x1x1xf32>
    %reduce_sum3A_139 = vector.extract %reduce_sum3A_138[0, 0, 0] : f32 from vector<1x1x1xf32>
    %convert_element_type3A_140 = arith.fptosi %reduce_sum3A_139 : f32 to i32
    %convert_element_type3A_141 = arith.fptosi %add3A_108 : f32 to i32
    %add3A_142 = arith.addf %add3A_108, %reduce_sum3A_139 : f32
    %eq3A_143 = arith.constant 4 : i32
    %eq3A_144 = vector.broadcast %eq3A_143 : i32 to vector<16x128xi32>
    %eq3A_145 = arith.cmpi eq, %get3A_1, %eq3A_144 : vector<16x128xi32>
    %convert_element_type3A_146 = arith.extui %eq3A_145 : vector<16x128xi1> to vector<16x128xi32>
    %convert_element_type3A_147 = arith.sitofp %convert_element_type3A_146 : vector<16x128xi32> to vector<16x128xf32>
    %convert_element_type3A_148 = arith.truncf %convert_element_type3A_147 : vector<16x128xf32> to vector<16x128xbf16>
    %dot_general3A_149 = arith.constant dense<0.000000e+00> : vector<16x128xf32>
    %dot_general3A_150 = tpu.matmul %convert_element_type3A_148, %convert_element_type3A_4, %dot_general3A_149 {dimension_numbers = #tpu.dot_dimension_numbers<[1], [0], [0], [1], [0, 0, 1, 1], [], []>, transpose_lhs_hint = false} : vector<16x128xbf16>, vector<128x128xbf16>, vector<16x128xf32> -> vector<16x128xf32>
    %convert_element_type3A_151 = arith.extf %convert_element_type3A_148 : vector<16x128xbf16> to vector<16x128xf32>
    %reduce_sum3A_152 = arith.constant dense<0.000000e+00> : vector<16xf32>
    %reduce_sum3A_153 = vector.multi_reduction <add>, %convert_element_type3A_151, %reduce_sum3A_152 [1] : vector<16x128xf32> to vector<16xf32>
    %broadcast_in_dim3A_154 = vector.shape_cast %reduce_sum3A_153 : vector<16xf32> to vector<16x1xf32>
    %convert_element_type3A_155 = arith.truncf %broadcast_in_dim3A_154 : vector<16x1xf32> to vector<16x1xbf16>
    %dot_general3A_156 = arith.constant dense<0.000000e+00> : vector<16x1xf32>
    %dot_general3A_157 = tpu.matmul %convert_element_type3A_10, %convert_element_type3A_155, %dot_general3A_156 {dimension_numbers = #tpu.dot_dimension_numbers<[1], [0], [0], [1], [0, 0, 1, 1], [], []>, transpose_lhs_hint = false} : vector<16x16xbf16>, vector<16x1xbf16>, vector<16x1xf32> -> vector<16x1xf32>
    %add3A_158 = vector.broadcast %dot_general3A_157 : vector<16x1xf32> to vector<16x128xf32>
    %add3A_159 = arith.addf %dot_general3A_150, %add3A_158 : vector<16x128xf32>
    %eq3A_160 = arith.constant 4 : i32
    %eq3A_161 = vector.broadcast %eq3A_160 : i32 to vector<16x128xi32>
    %eq3A_162 = arith.cmpi eq, %get3A_1, %eq3A_161 : vector<16x128xi32>
    %add3A_163 = vector.broadcast %add3A_142 : f32 to vector<16x128xf32>
    %add3A_164 = arith.addf %add3A_163, %add3A_159 : vector<16x128xf32>
    %jit3A_165 = arith.constant 0.000000e+00 : f32
    %broadcast_in_dim3A_166 = vector.broadcast %jit3A_165 : f32 to vector<16x128xf32>
    %select_n3A_167 = arith.select %eq3A_162, %add3A_164, %broadcast_in_dim3A_166 : vector<16x128xi1>, vector<16x128xf32>
    %add3A_168 = arith.addf %add3A_134, %select_n3A_167 : vector<16x128xf32>
    %reduce_sum3A_169 = vector.shape_cast %broadcast_in_dim3A_154 : vector<16x1xf32> to vector<1x16x1xf32>
    %reduce_sum3A_170 = arith.constant dense<0.000000e+00> : vector<1xf32>
    %reduce_sum3A_171 = vector.multi_reduction <add>, %reduce_sum3A_169, %reduce_sum3A_170 [1, 2] : vector<1x16x1xf32> to vector<1xf32>
    %reduce_sum3A_172 = vector.shape_cast %reduce_sum3A_171 : vector<1xf32> to vector<1x1x1xf32>
    %reduce_sum3A_173 = vector.extract %reduce_sum3A_172[0, 0, 0] : f32 from vector<1x1x1xf32>
    %convert_element_type3A_174 = arith.fptosi %reduce_sum3A_173 : f32 to i32
    %convert_element_type3A_175 = arith.fptosi %add3A_142 : f32 to i32
    %add3A_176 = arith.addf %add3A_142, %reduce_sum3A_173 : f32
    %eq3A_177 = arith.constant 5 : i32
    %eq3A_178 = vector.broadcast %eq3A_177 : i32 to vector<16x128xi32>
    %eq3A_179 = arith.cmpi eq, %get3A_1, %eq3A_178 : vector<16x128xi32>
    %convert_element_type3A_180 = arith.extui %eq3A_179 : vector<16x128xi1> to vector<16x128xi32>
    %convert_element_type3A_181 = arith.sitofp %convert_element_type3A_180 : vector<16x128xi32> to vector<16x128xf32>
    %convert_element_type3A_182 = arith.truncf %convert_element_type3A_181 : vector<16x128xf32> to vector<16x128xbf16>
    %dot_general3A_183 = arith.constant dense<0.000000e+00> : vector<16x128xf32>
    %dot_general3A_184 = tpu.matmul %convert_element_type3A_182, %convert_element_type3A_4, %dot_general3A_183 {dimension_numbers = #tpu.dot_dimension_numbers<[1], [0], [0], [1], [0, 0, 1, 1], [], []>, transpose_lhs_hint = false} : vector<16x128xbf16>, vector<128x128xbf16>, vector<16x128xf32> -> vector<16x128xf32>
    %convert_element_type3A_185 = arith.extf %convert_element_type3A_182 : vector<16x128xbf16> to vector<16x128xf32>
    %reduce_sum3A_186 = arith.constant dense<0.000000e+00> : vector<16xf32>
    %reduce_sum3A_187 = vector.multi_reduction <add>, %convert_element_type3A_185, %reduce_sum3A_186 [1] : vector<16x128xf32> to vector<16xf32>
    %broadcast_in_dim3A_188 = vector.shape_cast %reduce_sum3A_187 : vector<16xf32> to vector<16x1xf32>
    %convert_element_type3A_189 = arith.truncf %broadcast_in_dim3A_188 : vector<16x1xf32> to vector<16x1xbf16>
    %dot_general3A_190 = arith.constant dense<0.000000e+00> : vector<16x1xf32>
    %dot_general3A_191 = tpu.matmul %convert_element_type3A_10, %convert_element_type3A_189, %dot_general3A_190 {dimension_numbers = #tpu.dot_dimension_numbers<[1], [0], [0], [1], [0, 0, 1, 1], [], []>, transpose_lhs_hint = false} : vector<16x16xbf16>, vector<16x1xbf16>, vector<16x1xf32> -> vector<16x1xf32>
    %add3A_192 = vector.broadcast %dot_general3A_191 : vector<16x1xf32> to vector<16x128xf32>
    %add3A_193 = arith.addf %dot_general3A_184, %add3A_192 : vector<16x128xf32>
    %eq3A_194 = arith.constant 5 : i32
    %eq3A_195 = vector.broadcast %eq3A_194 : i32 to vector<16x128xi32>
    %eq3A_196 = arith.cmpi eq, %get3A_1, %eq3A_195 : vector<16x128xi32>
    %add3A_197 = vector.broadcast %add3A_176 : f32 to vector<16x128xf32>
    %add3A_198 = arith.addf %add3A_197, %add3A_193 : vector<16x128xf32>
    %jit3A_199 = arith.constant 0.000000e+00 : f32
    %broadcast_in_dim3A_200 = vector.broadcast %jit3A_199 : f32 to vector<16x128xf32>
    %select_n3A_201 = arith.select %eq3A_196, %add3A_198, %broadcast_in_dim3A_200 : vector<16x128xi1>, vector<16x128xf32>
    %add3A_202 = arith.addf %add3A_168, %select_n3A_201 : vector<16x128xf32>
    %reduce_sum3A_203 = vector.shape_cast %broadcast_in_dim3A_188 : vector<16x1xf32> to vector<1x16x1xf32>
    %reduce_sum3A_204 = arith.constant dense<0.000000e+00> : vector<1xf32>
    %reduce_sum3A_205 = vector.multi_reduction <add>, %reduce_sum3A_203, %reduce_sum3A_204 [1, 2] : vector<1x16x1xf32> to vector<1xf32>
    %reduce_sum3A_206 = vector.shape_cast %reduce_sum3A_205 : vector<1xf32> to vector<1x1x1xf32>
    %reduce_sum3A_207 = vector.extract %reduce_sum3A_206[0, 0, 0] : f32 from vector<1x1x1xf32>
    %convert_element_type3A_208 = arith.fptosi %reduce_sum3A_207 : f32 to i32
    %convert_element_type3A_209 = arith.fptosi %add3A_176 : f32 to i32
    %add3A_210 = arith.addf %add3A_176, %reduce_sum3A_207 : f32
    %eq3A_211 = arith.constant 6 : i32
    %eq3A_212 = vector.broadcast %eq3A_211 : i32 to vector<16x128xi32>
    %eq3A_213 = arith.cmpi eq, %get3A_1, %eq3A_212 : vector<16x128xi32>
    %convert_element_type3A_214 = arith.extui %eq3A_213 : vector<16x128xi1> to vector<16x128xi32>
    %convert_element_type3A_215 = arith.sitofp %convert_element_type3A_214 : vector<16x128xi32> to vector<16x128xf32>
    %convert_element_type3A_216 = arith.truncf %convert_element_type3A_215 : vector<16x128xf32> to vector<16x128xbf16>
    %dot_general3A_217 = arith.constant dense<0.000000e+00> : vector<16x128xf32>
    %dot_general3A_218 = tpu.matmul %convert_element_type3A_216, %convert_element_type3A_4, %dot_general3A_217 {dimension_numbers = #tpu.dot_dimension_numbers<[1], [0], [0], [1], [0, 0, 1, 1], [], []>, transpose_lhs_hint = false} : vector<16x128xbf16>, vector<128x128xbf16>, vector<16x128xf32> -> vector<16x128xf32>
    %convert_element_type3A_219 = arith.extf %convert_element_type3A_216 : vector<16x128xbf16> to vector<16x128xf32>
    %reduce_sum3A_220 = arith.constant dense<0.000000e+00> : vector<16xf32>
    %reduce_sum3A_221 = vector.multi_reduction <add>, %convert_element_type3A_219, %reduce_sum3A_220 [1] : vector<16x128xf32> to vector<16xf32>
    %broadcast_in_dim3A_222 = vector.shape_cast %reduce_sum3A_221 : vector<16xf32> to vector<16x1xf32>
    %convert_element_type3A_223 = arith.truncf %broadcast_in_dim3A_222 : vector<16x1xf32> to vector<16x1xbf16>
    %dot_general3A_224 = arith.constant dense<0.000000e+00> : vector<16x1xf32>
    %dot_general3A_225 = tpu.matmul %convert_element_type3A_10, %convert_element_type3A_223, %dot_general3A_224 {dimension_numbers = #tpu.dot_dimension_numbers<[1], [0], [0], [1], [0, 0, 1, 1], [], []>, transpose_lhs_hint = false} : vector<16x16xbf16>, vector<16x1xbf16>, vector<16x1xf32> -> vector<16x1xf32>
    %add3A_226 = vector.broadcast %dot_general3A_225 : vector<16x1xf32> to vector<16x128xf32>
    %add3A_227 = arith.addf %dot_general3A_218, %add3A_226 : vector<16x128xf32>
    %eq3A_228 = arith.constant 6 : i32
    %eq3A_229 = vector.broadcast %eq3A_228 : i32 to vector<16x128xi32>
    %eq3A_230 = arith.cmpi eq, %get3A_1, %eq3A_229 : vector<16x128xi32>
    %add3A_231 = vector.broadcast %add3A_210 : f32 to vector<16x128xf32>
    %add3A_232 = arith.addf %add3A_231, %add3A_227 : vector<16x128xf32>
    %jit3A_233 = arith.constant 0.000000e+00 : f32
    %broadcast_in_dim3A_234 = vector.broadcast %jit3A_233 : f32 to vector<16x128xf32>
    %select_n3A_235 = arith.select %eq3A_230, %add3A_232, %broadcast_in_dim3A_234 : vector<16x128xi1>, vector<16x128xf32>
    %add3A_236 = arith.addf %add3A_202, %select_n3A_235 : vector<16x128xf32>
    %reduce_sum3A_237 = vector.shape_cast %broadcast_in_dim3A_222 : vector<16x1xf32> to vector<1x16x1xf32>
    %reduce_sum3A_238 = arith.constant dense<0.000000e+00> : vector<1xf32>
    %reduce_sum3A_239 = vector.multi_reduction <add>, %reduce_sum3A_237, %reduce_sum3A_238 [1, 2] : vector<1x16x1xf32> to vector<1xf32>
    %reduce_sum3A_240 = vector.shape_cast %reduce_sum3A_239 : vector<1xf32> to vector<1x1x1xf32>
    %reduce_sum3A_241 = vector.extract %reduce_sum3A_240[0, 0, 0] : f32 from vector<1x1x1xf32>
    %convert_element_type3A_242 = arith.fptosi %reduce_sum3A_241 : f32 to i32
    %convert_element_type3A_243 = arith.fptosi %add3A_210 : f32 to i32
    %add3A_244 = arith.addf %add3A_210, %reduce_sum3A_241 : f32
    %eq3A_245 = arith.constant 7 : i32
    %eq3A_246 = vector.broadcast %eq3A_245 : i32 to vector<16x128xi32>
    %eq3A_247 = arith.cmpi eq, %get3A_1, %eq3A_246 : vector<16x128xi32>
    %convert_element_type3A_248 = arith.extui %eq3A_247 : vector<16x128xi1> to vector<16x128xi32>
    %convert_element_type3A_249 = arith.sitofp %convert_element_type3A_248 : vector<16x128xi32> to vector<16x128xf32>
    %convert_element_type3A_250 = arith.truncf %convert_element_type3A_249 : vector<16x128xf32> to vector<16x128xbf16>
    %dot_general3A_251 = arith.constant dense<0.000000e+00> : vector<16x128xf32>
    %dot_general3A_252 = tpu.matmul %convert_element_type3A_250, %convert_element_type3A_4, %dot_general3A_251 {dimension_numbers = #tpu.dot_dimension_numbers<[1], [0], [0], [1], [0, 0, 1, 1], [], []>, transpose_lhs_hint = false} : vector<16x128xbf16>, vector<128x128xbf16>, vector<16x128xf32> -> vector<16x128xf32>
    %convert_element_type3A_253 = arith.extf %convert_element_type3A_250 : vector<16x128xbf16> to vector<16x128xf32>
    %reduce_sum3A_254 = arith.constant dense<0.000000e+00> : vector<16xf32>
    %reduce_sum3A_255 = vector.multi_reduction <add>, %convert_element_type3A_253, %reduce_sum3A_254 [1] : vector<16x128xf32> to vector<16xf32>
    %broadcast_in_dim3A_256 = vector.shape_cast %reduce_sum3A_255 : vector<16xf32> to vector<16x1xf32>
    %convert_element_type3A_257 = arith.truncf %broadcast_in_dim3A_256 : vector<16x1xf32> to vector<16x1xbf16>
    %dot_general3A_258 = arith.constant dense<0.000000e+00> : vector<16x1xf32>
    %dot_general3A_259 = tpu.matmul %convert_element_type3A_10, %convert_element_type3A_257, %dot_general3A_258 {dimension_numbers = #tpu.dot_dimension_numbers<[1], [0], [0], [1], [0, 0, 1, 1], [], []>, transpose_lhs_hint = false} : vector<16x16xbf16>, vector<16x1xbf16>, vector<16x1xf32> -> vector<16x1xf32>
    %add3A_260 = vector.broadcast %dot_general3A_259 : vector<16x1xf32> to vector<16x128xf32>
    %add3A_261 = arith.addf %dot_general3A_252, %add3A_260 : vector<16x128xf32>
    %eq3A_262 = arith.constant 7 : i32
    %eq3A_263 = vector.broadcast %eq3A_262 : i32 to vector<16x128xi32>
    %eq3A_264 = arith.cmpi eq, %get3A_1, %eq3A_263 : vector<16x128xi32>
    %add3A_265 = vector.broadcast %add3A_244 : f32 to vector<16x128xf32>
    %add3A_266 = arith.addf %add3A_265, %add3A_261 : vector<16x128xf32>
    %jit3A_267 = arith.constant 0.000000e+00 : f32
    %broadcast_in_dim3A_268 = vector.broadcast %jit3A_267 : f32 to vector<16x128xf32>
    %select_n3A_269 = arith.select %eq3A_264, %add3A_266, %broadcast_in_dim3A_268 : vector<16x128xi1>, vector<16x128xf32>
    %add3A_270 = arith.addf %add3A_236, %select_n3A_269 : vector<16x128xf32>
    %reduce_sum3A_271 = vector.shape_cast %broadcast_in_dim3A_256 : vector<16x1xf32> to vector<1x16x1xf32>
    %reduce_sum3A_272 = arith.constant dense<0.000000e+00> : vector<1xf32>
    %reduce_sum3A_273 = vector.multi_reduction <add>, %reduce_sum3A_271, %reduce_sum3A_272 [1, 2] : vector<1x16x1xf32> to vector<1xf32>
    %reduce_sum3A_274 = vector.shape_cast %reduce_sum3A_273 : vector<1xf32> to vector<1x1x1xf32>
    %reduce_sum3A_275 = vector.extract %reduce_sum3A_274[0, 0, 0] : f32 from vector<1x1x1xf32>
    %convert_element_type3A_276 = arith.fptosi %reduce_sum3A_275 : f32 to i32
    %convert_element_type3A_277 = arith.fptosi %add3A_244 : f32 to i32
    %convert_element_type3A_278 = arith.fptosi %add3A_270 : vector<16x128xf32> to vector<16x128xi32>
    %swap3A = arith.constant 0 : index
    %swap3A_279 = arith.constant 0 : index
    %swap3A_280 = vector.load %arg1[%swap3A, %swap3A_279] : memref<16x128xi32, #tpu.memory_space<vmem>>, vector<16x128xi32>
    tpu.vector_store %arg1[%swap3A, %swap3A_279], %convert_element_type3A_278 {strides = array<i32>} : memref<16x128xi32, #tpu.memory_space<vmem>>, vector<16x128xi32>,
    %iota3A_281 = tpu.iota {dimensions = array<i32: 1>} : vector<1x16xi32>
    %broadcast_in_dim3A_282 = arith.constant 0 : i32
    %broadcast_in_dim3A_283 = vector.broadcast %broadcast_in_dim3A_282 : i32 to vector<1x16xi32>
    %gt3A = arith.constant 0 : i32
    %gt3A_284 = vector.broadcast %gt3A : i32 to vector<1x16xi32>
    %gt3A_285 = arith.cmpi sgt, %iota3A_281, %gt3A_284 : vector<1x16xi32>
    %jit3A_286 = arith.constant 0 : i32
    %broadcast_in_dim3A_287 = vector.broadcast %convert_element_type3A_38 : i32 to vector<1x16xi32>
    %broadcast_in_dim3A_288 = vector.broadcast %jit3A_286 : i32 to vector<1x16xi32>
    %select_n3A_289 = arith.select %gt3A_285, %broadcast_in_dim3A_287, %broadcast_in_dim3A_288 : vector<1x16xi1>, vector<1x16xi32>
    %add3A_290 = arith.addi %broadcast_in_dim3A_283, %select_n3A_289 : vector<1x16xi32>
    %gt3A_291 = arith.constant 1 : i32
    %gt3A_292 = vector.broadcast %gt3A_291 : i32 to vector<1x16xi32>
    %gt3A_293 = arith.cmpi sgt, %iota3A_281, %gt3A_292 : vector<1x16xi32>
    %jit3A_294 = arith.constant 0 : i32
    %broadcast_in_dim3A_295 = vector.broadcast %convert_element_type3A_72 : i32 to vector<1x16xi32>
    %broadcast_in_dim3A_296 = vector.broadcast %jit3A_294 : i32 to vector<1x16xi32>
    %select_n3A_297 = arith.select %gt3A_293, %broadcast_in_dim3A_295, %broadcast_in_dim3A_296 : vector<1x16xi1>, vector<1x16xi32>
    %add3A_298 = arith.addi %add3A_290, %select_n3A_297 : vector<1x16xi32>
    %gt3A_299 = arith.constant 2 : i32
    %gt3A_300 = vector.broadcast %gt3A_299 : i32 to vector<1x16xi32>
    %gt3A_301 = arith.cmpi sgt, %iota3A_281, %gt3A_300 : vector<1x16xi32>
    %jit3A_302 = arith.constant 0 : i32
    %broadcast_in_dim3A_303 = vector.broadcast %convert_element_type3A_106 : i32 to vector<1x16xi32>
    %broadcast_in_dim3A_304 = vector.broadcast %jit3A_302 : i32 to vector<1x16xi32>
    %select_n3A_305 = arith.select %gt3A_301, %broadcast_in_dim3A_303, %broadcast_in_dim3A_304 : vector<1x16xi1>, vector<1x16xi32>
    %add3A_306 = arith.addi %add3A_298, %select_n3A_305 : vector<1x16xi32>
    %gt3A_307 = arith.constant 3 : i32
    %gt3A_308 = vector.broadcast %gt3A_307 : i32 to vector<1x16xi32>
    %gt3A_309 = arith.cmpi sgt, %iota3A_281, %gt3A_308 : vector<1x16xi32>
    %jit3A_310 = arith.constant 0 : i32
    %broadcast_in_dim3A_311 = vector.broadcast %convert_element_type3A_140 : i32 to vector<1x16xi32>
    %broadcast_in_dim3A_312 = vector.broadcast %jit3A_310 : i32 to vector<1x16xi32>
    %select_n3A_313 = arith.select %gt3A_309, %broadcast_in_dim3A_311, %broadcast_in_dim3A_312 : vector<1x16xi1>, vector<1x16xi32>
    %add3A_314 = arith.addi %add3A_306, %select_n3A_313 : vector<1x16xi32>
    %gt3A_315 = arith.constant 4 : i32
    %gt3A_316 = vector.broadcast %gt3A_315 : i32 to vector<1x16xi32>
    %gt3A_317 = arith.cmpi sgt, %iota3A_281, %gt3A_316 : vector<1x16xi32>
    %jit3A_318 = arith.constant 0 : i32
    %broadcast_in_dim3A_319 = vector.broadcast %convert_element_type3A_174 : i32 to vector<1x16xi32>
    %broadcast_in_dim3A_320 = vector.broadcast %jit3A_318 : i32 to vector<1x16xi32>
    %select_n3A_321 = arith.select %gt3A_317, %broadcast_in_dim3A_319, %broadcast_in_dim3A_320 : vector<1x16xi1>, vector<1x16xi32>
    %add3A_322 = arith.addi %add3A_314, %select_n3A_321 : vector<1x16xi32>
    %gt3A_323 = arith.constant 5 : i32
    %gt3A_324 = vector.broadcast %gt3A_323 : i32 to vector<1x16xi32>
    %gt3A_325 = arith.cmpi sgt, %iota3A_281, %gt3A_324 : vector<1x16xi32>
    %jit3A_326 = arith.constant 0 : i32
    %broadcast_in_dim3A_327 = vector.broadcast %convert_element_type3A_208 : i32 to vector<1x16xi32>
    %broadcast_in_dim3A_328 = vector.broadcast %jit3A_326 : i32 to vector<1x16xi32>
    %select_n3A_329 = arith.select %gt3A_325, %broadcast_in_dim3A_327, %broadcast_in_dim3A_328 : vector<1x16xi1>, vector<1x16xi32>
    %add3A_330 = arith.addi %add3A_322, %select_n3A_329 : vector<1x16xi32>
    %gt3A_331 = arith.constant 6 : i32
    %gt3A_332 = vector.broadcast %gt3A_331 : i32 to vector<1x16xi32>
    %gt3A_333 = arith.cmpi sgt, %iota3A_281, %gt3A_332 : vector<1x16xi32>
    %jit3A_334 = arith.constant 0 : i32
    %broadcast_in_dim3A_335 = vector.broadcast %convert_element_type3A_242 : i32 to vector<1x16xi32>
    %broadcast_in_dim3A_336 = vector.broadcast %jit3A_334 : i32 to vector<1x16xi32>
    %select_n3A_337 = arith.select %gt3A_333, %broadcast_in_dim3A_335, %broadcast_in_dim3A_336 : vector<1x16xi1>, vector<1x16xi32>
    %add3A_338 = arith.addi %add3A_330, %select_n3A_337 : vector<1x16xi32>
    %gt3A_339 = arith.constant 7 : i32
    %gt3A_340 = vector.broadcast %gt3A_339 : i32 to vector<1x16xi32>
    %gt3A_341 = arith.cmpi sgt, %iota3A_281, %gt3A_340 : vector<1x16xi32>
    %jit3A_342 = arith.constant 0 : i32
    %broadcast_in_dim3A_343 = vector.broadcast %convert_element_type3A_276 : i32 to vector<1x16xi32>
    %broadcast_in_dim3A_344 = vector.broadcast %jit3A_342 : i32 to vector<1x16xi32>
    %select_n3A_345 = arith.select %gt3A_341, %broadcast_in_dim3A_343, %broadcast_in_dim3A_344 : vector<1x16xi1>, vector<1x16xi32>
    %add3A_346 = arith.addi %add3A_338, %select_n3A_345 : vector<1x16xi32>
    %swap3A_347 = arith.constant 0 : index
    %swap3A_348 = arith.constant 0 : index
    %swap3A_349 = vector.load %arg2[%swap3A_347, %swap3A_348] : memref<1x16xi32, #tpu.memory_space<vmem>>, vector<1x16xi32>
    tpu.vector_store %arg2[%swap3A_347, %swap3A_348], %add3A_346 {strides = array<i32>} : memref<1x16xi32, #tpu.memory_space<vmem>>, vector<1x16xi32>,
    %iota3A_350 = tpu.iota {dimensions = array<i32: 1>} : vector<1x32xi32>
    %broadcast_in_dim3A_351 = arith.constant 8 : i32
    %broadcast_in_dim3A_352 = vector.broadcast %broadcast_in_dim3A_351 : i32 to vector<1x32xi32>
    %broadcast_in_dim3A_353 = arith.constant 15 : i32
    %broadcast_in_dim3A_354 = vector.broadcast %broadcast_in_dim3A_353 : i32 to vector<1x32xi32>
    %jit3A_355 = arith.constant 0 : i32
    %jit3A_356 = arith.constant 128 : i32
    %div3A = arith.divsi %jit3A_355, %jit3A_356 : i32
    %sign3A = arith.constant 0 : i32
    %sign3A_357 = arith.cmpi sgt, %jit3A_355, %sign3A : i32
    %sign3A_358 = arith.extui %sign3A_357 : i1 to i32
    %sign3A_359 = arith.constant 0 : i32
    %sign3A_360 = arith.cmpi slt, %jit3A_355, %sign3A_359 : i32
    %sign3A_361 = arith.extui %sign3A_360 : i1 to i32
    %sign3A_362 = arith.subi %sign3A_358, %sign3A_361 : i32
    %sign3A_363 = arith.constant 0 : i32
    %sign3A_364 = arith.cmpi sgt, %jit3A_356, %sign3A_363 : i32
    %sign3A_365 = arith.extui %sign3A_364 : i1 to i32
    %sign3A_366 = arith.constant 0 : i32
    %sign3A_367 = arith.cmpi slt, %jit3A_356, %sign3A_366 : i32
    %sign3A_368 = arith.extui %sign3A_367 : i1 to i32
    %sign3A_369 = arith.subi %sign3A_365, %sign3A_368 : i32
    %ne3A = arith.cmpi ne, %sign3A_362, %sign3A_369 : i32
    %rem3A = arith.remsi %jit3A_355, %jit3A_356 : i32
    %ne3A_370 = arith.constant 0 : i32
    %ne3A_371 = arith.cmpi ne, %rem3A, %ne3A_370 : i32
    %and3A = arith.andi %ne3A, %ne3A_371 : i1
    %sub3A = arith.constant 1 : i32
    %sub3A_372 = arith.subi %div3A, %sub3A : i32
    %select_n3A_373 = arith.select %and3A, %sub3A_372, %div3A : i32
    %add3A_374 = arith.constant 0 : i32
    %add3A_375 = arith.addi %add3A_374, %convert_element_type3A_38 : i32
    %sub3A_376 = arith.constant 1 : i32
    %sub3A_377 = arith.subi %add3A_375, %sub3A_376 : i32
    %jit3A_378 = arith.constant 128 : i32
    %div3A_379 = arith.divsi %sub3A_377, %jit3A_378 : i32
    %sign3A_380 = arith.constant 0 : i32
    %sign3A_381 = arith.cmpi sgt, %sub3A_377, %sign3A_380 : i32
    %sign3A_382 = arith.extui %sign3A_381 : i1 to i32
    %sign3A_383 = arith.constant 0 : i32
    %sign3A_384 = arith.cmpi slt, %sub3A_377, %sign3A_383 : i32
    %sign3A_385 = arith.extui %sign3A_384 : i1 to i32
    %sign3A_386 = arith.subi %sign3A_382, %sign3A_385 : i32
    %sign3A_387 = arith.constant 0 : i32
    %sign3A_388 = arith.cmpi sgt, %jit3A_378, %sign3A_387 : i32
    %sign3A_389 = arith.extui %sign3A_388 : i1 to i32
    %sign3A_390 = arith.constant 0 : i32
    %sign3A_391 = arith.cmpi slt, %jit3A_378, %sign3A_390 : i32
    %sign3A_392 = arith.extui %sign3A_391 : i1 to i32
    %sign3A_393 = arith.subi %sign3A_389, %sign3A_392 : i32
    %ne3A_394 = arith.cmpi ne, %sign3A_386, %sign3A_393 : i32
    %rem3A_395 = arith.remsi %sub3A_377, %jit3A_378 : i32
    %ne3A_396 = arith.constant 0 : i32
    %ne3A_397 = arith.cmpi ne, %rem3A_395, %ne3A_396 : i32
    %and3A_398 = arith.andi %ne3A_394, %ne3A_397 : i1
    %sub3A_399 = arith.constant 1 : i32
    %sub3A_400 = arith.subi %div3A_379, %sub3A_399 : i32
    %select_n3A_401 = arith.select %and3A_398, %sub3A_400, %div3A_379 : i32
    %gt3A_402 = arith.constant 0 : i32
    %gt3A_403 = arith.cmpi sgt, %convert_element_type3A_38, %gt3A_402 : i32
    %sub3A_404 = arith.subi %select_n3A_401, %select_n3A_373 : i32
    %add3A_405 = arith.constant 1 : i32
    %add3A_406 = arith.addi %sub3A_404, %add3A_405 : i32
    %jit3A_407 = arith.constant 0 : i32
    %select_n3A_408 = arith.select %gt3A_403, %add3A_406, %jit3A_407 : i32
    %ge3A = arith.constant 0 : i32
    %ge3A_409 = vector.broadcast %ge3A : i32 to vector<1x32xi32>
    %ge3A_410 = arith.cmpi sge, %iota3A_350, %ge3A_409 : vector<1x32xi32>
    %add3A_411 = arith.constant 0 : i32
    %add3A_412 = arith.addi %add3A_411, %select_n3A_408 : i32
    %lt3A_413 = vector.broadcast %add3A_412 : i32 to vector<1x32xi32>
    %lt3A_414 = arith.cmpi slt, %iota3A_350, %lt3A_413 : vector<1x32xi32>
    %and3A_415 = arith.andi %ge3A_410, %lt3A_414 : vector<1x32xi1>
    %jit3A_416 = arith.constant 0 : i32
    %broadcast_in_dim3A_417 = vector.broadcast %jit3A_416 : i32 to vector<1x32xi32>
    %select_n3A_418 = arith.select %and3A_415, %broadcast_in_dim3A_417, %broadcast_in_dim3A_352 : vector<1x32xi1>, vector<1x32xi32>
    %sub3A_419 = arith.constant 0 : i32
    %sub3A_420 = vector.broadcast %sub3A_419 : i32 to vector<1x32xi32>
    %sub3A_421 = arith.subi %iota3A_350, %sub3A_420 : vector<1x32xi32>
    %add3A_422 = vector.broadcast %select_n3A_373 : i32 to vector<1x32xi32>
    %add3A_423 = arith.addi %add3A_422, %sub3A_421 : vector<1x32xi32>
    %select_n3A_424 = arith.select %and3A_415, %add3A_423, %broadcast_in_dim3A_354 : vector<1x32xi1>, vector<1x32xi32>
    %add3A_425 = arith.constant 0 : i32
    %add3A_426 = arith.addi %add3A_425, %select_n3A_408 : i32
    %jit3A_427 = arith.constant 128 : i32
    %div3A_428 = arith.divsi %convert_element_type3A_73, %jit3A_427 : i32
    %sign3A_429 = arith.constant 0 : i32
    %sign3A_430 = arith.cmpi sgt, %convert_element_type3A_73, %sign3A_429 : i32
    %sign3A_431 = arith.extui %sign3A_430 : i1 to i32
    %sign3A_432 = arith.constant 0 : i32
    %sign3A_433 = arith.cmpi slt, %convert_element_type3A_73, %sign3A_432 : i32
    %sign3A_434 = arith.extui %sign3A_433 : i1 to i32
    %sign3A_435 = arith.subi %sign3A_431, %sign3A_434 : i32
    %sign3A_436 = arith.constant 0 : i32
    %sign3A_437 = arith.cmpi sgt, %jit3A_427, %sign3A_436 : i32
    %sign3A_438 = arith.extui %sign3A_437 : i1 to i32
    %sign3A_439 = arith.constant 0 : i32
    %sign3A_440 = arith.cmpi slt, %jit3A_427, %sign3A_439 : i32
    %sign3A_441 = arith.extui %sign3A_440 : i1 to i32
    %sign3A_442 = arith.subi %sign3A_438, %sign3A_441 : i32
    %ne3A_443 = arith.cmpi ne, %sign3A_435, %sign3A_442 : i32
    %rem3A_444 = arith.remsi %convert_element_type3A_73, %jit3A_427 : i32
    %ne3A_445 = arith.constant 0 : i32
    %ne3A_446 = arith.cmpi ne, %rem3A_444, %ne3A_445 : i32
    %and3A_447 = arith.andi %ne3A_443, %ne3A_446 : i1
    %sub3A_448 = arith.constant 1 : i32
    %sub3A_449 = arith.subi %div3A_428, %sub3A_448 : i32
    %select_n3A_450 = arith.select %and3A_447, %sub3A_449, %div3A_428 : i32
    %add3A_451 = arith.addi %convert_element_type3A_73, %convert_element_type3A_72 : i32
    %sub3A_452 = arith.constant 1 : i32
    %sub3A_453 = arith.subi %add3A_451, %sub3A_452 : i32
    %jit3A_454 = arith.constant 128 : i32
    %div3A_455 = arith.divsi %sub3A_453, %jit3A_454 : i32
    %sign3A_456 = arith.constant 0 : i32
    %sign3A_457 = arith.cmpi sgt, %sub3A_453, %sign3A_456 : i32
    %sign3A_458 = arith.extui %sign3A_457 : i1 to i32
    %sign3A_459 = arith.constant 0 : i32
    %sign3A_460 = arith.cmpi slt, %sub3A_453, %sign3A_459 : i32
    %sign3A_461 = arith.extui %sign3A_460 : i1 to i32
    %sign3A_462 = arith.subi %sign3A_458, %sign3A_461 : i32
    %sign3A_463 = arith.constant 0 : i32
    %sign3A_464 = arith.cmpi sgt, %jit3A_454, %sign3A_463 : i32
    %sign3A_465 = arith.extui %sign3A_464 : i1 to i32
    %sign3A_466 = arith.constant 0 : i32
    %sign3A_467 = arith.cmpi slt, %jit3A_454, %sign3A_466 : i32
    %sign3A_468 = arith.extui %sign3A_467 : i1 to i32
    %sign3A_469 = arith.subi %sign3A_465, %sign3A_468 : i32
    %ne3A_470 = arith.cmpi ne, %sign3A_462, %sign3A_469 : i32
    %rem3A_471 = arith.remsi %sub3A_453, %jit3A_454 : i32
    %ne3A_472 = arith.constant 0 : i32
    %ne3A_473 = arith.cmpi ne, %rem3A_471, %ne3A_472 : i32
    %and3A_474 = arith.andi %ne3A_470, %ne3A_473 : i1
    %sub3A_475 = arith.constant 1 : i32
    %sub3A_476 = arith.subi %div3A_455, %sub3A_475 : i32
    %select_n3A_477 = arith.select %and3A_474, %sub3A_476, %div3A_455 : i32
    %gt3A_478 = arith.constant 0 : i32
    %gt3A_479 = arith.cmpi sgt, %convert_element_type3A_72, %gt3A_478 : i32
    %sub3A_480 = arith.subi %select_n3A_477, %select_n3A_450 : i32
    %add3A_481 = arith.constant 1 : i32
    %add3A_482 = arith.addi %sub3A_480, %add3A_481 : i32
    %jit3A_483 = arith.constant 0 : i32
    %select_n3A_484 = arith.select %gt3A_479, %add3A_482, %jit3A_483 : i32
    %ge3A_485 = vector.broadcast %add3A_426 : i32 to vector<1x32xi32>
    %ge3A_486 = arith.cmpi sge, %iota3A_350, %ge3A_485 : vector<1x32xi32>
    %add3A_487 = arith.addi %add3A_426, %select_n3A_484 : i32
    %lt3A_488 = vector.broadcast %add3A_487 : i32 to vector<1x32xi32>
    %lt3A_489 = arith.cmpi slt, %iota3A_350, %lt3A_488 : vector<1x32xi32>
    %and3A_490 = arith.andi %ge3A_486, %lt3A_489 : vector<1x32xi1>
    %jit3A_491 = arith.constant 1 : i32
    %broadcast_in_dim3A_492 = vector.broadcast %jit3A_491 : i32 to vector<1x32xi32>
    %select_n3A_493 = arith.select %and3A_490, %broadcast_in_dim3A_492, %select_n3A_418 : vector<1x32xi1>, vector<1x32xi32>
    %sub3A_494 = vector.broadcast %add3A_426 : i32 to vector<1x32xi32>
    %sub3A_495 = arith.subi %iota3A_350, %sub3A_494 : vector<1x32xi32>
    %add3A_496 = vector.broadcast %select_n3A_450 : i32 to vector<1x32xi32>
    %add3A_497 = arith.addi %add3A_496, %sub3A_495 : vector<1x32xi32>
    %select_n3A_498 = arith.select %and3A_490, %add3A_497, %select_n3A_424 : vector<1x32xi1>, vector<1x32xi32>
    %add3A_499 = arith.addi %add3A_426, %select_n3A_484 : i32
    %jit3A_500 = arith.constant 128 : i32
    %div3A_501 = arith.divsi %convert_element_type3A_107, %jit3A_500 : i32
    %sign3A_502 = arith.constant 0 : i32
    %sign3A_503 = arith.cmpi sgt, %convert_element_type3A_107, %sign3A_502 : i32
    %sign3A_504 = arith.extui %sign3A_503 : i1 to i32
    %sign3A_505 = arith.constant 0 : i32
    %sign3A_506 = arith.cmpi slt, %convert_element_type3A_107, %sign3A_505 : i32
    %sign3A_507 = arith.extui %sign3A_506 : i1 to i32
    %sign3A_508 = arith.subi %sign3A_504, %sign3A_507 : i32
    %sign3A_509 = arith.constant 0 : i32
    %sign3A_510 = arith.cmpi sgt, %jit3A_500, %sign3A_509 : i32
    %sign3A_511 = arith.extui %sign3A_510 : i1 to i32
    %sign3A_512 = arith.constant 0 : i32
    %sign3A_513 = arith.cmpi slt, %jit3A_500, %sign3A_512 : i32
    %sign3A_514 = arith.extui %sign3A_513 : i1 to i32
    %sign3A_515 = arith.subi %sign3A_511, %sign3A_514 : i32
    %ne3A_516 = arith.cmpi ne, %sign3A_508, %sign3A_515 : i32
    %rem3A_517 = arith.remsi %convert_element_type3A_107, %jit3A_500 : i32
    %ne3A_518 = arith.constant 0 : i32
    %ne3A_519 = arith.cmpi ne, %rem3A_517, %ne3A_518 : i32
    %and3A_520 = arith.andi %ne3A_516, %ne3A_519 : i1
    %sub3A_521 = arith.constant 1 : i32
    %sub3A_522 = arith.subi %div3A_501, %sub3A_521 : i32
    %select_n3A_523 = arith.select %and3A_520, %sub3A_522, %div3A_501 : i32
    %add3A_524 = arith.addi %convert_element_type3A_107, %convert_element_type3A_106 : i32
    %sub3A_525 = arith.constant 1 : i32
    %sub3A_526 = arith.subi %add3A_524, %sub3A_525 : i32
    %jit3A_527 = arith.constant 128 : i32
    %div3A_528 = arith.divsi %sub3A_526, %jit3A_527 : i32
    %sign3A_529 = arith.constant 0 : i32
    %sign3A_530 = arith.cmpi sgt, %sub3A_526, %sign3A_529 : i32
    %sign3A_531 = arith.extui %sign3A_530 : i1 to i32
    %sign3A_532 = arith.constant 0 : i32
    %sign3A_533 = arith.cmpi slt, %sub3A_526, %sign3A_532 : i32
    %sign3A_534 = arith.extui %sign3A_533 : i1 to i32
    %sign3A_535 = arith.subi %sign3A_531, %sign3A_534 : i32
    %sign3A_536 = arith.constant 0 : i32
    %sign3A_537 = arith.cmpi sgt, %jit3A_527, %sign3A_536 : i32
    %sign3A_538 = arith.extui %sign3A_537 : i1 to i32
    %sign3A_539 = arith.constant 0 : i32
    %sign3A_540 = arith.cmpi slt, %jit3A_527, %sign3A_539 : i32
    %sign3A_541 = arith.extui %sign3A_540 : i1 to i32
    %sign3A_542 = arith.subi %sign3A_538, %sign3A_541 : i32
    %ne3A_543 = arith.cmpi ne, %sign3A_535, %sign3A_542 : i32
    %rem3A_544 = arith.remsi %sub3A_526, %jit3A_527 : i32
    %ne3A_545 = arith.constant 0 : i32
    %ne3A_546 = arith.cmpi ne, %rem3A_544, %ne3A_545 : i32
    %and3A_547 = arith.andi %ne3A_543, %ne3A_546 : i1
    %sub3A_548 = arith.constant 1 : i32
    %sub3A_549 = arith.subi %div3A_528, %sub3A_548 : i32
    %select_n3A_550 = arith.select %and3A_547, %sub3A_549, %div3A_528 : i32
    %gt3A_551 = arith.constant 0 : i32
    %gt3A_552 = arith.cmpi sgt, %convert_element_type3A_106, %gt3A_551 : i32
    %sub3A_553 = arith.subi %select_n3A_550, %select_n3A_523 : i32
    %add3A_554 = arith.constant 1 : i32
    %add3A_555 = arith.addi %sub3A_553, %add3A_554 : i32
    %jit3A_556 = arith.constant 0 : i32
    %select_n3A_557 = arith.select %gt3A_552, %add3A_555, %jit3A_556 : i32
    %ge3A_558 = vector.broadcast %add3A_499 : i32 to vector<1x32xi32>
    %ge3A_559 = arith.cmpi sge, %iota3A_350, %ge3A_558 : vector<1x32xi32>
    %add3A_560 = arith.addi %add3A_499, %select_n3A_557 : i32
    %lt3A_561 = vector.broadcast %add3A_560 : i32 to vector<1x32xi32>
    %lt3A_562 = arith.cmpi slt, %iota3A_350, %lt3A_561 : vector<1x32xi32>
    %and3A_563 = arith.andi %ge3A_559, %lt3A_562 : vector<1x32xi1>
    %jit3A_564 = arith.constant 2 : i32
    %broadcast_in_dim3A_565 = vector.broadcast %jit3A_564 : i32 to vector<1x32xi32>
    %select_n3A_566 = arith.select %and3A_563, %broadcast_in_dim3A_565, %select_n3A_493 : vector<1x32xi1>, vector<1x32xi32>
    %sub3A_567 = vector.broadcast %add3A_499 : i32 to vector<1x32xi32>
    %sub3A_568 = arith.subi %iota3A_350, %sub3A_567 : vector<1x32xi32>
    %add3A_569 = vector.broadcast %select_n3A_523 : i32 to vector<1x32xi32>
    %add3A_570 = arith.addi %add3A_569, %sub3A_568 : vector<1x32xi32>
    %select_n3A_571 = arith.select %and3A_563, %add3A_570, %select_n3A_498 : vector<1x32xi1>, vector<1x32xi32>
    %add3A_572 = arith.addi %add3A_499, %select_n3A_557 : i32
    %jit3A_573 = arith.constant 128 : i32
    %div3A_574 = arith.divsi %convert_element_type3A_141, %jit3A_573 : i32
    %sign3A_575 = arith.constant 0 : i32
    %sign3A_576 = arith.cmpi sgt, %convert_element_type3A_141, %sign3A_575 : i32
    %sign3A_577 = arith.extui %sign3A_576 : i1 to i32
    %sign3A_578 = arith.constant 0 : i32
    %sign3A_579 = arith.cmpi slt, %convert_element_type3A_141, %sign3A_578 : i32
    %sign3A_580 = arith.extui %sign3A_579 : i1 to i32
    %sign3A_581 = arith.subi %sign3A_577, %sign3A_580 : i32
    %sign3A_582 = arith.constant 0 : i32
    %sign3A_583 = arith.cmpi sgt, %jit3A_573, %sign3A_582 : i32
    %sign3A_584 = arith.extui %sign3A_583 : i1 to i32
    %sign3A_585 = arith.constant 0 : i32
    %sign3A_586 = arith.cmpi slt, %jit3A_573, %sign3A_585 : i32
    %sign3A_587 = arith.extui %sign3A_586 : i1 to i32
    %sign3A_588 = arith.subi %sign3A_584, %sign3A_587 : i32
    %ne3A_589 = arith.cmpi ne, %sign3A_581, %sign3A_588 : i32
    %rem3A_590 = arith.remsi %convert_element_type3A_141, %jit3A_573 : i32
    %ne3A_591 = arith.constant 0 : i32
    %ne3A_592 = arith.cmpi ne, %rem3A_590, %ne3A_591 : i32
    %and3A_593 = arith.andi %ne3A_589, %ne3A_592 : i1
    %sub3A_594 = arith.constant 1 : i32
    %sub3A_595 = arith.subi %div3A_574, %sub3A_594 : i32
    %select_n3A_596 = arith.select %and3A_593, %sub3A_595, %div3A_574 : i32
    %add3A_597 = arith.addi %convert_element_type3A_141, %convert_element_type3A_140 : i32
    %sub3A_598 = arith.constant 1 : i32
    %sub3A_599 = arith.subi %add3A_597, %sub3A_598 : i32
    %jit3A_600 = arith.constant 128 : i32
    %div3A_601 = arith.divsi %sub3A_599, %jit3A_600 : i32
    %sign3A_602 = arith.constant 0 : i32
    %sign3A_603 = arith.cmpi sgt, %sub3A_599, %sign3A_602 : i32
    %sign3A_604 = arith.extui %sign3A_603 : i1 to i32
    %sign3A_605 = arith.constant 0 : i32
    %sign3A_606 = arith.cmpi slt, %sub3A_599, %sign3A_605 : i32
    %sign3A_607 = arith.extui %sign3A_606 : i1 to i32
    %sign3A_608 = arith.subi %sign3A_604, %sign3A_607 : i32
    %sign3A_609 = arith.constant 0 : i32
    %sign3A_610 = arith.cmpi sgt, %jit3A_600, %sign3A_609 : i32
    %sign3A_611 = arith.extui %sign3A_610 : i1 to i32
    %sign3A_612 = arith.constant 0 : i32
    %sign3A_613 = arith.cmpi slt, %jit3A_600, %sign3A_612 : i32
    %sign3A_614 = arith.extui %sign3A_613 : i1 to i32
    %sign3A_615 = arith.subi %sign3A_611, %sign3A_614 : i32
    %ne3A_616 = arith.cmpi ne, %sign3A_608, %sign3A_615 : i32
    %rem3A_617 = arith.remsi %sub3A_599, %jit3A_600 : i32
    %ne3A_618 = arith.constant 0 : i32
    %ne3A_619 = arith.cmpi ne, %rem3A_617, %ne3A_618 : i32
    %and3A_620 = arith.andi %ne3A_616, %ne3A_619 : i1
    %sub3A_621 = arith.constant 1 : i32
    %sub3A_622 = arith.subi %div3A_601, %sub3A_621 : i32
    %select_n3A_623 = arith.select %and3A_620, %sub3A_622, %div3A_601 : i32
    %gt3A_624 = arith.constant 0 : i32
    %gt3A_625 = arith.cmpi sgt, %convert_element_type3A_140, %gt3A_624 : i32
    %sub3A_626 = arith.subi %select_n3A_623, %select_n3A_596 : i32
    %add3A_627 = arith.constant 1 : i32
    %add3A_628 = arith.addi %sub3A_626, %add3A_627 : i32
    %jit3A_629 = arith.constant 0 : i32
    %select_n3A_630 = arith.select %gt3A_625, %add3A_628, %jit3A_629 : i32
    %ge3A_631 = vector.broadcast %add3A_572 : i32 to vector<1x32xi32>
    %ge3A_632 = arith.cmpi sge, %iota3A_350, %ge3A_631 : vector<1x32xi32>
    %add3A_633 = arith.addi %add3A_572, %select_n3A_630 : i32
    %lt3A_634 = vector.broadcast %add3A_633 : i32 to vector<1x32xi32>
    %lt3A_635 = arith.cmpi slt, %iota3A_350, %lt3A_634 : vector<1x32xi32>
    %and3A_636 = arith.andi %ge3A_632, %lt3A_635 : vector<1x32xi1>
    %jit3A_637 = arith.constant 3 : i32
    %broadcast_in_dim3A_638 = vector.broadcast %jit3A_637 : i32 to vector<1x32xi32>
    %select_n3A_639 = arith.select %and3A_636, %broadcast_in_dim3A_638, %select_n3A_566 : vector<1x32xi1>, vector<1x32xi32>
    %sub3A_640 = vector.broadcast %add3A_572 : i32 to vector<1x32xi32>
    %sub3A_641 = arith.subi %iota3A_350, %sub3A_640 : vector<1x32xi32>
    %add3A_642 = vector.broadcast %select_n3A_596 : i32 to vector<1x32xi32>
    %add3A_643 = arith.addi %add3A_642, %sub3A_641 : vector<1x32xi32>
    %select_n3A_644 = arith.select %and3A_636, %add3A_643, %select_n3A_571 : vector<1x32xi1>, vector<1x32xi32>
    %add3A_645 = arith.addi %add3A_572, %select_n3A_630 : i32
    %jit3A_646 = arith.constant 128 : i32
    %div3A_647 = arith.divsi %convert_element_type3A_175, %jit3A_646 : i32
    %sign3A_648 = arith.constant 0 : i32
    %sign3A_649 = arith.cmpi sgt, %convert_element_type3A_175, %sign3A_648 : i32
    %sign3A_650 = arith.extui %sign3A_649 : i1 to i32
    %sign3A_651 = arith.constant 0 : i32
    %sign3A_652 = arith.cmpi slt, %convert_element_type3A_175, %sign3A_651 : i32
    %sign3A_653 = arith.extui %sign3A_652 : i1 to i32
    %sign3A_654 = arith.subi %sign3A_650, %sign3A_653 : i32
    %sign3A_655 = arith.constant 0 : i32
    %sign3A_656 = arith.cmpi sgt, %jit3A_646, %sign3A_655 : i32
    %sign3A_657 = arith.extui %sign3A_656 : i1 to i32
    %sign3A_658 = arith.constant 0 : i32
    %sign3A_659 = arith.cmpi slt, %jit3A_646, %sign3A_658 : i32
    %sign3A_660 = arith.extui %sign3A_659 : i1 to i32
    %sign3A_661 = arith.subi %sign3A_657, %sign3A_660 : i32
    %ne3A_662 = arith.cmpi ne, %sign3A_654, %sign3A_661 : i32
    %rem3A_663 = arith.remsi %convert_element_type3A_175, %jit3A_646 : i32
    %ne3A_664 = arith.constant 0 : i32
    %ne3A_665 = arith.cmpi ne, %rem3A_663, %ne3A_664 : i32
    %and3A_666 = arith.andi %ne3A_662, %ne3A_665 : i1
    %sub3A_667 = arith.constant 1 : i32
    %sub3A_668 = arith.subi %div3A_647, %sub3A_667 : i32
    %select_n3A_669 = arith.select %and3A_666, %sub3A_668, %div3A_647 : i32
    %add3A_670 = arith.addi %convert_element_type3A_175, %convert_element_type3A_174 : i32
    %sub3A_671 = arith.constant 1 : i32
    %sub3A_672 = arith.subi %add3A_670, %sub3A_671 : i32
    %jit3A_673 = arith.constant 128 : i32
    %div3A_674 = arith.divsi %sub3A_672, %jit3A_673 : i32
    %sign3A_675 = arith.constant 0 : i32
    %sign3A_676 = arith.cmpi sgt, %sub3A_672, %sign3A_675 : i32
    %sign3A_677 = arith.extui %sign3A_676 : i1 to i32
    %sign3A_678 = arith.constant 0 : i32
    %sign3A_679 = arith.cmpi slt, %sub3A_672, %sign3A_678 : i32
    %sign3A_680 = arith.extui %sign3A_679 : i1 to i32
    %sign3A_681 = arith.subi %sign3A_677, %sign3A_680 : i32
    %sign3A_682 = arith.constant 0 : i32
    %sign3A_683 = arith.cmpi sgt, %jit3A_673, %sign3A_682 : i32
    %sign3A_684 = arith.extui %sign3A_683 : i1 to i32
    %sign3A_685 = arith.constant 0 : i32
    %sign3A_686 = arith.cmpi slt, %jit3A_673, %sign3A_685 : i32
    %sign3A_687 = arith.extui %sign3A_686 : i1 to i32
    %sign3A_688 = arith.subi %sign3A_684, %sign3A_687 : i32
    %ne3A_689 = arith.cmpi ne, %sign3A_681, %sign3A_688 : i32
    %rem3A_690 = arith.remsi %sub3A_672, %jit3A_673 : i32
    %ne3A_691 = arith.constant 0 : i32
    %ne3A_692 = arith.cmpi ne, %rem3A_690, %ne3A_691 : i32
    %and3A_693 = arith.andi %ne3A_689, %ne3A_692 : i1
    %sub3A_694 = arith.constant 1 : i32
    %sub3A_695 = arith.subi %div3A_674, %sub3A_694 : i32
    %select_n3A_696 = arith.select %and3A_693, %sub3A_695, %div3A_674 : i32
    %gt3A_697 = arith.constant 0 : i32
    %gt3A_698 = arith.cmpi sgt, %convert_element_type3A_174, %gt3A_697 : i32
    %sub3A_699 = arith.subi %select_n3A_696, %select_n3A_669 : i32
    %add3A_700 = arith.constant 1 : i32
    %add3A_701 = arith.addi %sub3A_699, %add3A_700 : i32
    %jit3A_702 = arith.constant 0 : i32
    %select_n3A_703 = arith.select %gt3A_698, %add3A_701, %jit3A_702 : i32
    %ge3A_704 = vector.broadcast %add3A_645 : i32 to vector<1x32xi32>
    %ge3A_705 = arith.cmpi sge, %iota3A_350, %ge3A_704 : vector<1x32xi32>
    %add3A_706 = arith.addi %add3A_645, %select_n3A_703 : i32
    %lt3A_707 = vector.broadcast %add3A_706 : i32 to vector<1x32xi32>
    %lt3A_708 = arith.cmpi slt, %iota3A_350, %lt3A_707 : vector<1x32xi32>
    %and3A_709 = arith.andi %ge3A_705, %lt3A_708 : vector<1x32xi1>
    %jit3A_710 = arith.constant 4 : i32
    %broadcast_in_dim3A_711 = vector.broadcast %jit3A_710 : i32 to vector<1x32xi32>
    %select_n3A_712 = arith.select %and3A_709, %broadcast_in_dim3A_711, %select_n3A_639 : vector<1x32xi1>, vector<1x32xi32>
    %sub3A_713 = vector.broadcast %add3A_645 : i32 to vector<1x32xi32>
    %sub3A_714 = arith.subi %iota3A_350, %sub3A_713 : vector<1x32xi32>
    %add3A_715 = vector.broadcast %select_n3A_669 : i32 to vector<1x32xi32>
    %add3A_716 = arith.addi %add3A_715, %sub3A_714 : vector<1x32xi32>
    %select_n3A_717 = arith.select %and3A_709, %add3A_716, %select_n3A_644 : vector<1x32xi1>, vector<1x32xi32>
    %add3A_718 = arith.addi %add3A_645, %select_n3A_703 : i32
    %jit3A_719 = arith.constant 128 : i32
    %div3A_720 = arith.divsi %convert_element_type3A_209, %jit3A_719 : i32
    %sign3A_721 = arith.constant 0 : i32
    %sign3A_722 = arith.cmpi sgt, %convert_element_type3A_209, %sign3A_721 : i32
    %sign3A_723 = arith.extui %sign3A_722 : i1 to i32
    %sign3A_724 = arith.constant 0 : i32
    %sign3A_725 = arith.cmpi slt, %convert_element_type3A_209, %sign3A_724 : i32
    %sign3A_726 = arith.extui %sign3A_725 : i1 to i32
    %sign3A_727 = arith.subi %sign3A_723, %sign3A_726 : i32
    %sign3A_728 = arith.constant 0 : i32
    %sign3A_729 = arith.cmpi sgt, %jit3A_719, %sign3A_728 : i32
    %sign3A_730 = arith.extui %sign3A_729 : i1 to i32
    %sign3A_731 = arith.constant 0 : i32
    %sign3A_732 = arith.cmpi slt, %jit3A_719, %sign3A_731 : i32
    %sign3A_733 = arith.extui %sign3A_732 : i1 to i32
    %sign3A_734 = arith.subi %sign3A_730, %sign3A_733 : i32
    %ne3A_735 = arith.cmpi ne, %sign3A_727, %sign3A_734 : i32
    %rem3A_736 = arith.remsi %convert_element_type3A_209, %jit3A_719 : i32
    %ne3A_737 = arith.constant 0 : i32
    %ne3A_738 = arith.cmpi ne, %rem3A_736, %ne3A_737 : i32
    %and3A_739 = arith.andi %ne3A_735, %ne3A_738 : i1
    %sub3A_740 = arith.constant 1 : i32
    %sub3A_741 = arith.subi %div3A_720, %sub3A_740 : i32
    %select_n3A_742 = arith.select %and3A_739, %sub3A_741, %div3A_720 : i32
    %add3A_743 = arith.addi %convert_element_type3A_209, %convert_element_type3A_208 : i32
    %sub3A_744 = arith.constant 1 : i32
    %sub3A_745 = arith.subi %add3A_743, %sub3A_744 : i32
    %jit3A_746 = arith.constant 128 : i32
    %div3A_747 = arith.divsi %sub3A_745, %jit3A_746 : i32
    %sign3A_748 = arith.constant 0 : i32
    %sign3A_749 = arith.cmpi sgt, %sub3A_745, %sign3A_748 : i32
    %sign3A_750 = arith.extui %sign3A_749 : i1 to i32
    %sign3A_751 = arith.constant 0 : i32
    %sign3A_752 = arith.cmpi slt, %sub3A_745, %sign3A_751 : i32
    %sign3A_753 = arith.extui %sign3A_752 : i1 to i32
    %sign3A_754 = arith.subi %sign3A_750, %sign3A_753 : i32
    %sign3A_755 = arith.constant 0 : i32
    %sign3A_756 = arith.cmpi sgt, %jit3A_746, %sign3A_755 : i32
    %sign3A_757 = arith.extui %sign3A_756 : i1 to i32
    %sign3A_758 = arith.constant 0 : i32
    %sign3A_759 = arith.cmpi slt, %jit3A_746, %sign3A_758 : i32
    %sign3A_760 = arith.extui %sign3A_759 : i1 to i32
    %sign3A_761 = arith.subi %sign3A_757, %sign3A_760 : i32
    %ne3A_762 = arith.cmpi ne, %sign3A_754, %sign3A_761 : i32
    %rem3A_763 = arith.remsi %sub3A_745, %jit3A_746 : i32
    %ne3A_764 = arith.constant 0 : i32
    %ne3A_765 = arith.cmpi ne, %rem3A_763, %ne3A_764 : i32
    %and3A_766 = arith.andi %ne3A_762, %ne3A_765 : i1
    %sub3A_767 = arith.constant 1 : i32
    %sub3A_768 = arith.subi %div3A_747, %sub3A_767 : i32
    %select_n3A_769 = arith.select %and3A_766, %sub3A_768, %div3A_747 : i32
    %gt3A_770 = arith.constant 0 : i32
    %gt3A_771 = arith.cmpi sgt, %convert_element_type3A_208, %gt3A_770 : i32
    %sub3A_772 = arith.subi %select_n3A_769, %select_n3A_742 : i32
    %add3A_773 = arith.constant 1 : i32
    %add3A_774 = arith.addi %sub3A_772, %add3A_773 : i32
    %jit3A_775 = arith.constant 0 : i32
    %select_n3A_776 = arith.select %gt3A_771, %add3A_774, %jit3A_775 : i32
    %ge3A_777 = vector.broadcast %add3A_718 : i32 to vector<1x32xi32>
    %ge3A_778 = arith.cmpi sge, %iota3A_350, %ge3A_777 : vector<1x32xi32>
    %add3A_779 = arith.addi %add3A_718, %select_n3A_776 : i32
    %lt3A_780 = vector.broadcast %add3A_779 : i32 to vector<1x32xi32>
    %lt3A_781 = arith.cmpi slt, %iota3A_350, %lt3A_780 : vector<1x32xi32>
    %and3A_782 = arith.andi %ge3A_778, %lt3A_781 : vector<1x32xi1>
    %jit3A_783 = arith.constant 5 : i32
    %broadcast_in_dim3A_784 = vector.broadcast %jit3A_783 : i32 to vector<1x32xi32>
    %select_n3A_785 = arith.select %and3A_782, %broadcast_in_dim3A_784, %select_n3A_712 : vector<1x32xi1>, vector<1x32xi32>
    %sub3A_786 = vector.broadcast %add3A_718 : i32 to vector<1x32xi32>
    %sub3A_787 = arith.subi %iota3A_350, %sub3A_786 : vector<1x32xi32>
    %add3A_788 = vector.broadcast %select_n3A_742 : i32 to vector<1x32xi32>
    %add3A_789 = arith.addi %add3A_788, %sub3A_787 : vector<1x32xi32>
    %select_n3A_790 = arith.select %and3A_782, %add3A_789, %select_n3A_717 : vector<1x32xi1>, vector<1x32xi32>
    %add3A_791 = arith.addi %add3A_718, %select_n3A_776 : i32
    %jit3A_792 = arith.constant 128 : i32
    %div3A_793 = arith.divsi %convert_element_type3A_243, %jit3A_792 : i32
    %sign3A_794 = arith.constant 0 : i32
    %sign3A_795 = arith.cmpi sgt, %convert_element_type3A_243, %sign3A_794 : i32
    %sign3A_796 = arith.extui %sign3A_795 : i1 to i32
    %sign3A_797 = arith.constant 0 : i32
    %sign3A_798 = arith.cmpi slt, %convert_element_type3A_243, %sign3A_797 : i32
    %sign3A_799 = arith.extui %sign3A_798 : i1 to i32
    %sign3A_800 = arith.subi %sign3A_796, %sign3A_799 : i32
    %sign3A_801 = arith.constant 0 : i32
    %sign3A_802 = arith.cmpi sgt, %jit3A_792, %sign3A_801 : i32
    %sign3A_803 = arith.extui %sign3A_802 : i1 to i32
    %sign3A_804 = arith.constant 0 : i32
    %sign3A_805 = arith.cmpi slt, %jit3A_792, %sign3A_804 : i32
    %sign3A_806 = arith.extui %sign3A_805 : i1 to i32
    %sign3A_807 = arith.subi %sign3A_803, %sign3A_806 : i32
    %ne3A_808 = arith.cmpi ne, %sign3A_800, %sign3A_807 : i32
    %rem3A_809 = arith.remsi %convert_element_type3A_243, %jit3A_792 : i32
    %ne3A_810 = arith.constant 0 : i32
    %ne3A_811 = arith.cmpi ne, %rem3A_809, %ne3A_810 : i32
    %and3A_812 = arith.andi %ne3A_808, %ne3A_811 : i1
    %sub3A_813 = arith.constant 1 : i32
    %sub3A_814 = arith.subi %div3A_793, %sub3A_813 : i32
    %select_n3A_815 = arith.select %and3A_812, %sub3A_814, %div3A_793 : i32
    %add3A_816 = arith.addi %convert_element_type3A_243, %convert_element_type3A_242 : i32
    %sub3A_817 = arith.constant 1 : i32
    %sub3A_818 = arith.subi %add3A_816, %sub3A_817 : i32
    %jit3A_819 = arith.constant 128 : i32
    %div3A_820 = arith.divsi %sub3A_818, %jit3A_819 : i32
    %sign3A_821 = arith.constant 0 : i32
    %sign3A_822 = arith.cmpi sgt, %sub3A_818, %sign3A_821 : i32
    %sign3A_823 = arith.extui %sign3A_822 : i1 to i32
    %sign3A_824 = arith.constant 0 : i32
    %sign3A_825 = arith.cmpi slt, %sub3A_818, %sign3A_824 : i32
    %sign3A_826 = arith.extui %sign3A_825 : i1 to i32
    %sign3A_827 = arith.subi %sign3A_823, %sign3A_826 : i32
    %sign3A_828 = arith.constant 0 : i32
    %sign3A_829 = arith.cmpi sgt, %jit3A_819, %sign3A_828 : i32
    %sign3A_830 = arith.extui %sign3A_829 : i1 to i32
    %sign3A_831 = arith.constant 0 : i32
    %sign3A_832 = arith.cmpi slt, %jit3A_819, %sign3A_831 : i32
    %sign3A_833 = arith.extui %sign3A_832 : i1 to i32
    %sign3A_834 = arith.subi %sign3A_830, %sign3A_833 : i32
    %ne3A_835 = arith.cmpi ne, %sign3A_827, %sign3A_834 : i32
    %rem3A_836 = arith.remsi %sub3A_818, %jit3A_819 : i32
    %ne3A_837 = arith.constant 0 : i32
    %ne3A_838 = arith.cmpi ne, %rem3A_836, %ne3A_837 : i32
    %and3A_839 = arith.andi %ne3A_835, %ne3A_838 : i1
    %sub3A_840 = arith.constant 1 : i32
    %sub3A_841 = arith.subi %div3A_820, %sub3A_840 : i32
    %select_n3A_842 = arith.select %and3A_839, %sub3A_841, %div3A_820 : i32
    %gt3A_843 = arith.constant 0 : i32
    %gt3A_844 = arith.cmpi sgt, %convert_element_type3A_242, %gt3A_843 : i32
    %sub3A_845 = arith.subi %select_n3A_842, %select_n3A_815 : i32
    %add3A_846 = arith.constant 1 : i32
    %add3A_847 = arith.addi %sub3A_845, %add3A_846 : i32
    %jit3A_848 = arith.constant 0 : i32
    %select_n3A_849 = arith.select %gt3A_844, %add3A_847, %jit3A_848 : i32
    %ge3A_850 = vector.broadcast %add3A_791 : i32 to vector<1x32xi32>
    %ge3A_851 = arith.cmpi sge, %iota3A_350, %ge3A_850 : vector<1x32xi32>
    %add3A_852 = arith.addi %add3A_791, %select_n3A_849 : i32
    %lt3A_853 = vector.broadcast %add3A_852 : i32 to vector<1x32xi32>
    %lt3A_854 = arith.cmpi slt, %iota3A_350, %lt3A_853 : vector<1x32xi32>
    %and3A_855 = arith.andi %ge3A_851, %lt3A_854 : vector<1x32xi1>
    %jit3A_856 = arith.constant 6 : i32
    %broadcast_in_dim3A_857 = vector.broadcast %jit3A_856 : i32 to vector<1x32xi32>
    %select_n3A_858 = arith.select %and3A_855, %broadcast_in_dim3A_857, %select_n3A_785 : vector<1x32xi1>, vector<1x32xi32>
    %sub3A_859 = vector.broadcast %add3A_791 : i32 to vector<1x32xi32>
    %sub3A_860 = arith.subi %iota3A_350, %sub3A_859 : vector<1x32xi32>
    %add3A_861 = vector.broadcast %select_n3A_815 : i32 to vector<1x32xi32>
    %add3A_862 = arith.addi %add3A_861, %sub3A_860 : vector<1x32xi32>
    %select_n3A_863 = arith.select %and3A_855, %add3A_862, %select_n3A_790 : vector<1x32xi1>, vector<1x32xi32>
    %add3A_864 = arith.addi %add3A_791, %select_n3A_849 : i32
    %jit3A_865 = arith.constant 128 : i32
    %div3A_866 = arith.divsi %convert_element_type3A_277, %jit3A_865 : i32
    %sign3A_867 = arith.constant 0 : i32
    %sign3A_868 = arith.cmpi sgt, %convert_element_type3A_277, %sign3A_867 : i32
    %sign3A_869 = arith.extui %sign3A_868 : i1 to i32
    %sign3A_870 = arith.constant 0 : i32
    %sign3A_871 = arith.cmpi slt, %convert_element_type3A_277, %sign3A_870 : i32
    %sign3A_872 = arith.extui %sign3A_871 : i1 to i32
    %sign3A_873 = arith.subi %sign3A_869, %sign3A_872 : i32
    %sign3A_874 = arith.constant 0 : i32
    %sign3A_875 = arith.cmpi sgt, %jit3A_865, %sign3A_874 : i32
    %sign3A_876 = arith.extui %sign3A_875 : i1 to i32
    %sign3A_877 = arith.constant 0 : i32
    %sign3A_878 = arith.cmpi slt, %jit3A_865, %sign3A_877 : i32
    %sign3A_879 = arith.extui %sign3A_878 : i1 to i32
    %sign3A_880 = arith.subi %sign3A_876, %sign3A_879 : i32
    %ne3A_881 = arith.cmpi ne, %sign3A_873, %sign3A_880 : i32
    %rem3A_882 = arith.remsi %convert_element_type3A_277, %jit3A_865 : i32
    %ne3A_883 = arith.constant 0 : i32
    %ne3A_884 = arith.cmpi ne, %rem3A_882, %ne3A_883 : i32
    %and3A_885 = arith.andi %ne3A_881, %ne3A_884 : i1
    %sub3A_886 = arith.constant 1 : i32
    %sub3A_887 = arith.subi %div3A_866, %sub3A_886 : i32
    %select_n3A_888 = arith.select %and3A_885, %sub3A_887, %div3A_866 : i32
    %add3A_889 = arith.addi %convert_element_type3A_277, %convert_element_type3A_276 : i32
    %sub3A_890 = arith.constant 1 : i32
    %sub3A_891 = arith.subi %add3A_889, %sub3A_890 : i32
    %jit3A_892 = arith.constant 128 : i32
    %div3A_893 = arith.divsi %sub3A_891, %jit3A_892 : i32
    %sign3A_894 = arith.constant 0 : i32
    %sign3A_895 = arith.cmpi sgt, %sub3A_891, %sign3A_894 : i32
    %sign3A_896 = arith.extui %sign3A_895 : i1 to i32
    %sign3A_897 = arith.constant 0 : i32
    %sign3A_898 = arith.cmpi slt, %sub3A_891, %sign3A_897 : i32
    %sign3A_899 = arith.extui %sign3A_898 : i1 to i32
    %sign3A_900 = arith.subi %sign3A_896, %sign3A_899 : i32
    %sign3A_901 = arith.constant 0 : i32
    %sign3A_902 = arith.cmpi sgt, %jit3A_892, %sign3A_901 : i32
    %sign3A_903 = arith.extui %sign3A_902 : i1 to i32
    %sign3A_904 = arith.constant 0 : i32
    %sign3A_905 = arith.cmpi slt, %jit3A_892, %sign3A_904 : i32
    %sign3A_906 = arith.extui %sign3A_905 : i1 to i32
    %sign3A_907 = arith.subi %sign3A_903, %sign3A_906 : i32
    %ne3A_908 = arith.cmpi ne, %sign3A_900, %sign3A_907 : i32
    %rem3A_909 = arith.remsi %sub3A_891, %jit3A_892 : i32
    %ne3A_910 = arith.constant 0 : i32
    %ne3A_911 = arith.cmpi ne, %rem3A_909, %ne3A_910 : i32
    %and3A_912 = arith.andi %ne3A_908, %ne3A_911 : i1
    %sub3A_913 = arith.constant 1 : i32
    %sub3A_914 = arith.subi %div3A_893, %sub3A_913 : i32
    %select_n3A_915 = arith.select %and3A_912, %sub3A_914, %div3A_893 : i32
    %gt3A_916 = arith.constant 0 : i32
    %gt3A_917 = arith.cmpi sgt, %convert_element_type3A_276, %gt3A_916 : i32
    %sub3A_918 = arith.subi %select_n3A_915, %select_n3A_888 : i32
    %add3A_919 = arith.constant 1 : i32
    %add3A_920 = arith.addi %sub3A_918, %add3A_919 : i32
    %jit3A_921 = arith.constant 0 : i32
    %select_n3A_922 = arith.select %gt3A_917, %add3A_920, %jit3A_921 : i32
    %ge3A_923 = vector.broadcast %add3A_864 : i32 to vector<1x32xi32>
    %ge3A_924 = arith.cmpi sge, %iota3A_350, %ge3A_923 : vector<1x32xi32>
    %add3A_925 = arith.addi %add3A_864, %select_n3A_922 : i32
    %lt3A_926 = vector.broadcast %add3A_925 : i32 to vector<1x32xi32>
    %lt3A_927 = arith.cmpi slt, %iota3A_350, %lt3A_926 : vector<1x32xi32>
    %and3A_928 = arith.andi %ge3A_924, %lt3A_927 : vector<1x32xi1>
    %jit3A_929 = arith.constant 7 : i32
    %broadcast_in_dim3A_930 = vector.broadcast %jit3A_929 : i32 to vector<1x32xi32>
    %select_n3A_931 = arith.select %and3A_928, %broadcast_in_dim3A_930, %select_n3A_858 : vector<1x32xi1>, vector<1x32xi32>
    %sub3A_932 = vector.broadcast %add3A_864 : i32 to vector<1x32xi32>
    %sub3A_933 = arith.subi %iota3A_350, %sub3A_932 : vector<1x32xi32>
    %add3A_934 = vector.broadcast %select_n3A_888 : i32 to vector<1x32xi32>
    %add3A_935 = arith.addi %add3A_934, %sub3A_933 : vector<1x32xi32>
    %select_n3A_936 = arith.select %and3A_928, %add3A_935, %select_n3A_863 : vector<1x32xi1>, vector<1x32xi32>
    %swap3A_937 = arith.constant 0 : index
    %swap3A_938 = arith.constant 0 : index
    %swap3A_939 = vector.load %arg3[%swap3A_937, %swap3A_938] : memref<1x32xi32, #tpu.memory_space<vmem>>, vector<1x32xi32>
    tpu.vector_store %arg3[%swap3A_937, %swap3A_938], %select_n3A_931 {strides = array<i32>} : memref<1x32xi32, #tpu.memory_space<vmem>>, vector<1x32xi32>,
    %swap3A_940 = arith.constant 0 : index
    %swap3A_941 = arith.constant 0 : index
    %swap3A_942 = vector.load %arg4[%swap3A_940, %swap3A_941] : memref<1x32xi32, #tpu.memory_space<vmem>>, vector<1x32xi32>
    tpu.vector_store %arg4[%swap3A_940, %swap3A_941], %select_n3A_936 {strides = array<i32>} : memref<1x32xi32, #tpu.memory_space<vmem>>, vector<1x32xi32>,
    return
  }
}

</mosaic_0001>

<sc_bundles>
// kernel: kernel.6.cloned.1.call-start
scs
__scs_entry_jumppad:
0x0: {  	(pc) =	sbr.rel $0x88, $3  }
0x1: {  	(tag) =	ssettag $0x0;
	lr =	simm.s32 $0x1  }
0x2: {  	[smem:$0x3F9C] =	sst lr;
	_ =	strace $0xD0000000  }
0x3: {  	_ = 	snop  }
0x4: {  	_ = 	snop  }
0x5: {  	_ = 	snop  }
0x6: {  	_ = 	snop  }
0x7: {  	_ = 	snop  }
__scs_overlays_trampoline_lowered:
0x8: {  	[smem:$0x3FAB] =	sst s0  }
0x9: {  	[smem:$0x3FAC] =	sst s1  }
0xa: {  	[smem:$0x3FAD] =	sst s2  }
0xb: {  	[smem:$0x3FAE] =	sst s3  }
0xc: {  	[smem:$0x3FAF] =	sst s4  }
0xd: {  	[smem:$0x3FB0] =	sst s5  }
0xe: {  	[smem:$0x3FB1] =	sst s6  }
0xf: {  	[smem:$0x3FB2] =	sst s7  }
0x10: {  	[smem:$0x3FB3] =	sst s8  }
0x11: {  	[smem:$0x3FB4] =	sst s9;
	s0 =	simm.s32 @!p0 $0x0  }
0x12: {  	s1 =	sld [smem:$0x3F9A];
	s0 =	simm.s32 @p0 $0x1  }
0x13: {  	[smem:$0x3FB5] =	sst s0;
	s0 =	simm.s32 @!p1 $0x0  }
0x14: {  	s2 =	sld [smem:$0x3F99];
	s0 =	simm.s32 @p1 $0x1  }
0x15: {  	[smem:$0x3FB6] =	sst s0;
	s0 =	simm.s32 @!p2 $0x0  }
0x16: {  	s3 =	sld [smem:$0x3FDB];
	s0 =	simm.s32 @p2 $0x1  }
0x17: {  	s4 =	simm.s32 $0x1BF5;
	[smem:$0x3FB8] =	sst s0  }
0x18: {  	s0 =	sld [smem:$0x3F9B];
	_ =	swait.ge [sflag:s4], $0x0  }
0x19: {  	s7 =	sld [smem:$0x3F9C]  }
0x1a: {  	s8 =	sadd.s32 $0xFFFFE003, lr  }
0x1b: {  	s9 =	sadd.s32 $0xFFFFFEF7, lr;
	s5 =	simm.s32 $0xFFFFFFFF;
	p2 =	slt.u32 s8, $0xFFFFF086  }
0x1c: {  	p1 =	slt.u32 s9, $0xF7A;
	s5 =	simm.s32 @!p2 $0x0  }
0x1d: {  	s5 =	simm.s32 @p1 $0x1;
	p0 =	seq.s32 s7, s2  }
0x1e: {  	s7 =	smul.u32 @!p0 $0xF7A, s2;
	p2 =	seq.s32 @!p0 s5, $0x0  }
0x1f: {  	s9 =	smul.u32 $0xF7A, s1;
	s8 =	simm.s32 @!p0 $0x1BF5;
	p2 =	por !p2, p0  }
0x20: {  	[sflag:s8] =	ssyncset.s32 @!p0 $0xFFFFF086;
	s6 =	sadd.s32 @!p0 s3, s7;
	s7 =	simm.s32 @!p0 $0x108  }
0x21: {  	s3 =	sadd.s32 s3, s9;
	s6 =	sadd.s32 @!p0 $0x88, s6;
	s7 =	simm.s32 @p2 $0x1082  }
0x22: {  	[simem:s7], [sflag:s8] =	dma.local @!p0 [hbm:s6], $0xF7A  }
0x23: {  	s9 =	sor.u32 $0xD0000000, s2;
	s6 =	simm.s32 $0x108;
	_ =	swait.ge @!p0 [sflag:s8], $0x0  }
0x24: {  	s3 =	sadd.s32 $0x88, s3;
	s6 =	simm.s32 @!p1 $0x1082;
	[sflag:s4] =	ssyncset.s32 $0xFFFFF086  }
0x25: {  	[simem:s6], [sflag:s4] =	dma.local [hbm:s3], $0xF7A  }
0x26: {  	[smem:$0x3F9C] =	sst s1;
	(tag) =	ssettag s2;
	_ =	strace s9  }
0x27: {  	s1 =	sld [smem:$0x3FAC]  }
0x28: {  	s2 =	sld [smem:$0x3FAD]  }
0x29: {  	s4 =	sld [smem:$0x3FAF]  }
0x2a: {  	p0 =	seq.s32 s5, $0x0;
	s5 =	sld [smem:$0x3FB0]  }
0x2b: {  	s6 =	sld [smem:$0x3FB1]  }
0x2c: {  	s7 =	sld [smem:$0x3FB2]  }
0x2d: {  	s3 =	simm.s32 $0x108;
	s8 =	sld [smem:$0x3FB3]  }
0x2e: {  	s3 =	simm.s32 @!p0 $0x1082;
	s9 =	sld [smem:$0x3FB4]  }
0x2f: {  	lr =	sadd.s32 s0, s3;
	s0 =	sld [smem:$0x3FAB]  }
0x30: {  	s3 =	sld [smem:$0x3FAE]  }
0x31: {  	[smem:$0x3FB7] =	sst s10  }
0x32: {  	s10 =	sld [smem:$0x3FB5];
	_ =	sdelay $0x3  }
0x33: {  	p0 =	seq.s32 s10, $0x1;
	s10 =	sld [smem:$0x3FB7];
	_ =	sdelay $0x3  }
0x34: {  	[smem:$0x3FB7] =	sst s10  }
0x35: {  	s10 =	sld [smem:$0x3FB6];
	_ =	sdelay $0x3  }
0x36: {  	p1 =	seq.s32 s10, $0x1;
	s10 =	sld [smem:$0x3FB7];
	_ =	sdelay $0x3  }
0x37: {  	[smem:$0x3FB7] =	sst s10  }
0x38: {  	s10 =	sld [smem:$0x3FB8]  }
0x39: {  	_ = 	snop;
	(pc) =	sbr.ind lr, $3  }
0x3a: {  	_ = 	snop  }
0x3b: {  	_ = 	snop  }
0x3c: {  	p2 =	seq.s32 s10, $0x1;
	s10 =	sld [smem:$0x3FB7]  }
0x3d: {  	_ =	shalt  }
0x3e: {  	_ =	shalt  }
0x3f: {  	_ =	shalt  }
0x40: {  	_ =	shalt  }
0x41: {  	_ =	shalt  }
0x42: {  	_ =	shalt  }
0x43: {  	_ =	shalt  }
0x44: {  	_ =	shalt  }
0x45: {  	_ =	shalt  }
0x46: {  	_ =	shalt  }
0x47: {  	_ =	shalt  }
0x48: {  	_ =	shalt  }
0x49: {  	_ =	shalt  }
0x4a: {  	_ =	shalt  }
0x4b: {  	_ =	shalt  }
0x4c: {  	_ =	shalt  }
0x4d: {  	_ =	shalt  }
0x4e: {  	_ =	shalt  }
0x4f: {  	_ =	shalt  }
0x50: {  	_ =	shalt  }
0x51: {  	_ =	shalt  }
0x52: {  	_ =	shalt  }
0x53: {  	_ =	shalt  }
0x54: {  	_ =	shalt  }
0x55: {  	_ =	shalt  }
0x56: {  	_ =	shalt  }
0x57: {  	_ =	shalt  }
0x58: {  	_ =	shalt  }
0x59: {  	_ =	shalt  }
0x5a: {  	_ =	shalt  }
0x5b: {  	_ =	shalt  }
0x5c: {  	_ =	shalt  }
0x5d: {  	_ =	shalt  }
0x5e: {  	_ =	shalt  }
0x5f: {  	_ =	shalt  }
0x60: {  	_ =	shalt  }
0x61: {  	_ =	shalt  }
0x62: {  	_ =	shalt  }
0x63: {  	_ =	shalt  }
0x64: {  	_ =	shalt  }
0x65: {  	_ =	shalt  }
0x66: {  	_ =	shalt  }
0x67: {  	_ =	shalt  }
0x68: {  	_ =	shalt  }
0x69: {  	_ =	shalt  }
0x6a: {  	_ =	shalt  }
0x6b: {  	_ =	shalt  }
0x6c: {  	_ =	shalt  }
0x6d: {  	_ =	shalt  }
0x6e: {  	_ =	shalt  }
0x6f: {  	_ =	shalt  }
0x70: {  	_ =	shalt  }
0x71: {  	_ =	shalt  }
0x72: {  	_ =	shalt  }
0x73: {  	_ =	shalt  }
0x74: {  	_ =	shalt  }
0x75: {  	_ =	shalt  }
0x76: {  	_ =	shalt  }
0x77: {  	_ =	shalt  }
0x78: {  	_ =	shalt  }
0x79: {  	_ =	shalt  }
0x7a: {  	_ =	shalt  }
0x7b: {  	_ =	shalt  }
0x7c: {  	_ =	shalt  }
0x7d: {  	_ =	shalt  }
0x7e: {  	_ =	shalt  }
0x7f: {  	_ =	shalt  }
0x80: {  	_ =	shalt  }
0x81: {  	_ =	shalt  }
0x82: {  	_ =	shalt  }
0x83: {  	_ =	shalt  }
0x84: {  	_ =	shalt  }
0x85: {  	_ =	shalt  }
0x86: {  	_ =	shalt  }
0x87: {  	_ =	shalt  }
.Lfunc_end0:
.L_simem_size_0:
called_computation_lowered:
.L_overlay_start_0:
0x88: {  	s2 =	sld [smem:$0x3FD9]  }
0x89: {  	s3 =	sld [smem:$0x3FFE];
	_ =	sdelay $0x1  }
0x8a: {  	s1 =	srdreg.scid  }
0x8b: {  	s0 =	sand.u32 $0x1, s1  }
0x8c: {  	s17 =	sshll.u32 s0, $0xA;
	s2 =	sadd.s32 s3, s2  }
0x8d: {  	s2 =	sadd.s32 s2, s17  }
0x8e: {  	[smem:$0x3FC3] =	sst s2  }
0x8f: {  	_ = 	snop  }
0x90: {  	s2 =	sld [smem:$0x3FC9]  }
0x91: {  	s18 =	sld [smem:$0x3FD0];
	(tm) =	ssettm $0x1  }
0x92: {  	s4 =	sld [smem:$0x3FFB];
	_ =	sdelay $0x3  }
0x93: {  	_ =	strace s4  }
0x94: {  	s4 =	sld [smem:$0x3FFC];
	_ =	sdelay $0x3  }
0x95: {  	_ =	strace s4  }
0x96: {  	s4 =	sld [smem:$0x3FFD];
	_ =	sdelay $0x3  }
0x97: {  	_ =	strace s4  }
0x98: {  	_ =	strace $0x8FFFFFFF  }
0x99: {  	s19 =	sld [smem:$0x3FDB];
	_ =	sdelay $0x1  }
0x9a: {  	s5 =	simm.s32 $_scs_section_size  }
0x9b: {  	s6 =	simm.s32 $_size__tile_overlayer_lowered;
	s7 =	simm.s32 $_tile_overlayer_lowered  }
0x9c: {  	s22 =	simm.s32 $0x1BFF;
	s21 =	sshll.u32 s7, $0x1;
	s4 =	sadd.s32 s5, s19  }
0x9d: {  	s8 =	simm.s32 $0x0;
	s20 =	sshll.u32 s6, $0x1;
	s6 =	sadd.s32 s21, s4  }
0x9e: {  	[timem:s8], [sflag:s22] =	dma.local [hbm:s6], s20  }
0x9f: {  	_ =	swait.ge [sflag:s22], s20  }
0xa0: {  	s5 =	ssub.s32 $0x0, s20;
	[sflag:s22] =	ssyncset.done $0x0  }
0xa1: {  	[sflag:s22] =	ssyncadd.s32 s5;
	_ =	sdelay $0x1  }
0xa2: {  	s23 =	simm.s32 $0x1B8B  }
0xa3: {  	_ =	swait.ge [sflag:s23], $0x1  }
0xa4: {  	[sflag:s23] =	ssyncset.done $0x0  }
0xa5: {  	s25 =	simm.s32 $0x1B8E;
	s24 =	sld [smem:$0x3FFE];
	[sflag:s23] =	ssyncadd.s32 $0xFFFFFFFF  }
0xa6: {  	s26 =	simm.s32 $execute0_lowered;
	[smem:$0x3FD2] =	sst s25  }
0xa7: {  	s6 =	sshll.u32 s26, $0x1;
	_ =	strace $0x80000046;
	[dreg:$0x1] =	wrdreg $0xFFFFFFFF  }
0xa8: {  	s28 =	simm.s32 $_size_execute0_lowered;
	s4 =	sadd.s32 s4, s6;
	[dreg:$0x0] =	wrdreg $0x0  }
0xa9: {  	s6 =	sshll.u32 s28, $0x1;
	[dreg:$0x2] =	wrdreg s4  }
0xaa: {  	[dreg:$0x3] =	wrdreg s6  }
0xab: {  	[dreg:$0x4] =	wrdreg $0xC0  }
0xac: {  	_ =	task [dreg:s8], $0x5FFFF  }
0xad: {  	[dreg:$0x1] =	wrdreg $0xFFFFFFFF  }
0xae: {  	[dreg:$0x0] =	wrdreg $0x60  }
0xaf: {  	[dreg:$0x2] =	wrdreg s2  }
0xb0: {  	[dreg:$0x3] =	wrdreg s18  }
0xb1: {  	[dreg:$0x4] =	wrdreg s24  }
0xb2: {  	[dreg:$0x5] =	wrdreg $0x9  }
0xb3: {  	_ =	task.clear_ibuf [dreg:s8], $0x6FFFF;
	_ =	strace $0x90000046  }
0xb4: {  	s29 =	simm.s32 $0x9;
	_ =	strace $0x80000048  }
0xb5: {  	_ =	swait.ge [sflag:s29], $0x1  }
0xb6: {  	[sflag:s29] =	ssyncadd.s32 $0xFFFFFFFF  }
0xb7: {  	_ =	strace $0x90000048  }
0xb8: {  	_ =	sfence  }
0xb9: {  	s30 =	sld [smem:$0x0];
	_ =	sdelay $0x2  }
0xba: {  	s31 =	sshll.u32 s1, $0xD;
	s1 =	sshrl.u32 s1, $0x2  }
0xbb: {  	s3 =	sand.u32 $0x4000, s31;
	s1 =	sadd.s32 s1, s30  }
0xbc: {  	s0 =	sor.u32 s3, s0;
	s1 =	sshll.u32 s1, $0x11  }
0xbd: {  	s0 =	sor.u32 s1, s0  }
0xbe: {  	s0 =	sadd.s32 $0x8F2B, s0  }
0xbf: {  	[sflag:s0] =	ssyncadd.remote.s32 $0x1  }
0xc0: {  	_ =	sfence.sel $0xFFFF  }
0xc1: {  	[dreg:$0x0] =	wrdreg $0xFFFFFFFF;
	(pc) =	sbr.abs _section_cstart, $3  }
0xc2: {  	[dreg:$0x1] =	wrdreg $0xFFFFFFFF  }
0xc3: {  	_ =	task.clear_ibuf [dreg:s8], $0x2FFFF;
	_ =	strace $0x9FFFFFFF  }
0xc4: {  	(tm) =	ssettm $0x7FFFFFFF  }
0xc5: {  	_ =	shalt  }
tec
execute0_lowered:
.L_overlay_start_1:
0x0: {  	(tag) =	ssettag $0x1  }
0x1: {  	s5 =	rddreg [dreg:$0x0]  }
0x2: {  	s4 =	rddreg [dreg:$0x1]  }
0x3: {  	s8 =	rddreg [dreg:$0x2]  }
0x4: {  	s0 =	rddreg [dreg:$0x3]  }
0x5: {  	s2 =	simm.s32 $0x0;
	s3 =	srdreg.scid;
	s1 =	stileid.u32  }
0x6: {  	s11 =	simm.s32 $0x100;
	s12 =	simm.s32 $0x900;
	s13 =	simm.s32 $0x1100  }
0x7: {  	s14 =	simm.s32 $0x1900;
	s15 =	simm.s32 $0x2100;
	s16 =	simm.s32 $0x2900  }
0x8: {  	s17 =	simm.s32 $0x3100;
	s18 =	simm.s32 $0x3900;
	s19 =	simm.s32 $0x4100  }
0x9: {  	s20 =	simm.s32 $0x4900;
	s21 =	simm.s32 $0x5100;
	s22 =	simm.s32 $0x5900  }
0xa: {  	s23 =	simm.s32 $0x6100;
	s24 =	simm.s32 $0x6900;
	s25 =	simm.s32 $0x7100  }
0xb: {  	s26 =	simm.s32 $0x7900;
	s28 =	simm.s32 $0x1;
	s29 =	simm.s32 $0x2  }
0xc: {  	[smem:$0x7FF] =	sst s2;
	s3 =	sand.u32 $0x1, s3;
	s6 =	sshll.u32 s1, $0x1  }
0xd: {  	_ =	strace $0x80000047;
	s7 =	ssub.s32 $0x2, s3;
	s6 =	sor.u32 s3, s6  }
0xe: {  	s3 =	sadd.s32 $0x1000, s8;
	s9 =	sshrl.u32 s7, $0x1;
	s10 =	sshll.u32 s6, $0x5  }
0xf: {  	v2 =	vlaneseq.u32;
	s6 =	sshll.u32 s6, $0xC;
	s9 =	ssub.s32 s7, s9;
	s4 =	sadd.s32 s4, s10  }
0x10: {  	vm0 =	vmmov $0xffff;
	v1 =	vshrl.u32 v2, $0x3;
	s5 =	sadd.s32 s5, s6;
	s6 =	sadd.s32 $0x1100, s8;
	s7 =	sadd.s32 $0x1200, s8  }
0x11: {  	v0 =	vand.u32 $0x7, v2;
	v2 =	vor.u32 $0x8, v2;
	v1 =	vmul.u32 $0x8, v1;
	s8 =	sadd.s32 $0x1300, s8;
	s10 =	simm.s32 $0x3;
	s9 =	smax.u32 s9, $0x1  }
.LBB2_1:
0x12: {  	[tilespmem:s2], [sflag:$0x3] =	stream.linear.gather [hbm4b:s4+s2], $0x100, $0x38;
	[tilespmem:$0x8100] =	vst v63  }
0x13: {  	_ =	swait.ge [sflag:s10], $0x100  }
0x14: {  	[sflag:s10] =	ssyncset.done $0x0  }
0x15: {  	[sflag:s10] =	ssyncadd.s32 $0xFFFFFF00  }
0x16: {  	[tilespmem:s11], [sflag:$0x3] =	stream.linear.gather [hbm4b:s5+s2], $0x8000, $0x38;
	[tilespmem:$0x8100] =	vst v63  }
0x17: {  	_ =	swait.ge [sflag:s10], $0x8000  }
0x18: {  	[sflag:s10] =	ssyncset.done $0x0  }
0x19: {  	[sflag:s10] =	ssyncadd.s32 $0xFFFF8000  }
0x1a: {  	v3 =	vld [tilespmem:$0x0];
	_ =	sdelay $0x4  }
0x1b: {  	v4 =	vshll.u32 v3, $0x3  }
0x1c: {  	v3 =	vand.u32 $0x7, v3;
	v4 =	vand.u32 $0xFFFFFFC0, v4  }
0x1d: {  	v3 =	vor.u32 v3, v4  }
0x1e: {  	v4 =	vperm.xlane v3, v0;
	_ =	sdelay $0x1  }
0x1f: {  	v4 =	vadd.s32 v1, v4;
	_ =	sdelay $0x4  }
0x20: {  	[hbm4b:s3+s2] =	stream.indirect_vreg.scatter [tilespmem:s11], [sflag:$0x1], $0x80, v4, vm0, $0xb8;
	[tilespmem:$0x8100] =	vst v63  }
0x21: {  	v3 =	vperm.xlane v3, v2  }
0x22: {  	[hbm4b:s6+s2] =	stream.indirect_vreg.scatter [tilespmem:s12], [sflag:$0x1], $0x80, v4, vm0, $0xb8;
	[tilespmem:$0x8100] =	vst v63  }
0x23: {  	v3 =	vadd.s32 v1, v3  }
0x24: {  	[hbm4b:s7+s2] =	stream.indirect_vreg.scatter [tilespmem:s13], [sflag:$0x1], $0x80, v4, vm0, $0xb8;
	[tilespmem:$0x8100] =	vst v63  }
0x25: {  	_ = 	snop  }
0x26: {  	[hbm4b:s8+s2] =	stream.indirect_vreg.scatter [tilespmem:s14], [sflag:$0x1], $0x80, v4, vm0, $0xb8;
	[tilespmem:$0x8100] =	vst v63  }
0x27: {  	_ = 	snop  }
0x28: {  	[hbm4b:s3+s2] =	stream.indirect_vreg.scatter [tilespmem:s15], [sflag:$0x1], $0x80, v3, vm0, $0xb8;
	[tilespmem:$0x8100] =	vst v63  }
0x29: {  	_ = 	snop  }
0x2a: {  	[hbm4b:s6+s2] =	stream.indirect_vreg.scatter [tilespmem:s16], [sflag:$0x1], $0x80, v3, vm0, $0xb8;
	[tilespmem:$0x8100] =	vst v63  }
0x2b: {  	_ = 	snop  }
0x2c: {  	[hbm4b:s7+s2] =	stream.indirect_vreg.scatter [tilespmem:s17], [sflag:$0x1], $0x80, v3, vm0, $0xb8;
	[tilespmem:$0x8100] =	vst v63  }
0x2d: {  	_ = 	snop  }
0x2e: {  	[hbm4b:s8+s2] =	stream.indirect_vreg.scatter [tilespmem:s18], [sflag:$0x1], $0x80, v3, vm0, $0xb8;
	[tilespmem:$0x8100] =	vst v63  }
0x2f: {  	v3 =	vld [tilespmem:$0x10];
	_ =	sdelay $0x4  }
0x30: {  	v61 =	vshll.u32 v3, $0x3  }
0x31: {  	v3 =	vand.u32 $0x7, v3;
	v4 =	vand.u32 $0xFFFFFFC0, v61  }
0x32: {  	v3 =	vor.u32 v3, v4  }
0x33: {  	v4 =	vperm.xlane v3, v0;
	_ =	sdelay $0x1  }
0x34: {  	v4 =	vadd.s32 v1, v4;
	_ =	sdelay $0x4  }
0x35: {  	[hbm4b:s3+s2] =	stream.indirect_vreg.scatter [tilespmem:s19], [sflag:$0x1], $0x80, v4, vm0, $0xb8;
	[tilespmem:$0x8100] =	vst v63  }
0x36: {  	v3 =	vperm.xlane v3, v2  }
0x37: {  	[hbm4b:s6+s2] =	stream.indirect_vreg.scatter [tilespmem:s20], [sflag:$0x1], $0x80, v4, vm0, $0xb8;
	[tilespmem:$0x8100] =	vst v63  }
0x38: {  	v3 =	vadd.s32 v1, v3  }
0x39: {  	[hbm4b:s7+s2] =	stream.indirect_vreg.scatter [tilespmem:s21], [sflag:$0x1], $0x80, v4, vm0, $0xb8;
	[tilespmem:$0x8100] =	vst v63  }
0x3a: {  	_ = 	snop  }
0x3b: {  	[hbm4b:s8+s2] =	stream.indirect_vreg.scatter [tilespmem:s22], [sflag:$0x1], $0x80, v4, vm0, $0xb8;
	[tilespmem:$0x8100] =	vst v63  }
0x3c: {  	_ = 	snop  }
0x3d: {  	[hbm4b:s3+s2] =	stream.indirect_vreg.scatter [tilespmem:s23], [sflag:$0x1], $0x80, v3, vm0, $0xb8;
	[tilespmem:$0x8100] =	vst v63  }
0x3e: {  	_ = 	snop  }
0x3f: {  	[hbm4b:s6+s2] =	stream.indirect_vreg.scatter [tilespmem:s24], [sflag:$0x1], $0x80, v3, vm0, $0xb8;
	[tilespmem:$0x8100] =	vst v63  }
0x40: {  	_ = 	snop  }
0x41: {  	[hbm4b:s7+s2] =	stream.indirect_vreg.scatter [tilespmem:s25], [sflag:$0x1], $0x80, v3, vm0, $0xb8;
	[tilespmem:$0x8100] =	vst v63  }
0x42: {  	_ = 	snop  }
0x43: {  	[hbm4b:s8+s2] =	stream.indirect_vreg.scatter [tilespmem:s26], [sflag:$0x1], $0x80, v3, vm0, $0xb8;
	[tilespmem:$0x8100] =	vst v63  }
0x44: {  	v3 =	vld [tilespmem:$0x80];
	_ =	sdelay $0x4  }
0x45: {  	v62 =	vshll.u32 v3, $0x3  }
0x46: {  	v3 =	vand.u32 $0x7, v3;
	v4 =	vand.u32 $0xFFFFFFC0, v62  }
0x47: {  	v3 =	vor.u32 v3, v4  }
0x48: {  	v4 =	vperm.xlane v3, v0;
	_ =	sdelay $0x1  }
0x49: {  	v4 =	vadd.s32 v1, v4;
	_ =	sdelay $0x4  }
0x4a: {  	[hbm4b:s3+s2] =	stream.indirect_vreg.scatter [tilespmem:s11], [sflag:$0x2], $0x80, v4, vm0, $0xb8;
	[tilespmem:$0x8100] =	vst v63  }
0x4b: {  	v3 =	vperm.xlane v3, v2  }
0x4c: {  	[hbm4b:s6+s2] =	stream.indirect_vreg.scatter [tilespmem:s12], [sflag:$0x2], $0x80, v4, vm0, $0xb8;
	[tilespmem:$0x8100] =	vst v63  }
0x4d: {  	v3 =	vadd.s32 v1, v3  }
0x4e: {  	[hbm4b:s7+s2] =	stream.indirect_vreg.scatter [tilespmem:s13], [sflag:$0x2], $0x80, v4, vm0, $0xb8;
	[tilespmem:$0x8100] =	vst v63  }
0x4f: {  	_ = 	snop  }
0x50: {  	[hbm4b:s8+s2] =	stream.indirect_vreg.scatter [tilespmem:s14], [sflag:$0x2], $0x80, v4, vm0, $0xb8;
	[tilespmem:$0x8100] =	vst v63  }
0x51: {  	_ = 	snop  }
0x52: {  	[hbm4b:s3+s2] =	stream.indirect_vreg.scatter [tilespmem:s15], [sflag:$0x2], $0x80, v3, vm0, $0xb8;
	[tilespmem:$0x8100] =	vst v63  }
0x53: {  	_ = 	snop  }
0x54: {  	[hbm4b:s6+s2] =	stream.indirect_vreg.scatter [tilespmem:s16], [sflag:$0x2], $0x80, v3, vm0, $0xb8;
	[tilespmem:$0x8100] =	vst v63  }
0x55: {  	_ = 	snop  }
0x56: {  	[hbm4b:s7+s2] =	stream.indirect_vreg.scatter [tilespmem:s17], [sflag:$0x2], $0x80, v3, vm0, $0xb8;
	[tilespmem:$0x8100] =	vst v63  }
0x57: {  	_ = 	snop  }
0x58: {  	[hbm4b:s8+s2] =	stream.indirect_vreg.scatter [tilespmem:s18], [sflag:$0x2], $0x80, v3, vm0, $0xb8;
	[tilespmem:$0x8100] =	vst v63  }
0x59: {  	v3 =	vld [tilespmem:$0x90];
	_ =	sdelay $0x4  }
0x5a: {  	v63 =	vshll.u32 v3, $0x3  }
0x5b: {  	v3 =	vand.u32 $0x7, v3;
	v4 =	vand.u32 $0xFFFFFFC0, v63  }
0x5c: {  	v3 =	vor.u32 v3, v4  }
0x5d: {  	v4 =	vperm.xlane v3, v0;
	_ =	sdelay $0x1  }
0x5e: {  	v4 =	vadd.s32 v1, v4;
	_ =	sdelay $0x4  }
0x5f: {  	[hbm4b:s3+s2] =	stream.indirect_vreg.scatter [tilespmem:s19], [sflag:$0x2], $0x80, v4, vm0, $0xb8;
	[tilespmem:$0x8100] =	vst v63  }
0x60: {  	v3 =	vperm.xlane v3, v2  }
0x61: {  	[hbm4b:s6+s2] =	stream.indirect_vreg.scatter [tilespmem:s20], [sflag:$0x2], $0x80, v4, vm0, $0xb8;
	[tilespmem:$0x8100] =	vst v63  }
0x62: {  	v3 =	vadd.s32 v1, v3  }
0x63: {  	[hbm4b:s7+s2] =	stream.indirect_vreg.scatter [tilespmem:s21], [sflag:$0x2], $0x80, v4, vm0, $0xb8;
	[tilespmem:$0x8100] =	vst v63  }
0x64: {  	_ = 	snop  }
0x65: {  	[hbm4b:s8+s2] =	stream.indirect_vreg.scatter [tilespmem:s22], [sflag:$0x2], $0x80, v4, vm0, $0xb8;
	[tilespmem:$0x8100] =	vst v63  }
0x66: {  	_ = 	snop  }
0x67: {  	[hbm4b:s3+s2] =	stream.indirect_vreg.scatter [tilespmem:s23], [sflag:$0x2], $0x80, v3, vm0, $0xb8;
	[tilespmem:$0x8100] =	vst v63  }
0x68: {  	_ = 	snop  }
0x69: {  	[hbm4b:s6+s2] =	stream.indirect_vreg.scatter [tilespmem:s24], [sflag:$0x2], $0x80, v3, vm0, $0xb8;
	[tilespmem:$0x8100] =	vst v63  }
0x6a: {  	_ = 	snop  }
0x6b: {  	[hbm4b:s7+s2] =	stream.indirect_vreg.scatter [tilespmem:s25], [sflag:$0x2], $0x80, v3, vm0, $0xb8;
	[tilespmem:$0x8100] =	vst v63  }
0x6c: {  	_ = 	snop  }
0x6d: {  	[hbm4b:s8+s2] =	stream.indirect_vreg.scatter [tilespmem:s26], [sflag:$0x2], $0x80, v3, vm0, $0xb8;
	[tilespmem:$0x8100] =	vst v63  }
0x6e: {  	p0 =	sne.s32 s9, $0x1;
	_ =	swait.ge [sflag:s28], $0x8000  }
.Ltmp0:
0x6f: {  	[sflag:s28] =	ssyncset.done $0x0;
	(pc) =	sbr.rel @p0 .LBB2_1-.Ltmp0, $4  }
0x70: {  	[sflag:s28] =	ssyncadd.s32 $0xFFFF8000  }
0x71: {  	_ =	swait.ge [sflag:s29], $0x8000  }
0x72: {  	[sflag:s29] =	ssyncset.done $0x0  }
0x73: {  	s9 =	sadd.s32 $0xFFFFFFFF, s9;
	[sflag:s29] =	ssyncadd.s32 $0xFFFF8000  }
0x74: {  	_ =	sfence.sel $0x180000  }
0x75: {  	[bflag:$0x0] =	sbarrier.arrive $0xFFFF  }
0x76: {  	p0 =	sne.s32 s1, $0x0;
	_ =	strace $0x90000047  }
0x77: {  	s0 =	sadd.s32 @!p0 $0x100000, s0;
	[bflag:$0x2] =	sbarrier.arrive $0xFFFF  }
0x78: {  	[sflag:s0] =	ssyncadd.tile.s32 @!p0 $0x1;
	_ =	shalt  }
.Lfunc_end2:
_tile_overlayer_lowered:
.L_overlay_start_2:
0x79: {  	(tag) =	ssettag $0x2  }
0x7a: {  	s0 =	rddreg [dreg:$0x0];
	s2 =	stileid.u32  }
0x7b: {  	s1 =	rddreg [dreg:$0x1];
	p0 =	sne.s32 s2, $0x0  }
0x7c: {  	s3 =	rddreg [dreg:$0x2];
	[bflag:$0x3] =	sbarrier.arrive $0xFFFF;
	s2 =	simm.s32 @!p0 $0x1C03  }
0x7d: {  	[timem:s3], [sflag:s2] =	dma.local @!p0 [hbm:s0], s1  }
0x7e: {  	s0 =	simm.s32 @!p0 $0x3  }
0x7f: {  	_ =	swait.ge @!p0 [sflag:s0], s1  }
0x80: {  	s1 =	ssub.s32 @!p0 $0x0, s1;
	[sflag:s0] =	ssyncset.done @!p0 $0x0  }
0x81: {  	[sflag:s0] =	ssyncadd.s32 @!p0 s1  }
0x82: {  	[bflag:$0x3] =	sbarrier.arrive $0xFFFF  }
0x83: {  	_ =	shalt  }

// kernel: kernel.9.cloned.1.call-start
scs
__scs_entry_jumppad:
0x0: {  	(pc) =	sbr.rel $0x88, $3  }
0x1: {  	(tag) =	ssettag $0x0;
	lr =	simm.s32 $0x1  }
0x2: {  	[smem:$0x3F9C] =	sst lr;
	_ =	strace $0xD0000000  }
0x3: {  	_ = 	snop  }
0x4: {  	_ = 	snop  }
0x5: {  	_ = 	snop  }
0x6: {  	_ = 	snop  }
0x7: {  	_ = 	snop  }
__scs_overlays_trampoline_lowered:
0x8: {  	[smem:$0x3FAB] =	sst s0  }
0x9: {  	[smem:$0x3FAC] =	sst s1  }
0xa: {  	[smem:$0x3FAD] =	sst s2  }
0xb: {  	[smem:$0x3FAE] =	sst s3  }
0xc: {  	[smem:$0x3FAF] =	sst s4  }
0xd: {  	[smem:$0x3FB0] =	sst s5  }
0xe: {  	[smem:$0x3FB1] =	sst s6  }
0xf: {  	[smem:$0x3FB2] =	sst s7  }
0x10: {  	[smem:$0x3FB3] =	sst s8  }
0x11: {  	[smem:$0x3FB4] =	sst s9;
	s0 =	simm.s32 @!p0 $0x0  }
0x12: {  	s1 =	sld [smem:$0x3F9A];
	s0 =	simm.s32 @p0 $0x1  }
0x13: {  	[smem:$0x3FB5] =	sst s0;
	s0 =	simm.s32 @!p1 $0x0  }
0x14: {  	s2 =	sld [smem:$0x3F99];
	s0 =	simm.s32 @p1 $0x1  }
0x15: {  	[smem:$0x3FB6] =	sst s0;
	s0 =	simm.s32 @!p2 $0x0  }
0x16: {  	s3 =	sld [smem:$0x3FDB];
	s0 =	simm.s32 @p2 $0x1  }
0x17: {  	s4 =	simm.s32 $0x1BF5;
	[smem:$0x3FB8] =	sst s0  }
0x18: {  	s0 =	sld [smem:$0x3F9B];
	_ =	swait.ge [sflag:s4], $0x0  }
0x19: {  	s7 =	sld [smem:$0x3F9C]  }
0x1a: {  	s8 =	sadd.s32 $0xFFFFE003, lr  }
0x1b: {  	s9 =	sadd.s32 $0xFFFFFEF7, lr;
	s5 =	simm.s32 $0xFFFFFFFF;
	p2 =	slt.u32 s8, $0xFFFFF086  }
0x1c: {  	p1 =	slt.u32 s9, $0xF7A;
	s5 =	simm.s32 @!p2 $0x0  }
0x1d: {  	s5 =	simm.s32 @p1 $0x1;
	p0 =	seq.s32 s7, s2  }
0x1e: {  	s7 =	smul.u32 @!p0 $0xF7A, s2;
	p2 =	seq.s32 @!p0 s5, $0x0  }
0x1f: {  	s9 =	smul.u32 $0xF7A, s1;
	s8 =	simm.s32 @!p0 $0x1BF5;
	p2 =	por !p2, p0  }
0x20: {  	[sflag:s8] =	ssyncset.s32 @!p0 $0xFFFFF086;
	s6 =	sadd.s32 @!p0 s3, s7;
	s7 =	simm.s32 @!p0 $0x108  }
0x21: {  	s3 =	sadd.s32 s3, s9;
	s6 =	sadd.s32 @!p0 $0x88, s6;
	s7 =	simm.s32 @p2 $0x1082  }
0x22: {  	[simem:s7], [sflag:s8] =	dma.local @!p0 [hbm:s6], $0xF7A  }
0x23: {  	s9 =	sor.u32 $0xD0000000, s2;
	s6 =	simm.s32 $0x108;
	_ =	swait.ge @!p0 [sflag:s8], $0x0  }
0x24: {  	s3 =	sadd.s32 $0x88, s3;
	s6 =	simm.s32 @!p1 $0x1082;
	[sflag:s4] =	ssyncset.s32 $0xFFFFF086  }
0x25: {  	[simem:s6], [sflag:s4] =	dma.local [hbm:s3], $0xF7A  }
0x26: {  	[smem:$0x3F9C] =	sst s1;
	(tag) =	ssettag s2;
	_ =	strace s9  }
0x27: {  	s1 =	sld [smem:$0x3FAC]  }
0x28: {  	s2 =	sld [smem:$0x3FAD]  }
0x29: {  	s4 =	sld [smem:$0x3FAF]  }
0x2a: {  	p0 =	seq.s32 s5, $0x0;
	s5 =	sld [smem:$0x3FB0]  }
0x2b: {  	s6 =	sld [smem:$0x3FB1]  }
0x2c: {  	s7 =	sld [smem:$0x3FB2]  }
0x2d: {  	s3 =	simm.s32 $0x108;
	s8 =	sld [smem:$0x3FB3]  }
0x2e: {  	s3 =	simm.s32 @!p0 $0x1082;
	s9 =	sld [smem:$0x3FB4]  }
0x2f: {  	lr =	sadd.s32 s0, s3;
	s0 =	sld [smem:$0x3FAB]  }
0x30: {  	s3 =	sld [smem:$0x3FAE]  }
0x31: {  	[smem:$0x3FB7] =	sst s10  }
0x32: {  	s10 =	sld [smem:$0x3FB5];
	_ =	sdelay $0x3  }
0x33: {  	p0 =	seq.s32 s10, $0x1;
	s10 =	sld [smem:$0x3FB7];
	_ =	sdelay $0x3  }
0x34: {  	[smem:$0x3FB7] =	sst s10  }
0x35: {  	s10 =	sld [smem:$0x3FB6];
	_ =	sdelay $0x3  }
0x36: {  	p1 =	seq.s32 s10, $0x1;
	s10 =	sld [smem:$0x3FB7];
	_ =	sdelay $0x3  }
0x37: {  	[smem:$0x3FB7] =	sst s10  }
0x38: {  	s10 =	sld [smem:$0x3FB8]  }
0x39: {  	_ = 	snop;
	(pc) =	sbr.ind lr, $3  }
0x3a: {  	_ = 	snop  }
0x3b: {  	_ = 	snop  }
0x3c: {  	p2 =	seq.s32 s10, $0x1;
	s10 =	sld [smem:$0x3FB7]  }
0x3d: {  	_ =	shalt  }
0x3e: {  	_ =	shalt  }
0x3f: {  	_ =	shalt  }
0x40: {  	_ =	shalt  }
0x41: {  	_ =	shalt  }
0x42: {  	_ =	shalt  }
0x43: {  	_ =	shalt  }
0x44: {  	_ =	shalt  }
0x45: {  	_ =	shalt  }
0x46: {  	_ =	shalt  }
0x47: {  	_ =	shalt  }
0x48: {  	_ =	shalt  }
0x49: {  	_ =	shalt  }
0x4a: {  	_ =	shalt  }
0x4b: {  	_ =	shalt  }
0x4c: {  	_ =	shalt  }
0x4d: {  	_ =	shalt  }
0x4e: {  	_ =	shalt  }
0x4f: {  	_ =	shalt  }
0x50: {  	_ =	shalt  }
0x51: {  	_ =	shalt  }
0x52: {  	_ =	shalt  }
0x53: {  	_ =	shalt  }
0x54: {  	_ =	shalt  }
0x55: {  	_ =	shalt  }
0x56: {  	_ =	shalt  }
0x57: {  	_ =	shalt  }
0x58: {  	_ =	shalt  }
0x59: {  	_ =	shalt  }
0x5a: {  	_ =	shalt  }
0x5b: {  	_ =	shalt  }
0x5c: {  	_ =	shalt  }
0x5d: {  	_ =	shalt  }
0x5e: {  	_ =	shalt  }
0x5f: {  	_ =	shalt  }
0x60: {  	_ =	shalt  }
0x61: {  	_ =	shalt  }
0x62: {  	_ =	shalt  }
0x63: {  	_ =	shalt  }
0x64: {  	_ =	shalt  }
0x65: {  	_ =	shalt  }
0x66: {  	_ =	shalt  }
0x67: {  	_ =	shalt  }
0x68: {  	_ =	shalt  }
0x69: {  	_ =	shalt  }
0x6a: {  	_ =	shalt  }
0x6b: {  	_ =	shalt  }
0x6c: {  	_ =	shalt  }
0x6d: {  	_ =	shalt  }
0x6e: {  	_ =	shalt  }
0x6f: {  	_ =	shalt  }
0x70: {  	_ =	shalt  }
0x71: {  	_ =	shalt  }
0x72: {  	_ =	shalt  }
0x73: {  	_ =	shalt  }
0x74: {  	_ =	shalt  }
0x75: {  	_ =	shalt  }
0x76: {  	_ =	shalt  }
0x77: {  	_ =	shalt  }
0x78: {  	_ =	shalt  }
0x79: {  	_ =	shalt  }
0x7a: {  	_ =	shalt  }
0x7b: {  	_ =	shalt  }
0x7c: {  	_ =	shalt  }
0x7d: {  	_ =	shalt  }
0x7e: {  	_ =	shalt  }
0x7f: {  	_ =	shalt  }
0x80: {  	_ =	shalt  }
0x81: {  	_ =	shalt  }
0x82: {  	_ =	shalt  }
0x83: {  	_ =	shalt  }
0x84: {  	_ =	shalt  }
0x85: {  	_ =	shalt  }
0x86: {  	_ =	shalt  }
0x87: {  	_ =	shalt  }
.Lfunc_end0:
.L_simem_size_0:
called_computation.1_lowered:
.L_overlay_start_0:
0x88: {  	s2 =	sld [smem:$0x3FD9]  }
0x89: {  	s3 =	sld [smem:$0x3FFE];
	_ =	sdelay $0x1  }
0x8a: {  	s1 =	srdreg.scid  }
0x8b: {  	s0 =	sand.u32 $0x1, s1  }
0x8c: {  	s17 =	sshll.u32 s0, $0xA;
	s2 =	sadd.s32 s3, s2  }
0x8d: {  	s2 =	sadd.s32 s2, s17  }
0x8e: {  	[smem:$0x3FC3] =	sst s2  }
0x8f: {  	_ = 	snop  }
0x90: {  	s2 =	sld [smem:$0x3FD0];
	(tm) =	ssettm $0x1  }
0x91: {  	s18 =	sld [smem:$0x3FFB];
	_ =	sdelay $0x3  }
0x92: {  	_ =	strace s18  }
0x93: {  	s3 =	sld [smem:$0x3FFC];
	_ =	sdelay $0x3  }
0x94: {  	_ =	strace s3  }
0x95: {  	s3 =	sld [smem:$0x3FFD];
	_ =	sdelay $0x3  }
0x96: {  	_ =	strace s3  }
0x97: {  	_ =	strace $0x8FFFFFFF  }
0x98: {  	s19 =	sld [smem:$0x3FDB];
	_ =	sdelay $0x1  }
0x99: {  	s4 =	simm.s32 $_scs_section_size  }
0x9a: {  	s5 =	simm.s32 $_size__tile_overlayer_lowered;
	s6 =	simm.s32 $_tile_overlayer_lowered  }
0x9b: {  	s22 =	simm.s32 $0x1BFF;
	s21 =	sshll.u32 s6, $0x1;
	s3 =	sadd.s32 s4, s19  }
0x9c: {  	s7 =	simm.s32 $0x0;
	s20 =	sshll.u32 s5, $0x1;
	s5 =	sadd.s32 s21, s3  }
0x9d: {  	[timem:s7], [sflag:s22] =	dma.local [hbm:s5], s20  }
0x9e: {  	_ =	swait.ge [sflag:s22], s20  }
0x9f: {  	s4 =	ssub.s32 $0x0, s20;
	[sflag:s22] =	ssyncset.done $0x0  }
0xa0: {  	[sflag:s22] =	ssyncadd.s32 s4;
	_ =	sdelay $0x1  }
0xa1: {  	s23 =	simm.s32 $0x1B8B  }
0xa2: {  	_ =	swait.ge [sflag:s23], $0x1  }
0xa3: {  	[sflag:s23] =	ssyncset.done $0x0  }
0xa4: {  	s25 =	simm.s32 $0x1B8E;
	s24 =	sld [smem:$0x3FFE];
	[sflag:s23] =	ssyncadd.s32 $0xFFFFFFFF  }
0xa5: {  	s26 =	simm.s32 $execute0_lowered;
	[smem:$0x3FD2] =	sst s25  }
0xa6: {  	s5 =	sshll.u32 s26, $0x1;
	_ =	strace $0x80000049;
	[dreg:$0x1] =	wrdreg $0xFFFFFFFF  }
0xa7: {  	s28 =	simm.s32 $_size_execute0_lowered;
	s3 =	sadd.s32 s3, s5;
	[dreg:$0x0] =	wrdreg $0x0  }
0xa8: {  	s5 =	sshll.u32 s28, $0x1;
	[dreg:$0x2] =	wrdreg s3  }
0xa9: {  	[dreg:$0x3] =	wrdreg s5  }
0xaa: {  	[dreg:$0x4] =	wrdreg $0xC0  }
0xab: {  	_ =	task [dreg:s7], $0x5FFFF  }
0xac: {  	[dreg:$0x1] =	wrdreg $0xFFFFFFFF  }
0xad: {  	[dreg:$0x0] =	wrdreg $0x60  }
0xae: {  	[dreg:$0x2] =	wrdreg s24  }
0xaf: {  	[dreg:$0x3] =	wrdreg s2  }
0xb0: {  	[dreg:$0x4] =	wrdreg $0x9  }
0xb1: {  	_ =	task.clear_ibuf [dreg:s7], $0x5FFFF;
	_ =	strace $0x90000049  }
0xb2: {  	s29 =	simm.s32 $0x9;
	_ =	strace $0x8000004B  }
0xb3: {  	_ =	swait.ge [sflag:s29], $0x1  }
0xb4: {  	[sflag:s29] =	ssyncadd.s32 $0xFFFFFFFF  }
0xb5: {  	_ =	strace $0x9000004B  }
0xb6: {  	_ =	sfence  }
0xb7: {  	s30 =	sld [smem:$0x0];
	_ =	sdelay $0x2  }
0xb8: {  	s31 =	sshll.u32 s1, $0xD;
	s1 =	sshrl.u32 s1, $0x2  }
0xb9: {  	s3 =	sand.u32 $0x4000, s31;
	s1 =	sadd.s32 s1, s30  }
0xba: {  	s0 =	sor.u32 s3, s0;
	s1 =	sshll.u32 s1, $0x11  }
0xbb: {  	s0 =	sor.u32 s1, s0  }
0xbc: {  	s0 =	sadd.s32 $0x8F2B, s0  }
0xbd: {  	[sflag:s0] =	ssyncadd.remote.s32 $0x1  }
0xbe: {  	_ =	sfence.sel $0xFFFF  }
0xbf: {  	[dreg:$0x0] =	wrdreg $0xFFFFFFFF;
	(pc) =	sbr.abs _section_cstart, $3  }
0xc0: {  	[dreg:$0x1] =	wrdreg $0xFFFFFFFF  }
0xc1: {  	_ =	task.clear_ibuf [dreg:s7], $0x2FFFF;
	_ =	strace $0x9FFFFFFF  }
0xc2: {  	(tm) =	ssettm $0x7FFFFFFF  }
0xc3: {  	_ =	shalt  }
tec
execute0_lowered:
.L_overlay_start_1:
0x0: {  	(tag) =	ssettag $0x1  }
0x1: {  	s0 =	rddreg [dreg:$0x0]  }
0x2: {  	s1 =	rddreg [dreg:$0x1];
	s2 =	simm.s32 $0x0  }
0x3: {  	s3 =	srdreg.scid;
	s5 =	stileid.u32;
	s11 =	simm.s32 $0x2  }
0x4: {  	s12 =	simm.s32 $0xA080;
	s13 =	simm.s32 $0xA880;
	s14 =	simm.s32 $0xB080  }
0x5: {  	s15 =	simm.s32 $0xB880;
	s16 =	simm.s32 $0xC080;
	s17 =	simm.s32 $0xC880  }
0x6: {  	s18 =	simm.s32 $0xD080;
	s19 =	simm.s32 $0xD880;
	s20 =	simm.s32 $0xE080  }
0x7: {  	s21 =	simm.s32 $0xE880;
	s22 =	simm.s32 $0xF080;
	s23 =	simm.s32 $0xF880  }
0x8: {  	s24 =	simm.s32 $0x1;
	s25 =	simm.s32 $0x10080;
	s26 =	simm.s32 $0x0  }
0x9: {  	[smem:$0x7FF] =	sst s2;
	s4 =	sand.u32 $0x1, s3;
	s5 =	sshll.u32 s5, $0x1  }
0xa: {  	s3 =	sadd.s32 $0x1000, s0;
	s8 =	sadd.s32 $0x1300, s0;
	s9 =	sor.u32 s4, s5  }
0xb: {  	_ =	strace $0x8000004A;
	s4 =	ssub.s32 $0x2, s4;
	s5 =	sshll.u32 s9, $0x4  }
0xc: {  	s6 =	sshll.u32 s9, $0xA;
	s7 =	sshrl.u32 s4, $0x1;
	s31 =	sshll.u32 s9, $0xC  }
0xd: {  	v2 =	vlaneseq.u32;
	s5 =	sadd.s32 s5, s0;
	s6 =	sadd.s32 s6, s0;
	s10 =	ssub.s32 s4, s7  }
0xe: {  	vm0 =	vmmov $0xffff;
	v1 =	vshrl.u32 v2, $0x3;
	s7 =	sadd.s32 $0x1200, s0;
	s9 =	sadd.s32 s1, s31;
	s4 =	sadd.s32 $0x41000, s5  }
0xf: {  	v0 =	vand.u32 $0x7, v2;
	v2 =	vor.u32 $0x8, v2;
	v1 =	vmul.u32 $0x8, v1;
	s5 =	sadd.s32 $0x41200, s6;
	s6 =	sadd.s32 $0x1100, s0;
	s10 =	smax.u32 s10, $0x1  }
.LBB2_1:
0x10: {  	[tilespmem:s2], [sflag:$0x2] =	stream.linear.gather [hbm4b:s4+s2], $0x80, $0x38;
	[tilespmem:$0x1A080] =	vst v63  }
0x11: {  	_ =	swait.ge [sflag:s11], $0x80  }
0x12: {  	[sflag:s11] =	ssyncset.done $0x0  }
0x13: {  	s0 =	simm.s32 $0x18080;
	[sflag:s11] =	ssyncadd.s32 $0xFFFFFF80  }
0x14: {  	[tilespmem:s0], [sflag:$0x2] =	stream.linear.gather [hbm4b:s5+s2], $0x2000, $0x38;
	[tilespmem:$0x1A080] =	vst v63  }
0x15: {  	_ =	swait.ge [sflag:s11], $0x2000  }
0x16: {  	[sflag:s11] =	ssyncset.done $0x0  }
0x17: {  	[sflag:s11] =	ssyncadd.s32 $0xFFFFE000  }
0x18: {  	v3 =	vld [tilespmem:$0x0];
	_ =	sdelay $0x4  }
0x19: {  	v4 =	vshll.u32 v3, $0x3  }
0x1a: {  	v3 =	vand.u32 $0x7, v3;
	v4 =	vand.u32 $0xFFFFFFC0, v4  }
0x1b: {  	v3 =	vor.u32 v3, v4  }
0x1c: {  	v4 =	vperm.xlane v3, v0;
	_ =	sdelay $0x1  }
0x1d: {  	v4 =	vadd.s32 v1, v4;
	_ =	sdelay $0x3  }
0x1e: {  	s1 =	simm.s32 $0x80  }
0x1f: {  	[tilespmem:s1], [sflag:$0x1] =	stream.indirect_vreg.gather [hbm4b:s3+s2], $0x80, v4, vm0, $0xb8;
	[tilespmem:$0x1A080] =	vst v63  }
0x20: {  	v3 =	vperm.xlane v3, v2;
	s1 =	simm.s32 $0x880  }
0x21: {  	[tilespmem:s1], [sflag:$0x1] =	stream.indirect_vreg.gather [hbm4b:s6+s2], $0x80, v4, vm0, $0xb8;
	[tilespmem:$0x1A080] =	vst v63  }
0x22: {  	v3 =	vadd.s32 v1, v3;
	s1 =	simm.s32 $0x1080  }
0x23: {  	[tilespmem:s1], [sflag:$0x1] =	stream.indirect_vreg.gather [hbm4b:s7+s2], $0x80, v4, vm0, $0xb8;
	[tilespmem:$0x1A080] =	vst v63  }
0x24: {  	s1 =	simm.s32 $0x1880  }
0x25: {  	[tilespmem:s1], [sflag:$0x1] =	stream.indirect_vreg.gather [hbm4b:s8+s2], $0x80, v4, vm0, $0xb8;
	[tilespmem:$0x1A080] =	vst v63  }
0x26: {  	s1 =	simm.s32 $0x2080  }
0x27: {  	[tilespmem:s1], [sflag:$0x1] =	stream.indirect_vreg.gather [hbm4b:s3+s2], $0x80, v3, vm0, $0xb8;
	[tilespmem:$0x1A080] =	vst v63  }
0x28: {  	s1 =	simm.s32 $0x2880  }
0x29: {  	[tilespmem:s1], [sflag:$0x1] =	stream.indirect_vreg.gather [hbm4b:s6+s2], $0x80, v3, vm0, $0xb8;
	[tilespmem:$0x1A080] =	vst v63  }
0x2a: {  	s1 =	simm.s32 $0x3080  }
0x2b: {  	[tilespmem:s1], [sflag:$0x1] =	stream.indirect_vreg.gather [hbm4b:s7+s2], $0x80, v3, vm0, $0xb8;
	[tilespmem:$0x1A080] =	vst v63  }
0x2c: {  	s1 =	simm.s32 $0x3880  }
0x2d: {  	[tilespmem:s1], [sflag:$0x1] =	stream.indirect_vreg.gather [hbm4b:s8+s2], $0x80, v3, vm0, $0xb8;
	[tilespmem:$0x1A080] =	vst v63  }
0x2e: {  	v3 =	vld [tilespmem:$0x10];
	_ =	sdelay $0x4  }
0x2f: {  	v4 =	vshll.u32 v3, $0x3  }
0x30: {  	v3 =	vand.u32 $0x7, v3;
	v4 =	vand.u32 $0xFFFFFFC0, v4  }
0x31: {  	v3 =	vor.u32 v3, v4  }
0x32: {  	v4 =	vperm.xlane v3, v0;
	_ =	sdelay $0x1  }
0x33: {  	v4 =	vadd.s32 v1, v4;
	_ =	sdelay $0x3  }
0x34: {  	s1 =	simm.s32 $0x4080  }
0x35: {  	[tilespmem:s1], [sflag:$0x1] =	stream.indirect_vreg.gather [hbm4b:s3+s2], $0x80, v4, vm0, $0xb8;
	[tilespmem:$0x1A080] =	vst v63  }
0x36: {  	v3 =	vperm.xlane v3, v2;
	s1 =	simm.s32 $0x4880  }
0x37: {  	[tilespmem:s1], [sflag:$0x1] =	stream.indirect_vreg.gather [hbm4b:s6+s2], $0x80, v4, vm0, $0xb8;
	[tilespmem:$0x1A080] =	vst v63  }
0x38: {  	v3 =	vadd.s32 v1, v3;
	s1 =	simm.s32 $0x5080  }
0x39: {  	[tilespmem:s1], [sflag:$0x1] =	stream.indirect_vreg.gather [hbm4b:s7+s2], $0x80, v4, vm0, $0xb8;
	[tilespmem:$0x1A080] =	vst v63  }
0x3a: {  	s1 =	simm.s32 $0x5880  }
0x3b: {  	[tilespmem:s1], [sflag:$0x1] =	stream.indirect_vreg.gather [hbm4b:s8+s2], $0x80, v4, vm0, $0xb8;
	[tilespmem:$0x1A080] =	vst v63  }
0x3c: {  	s1 =	simm.s32 $0x6080  }
0x3d: {  	[tilespmem:s1], [sflag:$0x1] =	stream.indirect_vreg.gather [hbm4b:s3+s2], $0x80, v3, vm0, $0xb8;
	[tilespmem:$0x1A080] =	vst v63  }
0x3e: {  	s1 =	simm.s32 $0x6880  }
0x3f: {  	[tilespmem:s1], [sflag:$0x1] =	stream.indirect_vreg.gather [hbm4b:s6+s2], $0x80, v3, vm0, $0xb8;
	[tilespmem:$0x1A080] =	vst v63  }
0x40: {  	s1 =	simm.s32 $0x7080  }
0x41: {  	[tilespmem:s1], [sflag:$0x1] =	stream.indirect_vreg.gather [hbm4b:s7+s2], $0x80, v3, vm0, $0xb8;
	[tilespmem:$0x1A080] =	vst v63  }
0x42: {  	s1 =	simm.s32 $0x7880  }
0x43: {  	[tilespmem:s1], [sflag:$0x1] =	stream.indirect_vreg.gather [hbm4b:s8+s2], $0x80, v3, vm0, $0xb8;
	[tilespmem:$0x1A080] =	vst v63  }
0x44: {  	v3 =	vld [tilespmem:$0x20];
	_ =	sdelay $0x4  }
0x45: {  	v4 =	vshll.u32 v3, $0x3  }
0x46: {  	v3 =	vand.u32 $0x7, v3;
	v4 =	vand.u32 $0xFFFFFFC0, v4  }
0x47: {  	v3 =	vor.u32 v3, v4  }
0x48: {  	v4 =	vperm.xlane v3, v0;
	_ =	sdelay $0x1  }
0x49: {  	v4 =	vadd.s32 v1, v4;
	_ =	sdelay $0x3  }
0x4a: {  	s1 =	simm.s32 $0x8080  }
0x4b: {  	[tilespmem:s1], [sflag:$0x1] =	stream.indirect_vreg.gather [hbm4b:s3+s2], $0x80, v4, vm0, $0xb8;
	[tilespmem:$0x1A080] =	vst v63  }
0x4c: {  	v3 =	vperm.xlane v3, v2;
	s1 =	simm.s32 $0x8880  }
0x4d: {  	[tilespmem:s1], [sflag:$0x1] =	stream.indirect_vreg.gather [hbm4b:s6+s2], $0x80, v4, vm0, $0xb8;
	[tilespmem:$0x1A080] =	vst v63  }
0x4e: {  	v3 =	vadd.s32 v1, v3;
	s1 =	simm.s32 $0x9080  }
0x4f: {  	[tilespmem:s1], [sflag:$0x1] =	stream.indirect_vreg.gather [hbm4b:s7+s2], $0x80, v4, vm0, $0xb8;
	[tilespmem:$0x1A080] =	vst v63  }
0x50: {  	s1 =	simm.s32 $0x9880  }
0x51: {  	[tilespmem:s1], [sflag:$0x1] =	stream.indirect_vreg.gather [hbm4b:s8+s2], $0x80, v4, vm0, $0xb8;
	[tilespmem:$0x1A080] =	vst v63  }
0x52: {  	_ = 	snop  }
0x53: {  	[tilespmem:s12], [sflag:$0x1] =	stream.indirect_vreg.gather [hbm4b:s3+s2], $0x80, v3, vm0, $0xb8;
	[tilespmem:$0x1A080] =	vst v63  }
0x54: {  	_ = 	snop  }
0x55: {  	[tilespmem:s13], [sflag:$0x1] =	stream.indirect_vreg.gather [hbm4b:s6+s2], $0x80, v3, vm0, $0xb8;
	[tilespmem:$0x1A080] =	vst v63  }
0x56: {  	_ = 	snop  }
0x57: {  	[tilespmem:s14], [sflag:$0x1] =	stream.indirect_vreg.gather [hbm4b:s7+s2], $0x80, v3, vm0, $0xb8;
	[tilespmem:$0x1A080] =	vst v63  }
0x58: {  	_ = 	snop  }
0x59: {  	[tilespmem:s15], [sflag:$0x1] =	stream.indirect_vreg.gather [hbm4b:s8+s2], $0x80, v3, vm0, $0xb8;
	[tilespmem:$0x1A080] =	vst v63  }
0x5a: {  	v3 =	vld [tilespmem:$0x30];
	_ =	sdelay $0x4  }
0x5b: {  	v4 =	vshll.u32 v3, $0x3  }
0x5c: {  	v3 =	vand.u32 $0x7, v3;
	v4 =	vand.u32 $0xFFFFFFC0, v4  }
0x5d: {  	v3 =	vor.u32 v3, v4  }
0x5e: {  	v4 =	vperm.xlane v3, v0;
	_ =	sdelay $0x1  }
0x5f: {  	v4 =	vadd.s32 v1, v4;
	_ =	sdelay $0x4  }
0x60: {  	[tilespmem:s16], [sflag:$0x1] =	stream.indirect_vreg.gather [hbm4b:s3+s2], $0x80, v4, vm0, $0xb8;
	[tilespmem:$0x1A080] =	vst v63  }
0x61: {  	v3 =	vperm.xlane v3, v2  }
0x62: {  	[tilespmem:s17], [sflag:$0x1] =	stream.indirect_vreg.gather [hbm4b:s6+s2], $0x80, v4, vm0, $0xb8;
	[tilespmem:$0x1A080] =	vst v63  }
0x63: {  	v3 =	vadd.s32 v1, v3  }
0x64: {  	[tilespmem:s18], [sflag:$0x1] =	stream.indirect_vreg.gather [hbm4b:s7+s2], $0x80, v4, vm0, $0xb8;
	[tilespmem:$0x1A080] =	vst v63  }
0x65: {  	_ = 	snop  }
0x66: {  	[tilespmem:s19], [sflag:$0x1] =	stream.indirect_vreg.gather [hbm4b:s8+s2], $0x80, v4, vm0, $0xb8;
	[tilespmem:$0x1A080] =	vst v63  }
0x67: {  	_ = 	snop  }
0x68: {  	[tilespmem:s20], [sflag:$0x1] =	stream.indirect_vreg.gather [hbm4b:s3+s2], $0x80, v3, vm0, $0xb8;
	[tilespmem:$0x1A080] =	vst v63  }
0x69: {  	_ = 	snop  }
0x6a: {  	[tilespmem:s21], [sflag:$0x1] =	stream.indirect_vreg.gather [hbm4b:s6+s2], $0x80, v3, vm0, $0xb8;
	[tilespmem:$0x1A080] =	vst v63  }
0x6b: {  	_ = 	snop  }
0x6c: {  	[tilespmem:s22], [sflag:$0x1] =	stream.indirect_vreg.gather [hbm4b:s7+s2], $0x80, v3, vm0, $0xb8;
	[tilespmem:$0x1A080] =	vst v63  }
0x6d: {  	_ = 	snop  }
0x6e: {  	[tilespmem:s23], [sflag:$0x1] =	stream.indirect_vreg.gather [hbm4b:s8+s2], $0x80, v3, vm0, $0xb8;
	[tilespmem:$0x1A080] =	vst v63  }
0x6f: {  	_ =	swait.ge [sflag:s24], $0x10000  }
0x70: {  	[sflag:s24] =	ssyncset.done $0x0  }
0x71: {  	[sflag:s24] =	ssyncadd.s32 $0xFFFF0000  }
0x72: {  	s28 =	sand.u32 $0x1C00, s2;
	s1 =	sand.u32 $0x70, s2;
	v3 =	vld [tilespmem:$0x18080]  }
0x73: {  	s28 =	sor.u32 s1, s28;
	v4 =	vld [tilespmem:$0x18100]  }
0x74: {  	v5 =	vld [tilespmem:s28+$0x80]  }
0x75: {  	v6 =	vld [tilespmem:s28+$0x100];
	_ =	sdelay $0x1  }
0x76: {  	s29 =	simm.s32 $0x80;
	s1 =	simm.s32 $0x10  }
0x77: {  	s29 =	sand.u32 $0x1C00, s29;
	s0 =	sand.u32 $0x70, s1  }
0x78: {  	s29 =	sor.u32 s0, s29  }
0x79: {  	v7 =	vmul.f32 v5, v3;
	v8 =	vmul.f32 v6, v4;
	v5 =	vld [tilespmem:s29+$0x80]  }
0x7a: {  	v6 =	vld [tilespmem:s29+$0x100]  }
0x7b: {  	s30 =	simm.s32 $0x20;
	s31 =	simm.s32 $0x100;
	v7 =	vadd.f32 v8, v7  }
.LBB2_2:
0x7c: {  	s0 =	sand.u32 $0x70, s30  }
0x7d: {  	s1 =	sand.u32 $0x1C00, s31;
	[tilespmem:s28+$0x10080] =	vst v7;
	s28 =	smov.u32 s29;
	p0 =	sne.s32 s30, $0x3F0  }
.Ltmp0:
0x7e: {  	s30 =	sadd.s32 $0x10, s30;
	s29 =	sor.u32 s0, s1;
	(pc) =	sbr.rel @p0 .LBB2_2-.Ltmp0, $4  }
0x7f: {  	v7 =	vmul.f32 v5, v3;
	v5 =	vld [tilespmem:s29+$0x80];
	v8 =	vmul.f32 v6, v4  }
0x80: {  	v6 =	vld [tilespmem:s29+$0x100]  }
0x81: {  	v7 =	vadd.f32 v8, v7  }
0x82: {  	s31 =	sadd.s32 $0x80, s31  }
0x83: {  	_ =	sdelay $0x1  }
0x84: {  	v3 =	vmul.f32 v5, v3;
	v4 =	vmul.f32 v6, v4;
	_ =	sdelay $0x1  }
0x85: {  	v3 =	vadd.f32 v4, v3  }
0x86: {  	[tilespmem:s28+$0x10080] =	vst v7  }
0x87: {  	s0 =	simm.s32 $0x0;
	[tilespmem:s29+$0x10080] =	vst v3  }
0x88: {  	s1 =	sand.u32 $0x70, s0;
	s0 =	sand.u32 $0x1C00, s0;
	v3 =	vld [tilespmem:$0x18180]  }
0x89: {  	s28 =	sor.u32 s1, s0;
	v4 =	vld [tilespmem:$0x18200]  }
0x8a: {  	v5 =	vld [tilespmem:s28+$0x180]  }
0x8b: {  	v6 =	vld [tilespmem:s28+$0x200];
	_ =	sdelay $0x1  }
0x8c: {  	s0 =	simm.s32 $0x10;
	s1 =	simm.s32 $0x80  }
0x8d: {  	s0 =	sand.u32 $0x70, s0;
	s1 =	sand.u32 $0x1C00, s1  }
0x8e: {  	s29 =	sor.u32 s0, s1  }
0x8f: {  	v7 =	vmul.f32 v5, v3;
	v8 =	vmul.f32 v6, v4;
	v5 =	vld [tilespmem:s29+$0x180]  }
0x90: {  	v6 =	vld [tilespmem:s29+$0x200]  }
0x91: {  	s30 =	simm.s32 $0x20;
	s31 =	simm.s32 $0x100;
	v7 =	vadd.f32 v8, v7  }
.LBB2_4:
0x92: {  	s0 =	sand.u32 $0x70, s30  }
0x93: {  	s1 =	sand.u32 $0x1C00, s31;
	[tilespmem:s28+$0x10100] =	vst v7;
	s28 =	smov.u32 s29;
	p0 =	sne.s32 s30, $0x3F0  }
.Ltmp1:
0x94: {  	s30 =	sadd.s32 $0x10, s30;
	s29 =	sor.u32 s0, s1;
	(pc) =	sbr.rel @p0 .LBB2_4-.Ltmp1, $4  }
0x95: {  	v7 =	vmul.f32 v5, v3;
	v5 =	vld [tilespmem:s29+$0x180];
	v8 =	vmul.f32 v6, v4  }
0x96: {  	v6 =	vld [tilespmem:s29+$0x200]  }
0x97: {  	v7 =	vadd.f32 v8, v7  }
0x98: {  	s31 =	sadd.s32 $0x80, s31  }
0x99: {  	_ =	sdelay $0x1  }
0x9a: {  	v3 =	vmul.f32 v5, v3;
	v4 =	vmul.f32 v6, v4;
	_ =	sdelay $0x1  }
0x9b: {  	v3 =	vadd.f32 v4, v3  }
0x9c: {  	[tilespmem:s28+$0x10100] =	vst v7  }
0x9d: {  	s0 =	simm.s32 $0x0;
	[tilespmem:s29+$0x10100] =	vst v3  }
0x9e: {  	s1 =	sand.u32 $0x70, s0;
	s0 =	sand.u32 $0x1C00, s0;
	v3 =	vld [tilespmem:$0x18280]  }
0x9f: {  	s28 =	sor.u32 s1, s0;
	v4 =	vld [tilespmem:$0x18300]  }
0xa0: {  	v5 =	vld [tilespmem:s28+$0x280]  }
0xa1: {  	v6 =	vld [tilespmem:s28+$0x300];
	_ =	sdelay $0x1  }
0xa2: {  	s0 =	simm.s32 $0x10;
	s1 =	simm.s32 $0x80  }
0xa3: {  	s0 =	sand.u32 $0x70, s0;
	s1 =	sand.u32 $0x1C00, s1  }
0xa4: {  	s29 =	sor.u32 s0, s1  }
0xa5: {  	v7 =	vmul.f32 v5, v3;
	v8 =	vmul.f32 v6, v4;
	v5 =	vld [tilespmem:s29+$0x280]  }
0xa6: {  	v6 =	vld [tilespmem:s29+$0x300]  }
0xa7: {  	s30 =	simm.s32 $0x20;
	s31 =	simm.s32 $0x100;
	v7 =	vadd.f32 v8, v7  }
.LBB2_6:
0xa8: {  	s0 =	sand.u32 $0x70, s30  }
0xa9: {  	s1 =	sand.u32 $0x1C00, s31;
	[tilespmem:s28+$0x10180] =	vst v7;
	s28 =	smov.u32 s29;
	p0 =	sne.s32 s30, $0x3F0  }
.Ltmp2:
0xaa: {  	s30 =	sadd.s32 $0x10, s30;
	s29 =	sor.u32 s0, s1;
	(pc) =	sbr.rel @p0 .LBB2_6-.Ltmp2, $4  }
0xab: {  	v7 =	vmul.f32 v5, v3;
	v5 =	vld [tilespmem:s29+$0x280];
	v8 =	vmul.f32 v6, v4  }
0xac: {  	v6 =	vld [tilespmem:s29+$0x300]  }
0xad: {  	v7 =	vadd.f32 v8, v7  }
0xae: {  	s31 =	sadd.s32 $0x80, s31  }
0xaf: {  	_ =	sdelay $0x1  }
0xb0: {  	v3 =	vmul.f32 v5, v3;
	v4 =	vmul.f32 v6, v4;
	_ =	sdelay $0x1  }
0xb1: {  	v3 =	vadd.f32 v4, v3  }
0xb2: {  	[tilespmem:s28+$0x10180] =	vst v7  }
0xb3: {  	s0 =	simm.s32 $0x0;
	[tilespmem:s29+$0x10180] =	vst v3  }
0xb4: {  	s1 =	sand.u32 $0x70, s0;
	s28 =	sand.u32 $0x1C00, s0;
	v3 =	vld [tilespmem:$0x18380]  }
0xb5: {  	s0 =	sor.u32 s0, s0;
	s28 =	sor.u32 s1, s28;
	v4 =	vld [tilespmem:$0x18400]  }
0xb6: {  	s0 =	sor.u32 $0x380, s0;
	v5 =	vld [tilespmem:s28+$0x380]  }
0xb7: {  	v6 =	vld [tilespmem:s0+$0x80];
	_ =	sdelay $0x4  }
0xb8: {  	v5 =	vmul.f32 v5, v3;
	v6 =	vmul.f32 v6, v4  }
0xb9: {  	s29 =	simm.s32 $0x80;
	s0 =	simm.s32 $0x10  }
0xba: {  	s30 =	sand.u32 $0x1C00, s29;
	s1 =	sand.u32 $0x70, s0;
	v5 =	vadd.f32 v6, v5  }
0xbb: {  	s0 =	sor.u32 s29, s0;
	s31 =	sor.u32 s1, s30;
	s30 =	simm.s32 $0x20  }
.LBB2_8:
0xbc: {  	p0 =	sne.s32 s30, $0x3F0;
	v6 =	vld [tilespmem:s31+$0x380];
	s0 =	sor.u32 $0x380, s0;
	[tilespmem:s28+$0x10200] =	vst v5;
	s28 =	smov.u32 s31  }
0xbd: {  	v5 =	vld [tilespmem:s0+$0x80];
	_ =	sdelay $0x3  }
.Ltmp3:
0xbe: {  	(pc) =	sbr.rel @p0 .LBB2_8-.Ltmp3, $4  }
0xbf: {  	v6 =	vmul.f32 v6, v3;
	v5 =	vmul.f32 v5, v4  }
0xc0: {  	s29 =	sadd.s32 $0x80, s29  }
0xc1: {  	s0 =	sand.u32 $0x70, s30;
	s1 =	sand.u32 $0x1C00, s29;
	v5 =	vadd.f32 v5, v6  }
0xc2: {  	s31 =	sor.u32 s0, s1;
	s0 =	sor.u32 s29, s30;
	s30 =	sadd.s32 $0x10, s30  }
0xc3: {  	v6 =	vld [tilespmem:s31+$0x380];
	s0 =	sor.u32 $0x380, s0;
	[tilespmem:s28+$0x10200] =	vst v5  }
0xc4: {  	v5 =	vld [tilespmem:s0+$0x80];
	_ =	sdelay $0x4  }
0xc5: {  	v3 =	vmul.f32 v6, v3;
	v4 =	vmul.f32 v5, v4;
	_ =	sdelay $0x1  }
0xc6: {  	v3 =	vadd.f32 v4, v3;
	_ =	sdelay $0x1  }
0xc7: {  	s0 =	simm.s32 $0x0;
	[tilespmem:s31+$0x10200] =	vst v3  }
0xc8: {  	s1 =	sand.u32 $0x70, s0;
	s0 =	sand.u32 $0x1C00, s0;
	v3 =	vld [tilespmem:$0x18480]  }
0xc9: {  	s28 =	sor.u32 s1, s0;
	v4 =	vld [tilespmem:$0x18500]  }
0xca: {  	v5 =	vld [tilespmem:s28+$0x2080]  }
0xcb: {  	v6 =	vld [tilespmem:s28+$0x2100];
	_ =	sdelay $0x1  }
0xcc: {  	s0 =	simm.s32 $0x10;
	s1 =	simm.s32 $0x80  }
0xcd: {  	s0 =	sand.u32 $0x70, s0;
	s1 =	sand.u32 $0x1C00, s1  }
0xce: {  	s29 =	sor.u32 s0, s1  }
0xcf: {  	v7 =	vmul.f32 v5, v3;
	v8 =	vmul.f32 v6, v4;
	v5 =	vld [tilespmem:s29+$0x2080]  }
0xd0: {  	v6 =	vld [tilespmem:s29+$0x2100]  }
0xd1: {  	s30 =	simm.s32 $0x20;
	s31 =	simm.s32 $0x100;
	v7 =	vadd.f32 v8, v7  }
.LBB2_10:
0xd2: {  	s0 =	sand.u32 $0x70, s30  }
0xd3: {  	s1 =	sand.u32 $0x1C00, s31;
	[tilespmem:s28+$0x10280] =	vst v7;
	s28 =	smov.u32 s29;
	p0 =	sne.s32 s30, $0x3F0  }
.Ltmp4:
0xd4: {  	s30 =	sadd.s32 $0x10, s30;
	s29 =	sor.u32 s0, s1;
	(pc) =	sbr.rel @p0 .LBB2_10-.Ltmp4, $4  }
0xd5: {  	v7 =	vmul.f32 v5, v3;
	v5 =	vld [tilespmem:s29+$0x2080];
	v8 =	vmul.f32 v6, v4  }
0xd6: {  	v6 =	vld [tilespmem:s29+$0x2100]  }
0xd7: {  	v7 =	vadd.f32 v8, v7  }
0xd8: {  	s31 =	sadd.s32 $0x80, s31  }
0xd9: {  	_ =	sdelay $0x1  }
0xda: {  	v3 =	vmul.f32 v5, v3;
	v4 =	vmul.f32 v6, v4;
	_ =	sdelay $0x1  }
0xdb: {  	v3 =	vadd.f32 v4, v3  }
0xdc: {  	[tilespmem:s28+$0x10280] =	vst v7  }
0xdd: {  	s0 =	simm.s32 $0x0;
	[tilespmem:s29+$0x10280] =	vst v3  }
0xde: {  	s1 =	sand.u32 $0x70, s0;
	s0 =	sand.u32 $0x1C00, s0;
	v3 =	vld [tilespmem:$0x18580]  }
0xdf: {  	s28 =	sor.u32 s1, s0;
	v4 =	vld [tilespmem:$0x18600]  }
0xe0: {  	v5 =	vld [tilespmem:s28+$0x2180]  }
0xe1: {  	v6 =	vld [tilespmem:s28+$0x2200];
	_ =	sdelay $0x1  }
0xe2: {  	s0 =	simm.s32 $0x10;
	s1 =	simm.s32 $0x80  }
0xe3: {  	s0 =	sand.u32 $0x70, s0;
	s1 =	sand.u32 $0x1C00, s1  }
0xe4: {  	s29 =	sor.u32 s0, s1  }
0xe5: {  	v7 =	vmul.f32 v5, v3;
	v8 =	vmul.f32 v6, v4;
	v5 =	vld [tilespmem:s29+$0x2180]  }
0xe6: {  	v6 =	vld [tilespmem:s29+$0x2200]  }
0xe7: {  	s30 =	simm.s32 $0x20;
	s31 =	simm.s32 $0x100;
	v7 =	vadd.f32 v8, v7  }
.LBB2_12:
0xe8: {  	s0 =	sand.u32 $0x70, s30  }
0xe9: {  	s1 =	sand.u32 $0x1C00, s31;
	[tilespmem:s28+$0x10300] =	vst v7;
	s28 =	smov.u32 s29;
	p0 =	sne.s32 s30, $0x3F0  }
.Ltmp5:
0xea: {  	s30 =	sadd.s32 $0x10, s30;
	s29 =	sor.u32 s0, s1;
	(pc) =	sbr.rel @p0 .LBB2_12-.Ltmp5, $4  }
0xeb: {  	v7 =	vmul.f32 v5, v3;
	v5 =	vld [tilespmem:s29+$0x2180];
	v8 =	vmul.f32 v6, v4  }
0xec: {  	v6 =	vld [tilespmem:s29+$0x2200]  }
0xed: {  	v7 =	vadd.f32 v8, v7  }
0xee: {  	s31 =	sadd.s32 $0x80, s31  }
0xef: {  	_ =	sdelay $0x1  }
0xf0: {  	v3 =	vmul.f32 v5, v3;
	v4 =	vmul.f32 v6, v4;
	_ =	sdelay $0x1  }
0xf1: {  	v3 =	vadd.f32 v4, v3  }
0xf2: {  	[tilespmem:s28+$0x10300] =	vst v7  }
0xf3: {  	s0 =	simm.s32 $0x0;
	[tilespmem:s29+$0x10300] =	vst v3  }
0xf4: {  	s1 =	sand.u32 $0x70, s0;
	s0 =	sand.u32 $0x1C00, s0;
	v3 =	vld [tilespmem:$0x18680]  }
0xf5: {  	s28 =	sor.u32 s1, s0;
	v4 =	vld [tilespmem:$0x18700]  }
0xf6: {  	v5 =	vld [tilespmem:s28+$0x2280]  }
0xf7: {  	v6 =	vld [tilespmem:s28+$0x2300];
	_ =	sdelay $0x1  }
0xf8: {  	s0 =	simm.s32 $0x10;
	s1 =	simm.s32 $0x80  }
0xf9: {  	s0 =	sand.u32 $0x70, s0;
	s1 =	sand.u32 $0x1C00, s1  }
0xfa: {  	s29 =	sor.u32 s0, s1  }
0xfb: {  	v7 =	vmul.f32 v5, v3;
	v8 =	vmul.f32 v6, v4;
	v5 =	vld [tilespmem:s29+$0x2280]  }
0xfc: {  	v6 =	vld [tilespmem:s29+$0x2300]  }
0xfd: {  	s30 =	simm.s32 $0x20;
	s31 =	simm.s32 $0x100;
	v7 =	vadd.f32 v8, v7  }
.LBB2_14:
0xfe: {  	s0 =	sand.u32 $0x70, s30  }
0xff: {  	s1 =	sand.u32 $0x1C00, s31;
	[tilespmem:s28+$0x10380] =	vst v7;
	s28 =	smov.u32 s29;
	p0 =	sne.s32 s30, $0x3F0  }
.Ltmp6:
0x100: {  	s30 =	sadd.s32 $0x10, s30;
	s29 =	sor.u32 s0, s1;
	(pc) =	sbr.rel @p0 .LBB2_14-.Ltmp6, $4  }
0x101: {  	v7 =	vmul.f32 v5, v3;
	v5 =	vld [tilespmem:s29+$0x2280];
	v8 =	vmul.f32 v6, v4  }
0x102: {  	v6 =	vld [tilespmem:s29+$0x2300]  }
0x103: {  	v7 =	vadd.f32 v8, v7  }
0x104: {  	s31 =	sadd.s32 $0x80, s31  }
0x105: {  	_ =	sdelay $0x1  }
0x106: {  	v3 =	vmul.f32 v5, v3;
	v4 =	vmul.f32 v6, v4;
	_ =	sdelay $0x1  }
0x107: {  	v3 =	vadd.f32 v4, v3  }
0x108: {  	[tilespmem:s28+$0x10380] =	vst v7  }
0x109: {  	s28 =	simm.s32 $0x0;
	[tilespmem:s29+$0x10380] =	vst v3  }
0x10a: {  	s0 =	sand.u32 $0x70, s28;
	s1 =	sand.u32 $0x1C00, s28;
	v3 =	vld [tilespmem:$0x18780]  }
0x10b: {  	s30 =	simm.s32 $0x10;
	s31 =	sor.u32 s0, s1;
	s29 =	simm.s32 $0x0;
	v4 =	vld [tilespmem:$0x18800]  }
.LBB2_16:
0x10c: {  	p0 =	sne.s32 s30, $0x3F0;
	v5 =	vld [tilespmem:s31+$0x2380]  }
0x10d: {  	v6 =	vld [tilespmem:s31+$0x2400];
	_ =	sdelay $0x4  }
.Ltmp7:
0x10e: {  	v5 =	vmul.f32 v5, v3;
	v6 =	vmul.f32 v6, v4;
	(pc) =	sbr.rel @p0 .LBB2_16-.Ltmp7, $4  }
0x10f: {  	_ = 	snop  }
0x110: {  	s0 =	sor.u32 s29, s28;
	s29 =	sadd.s32 $0x80, s29;
	s28 =	smov.u32 s30;
	v5 =	vadd.f32 v6, v5  }
0x111: {  	s1 =	sand.u32 $0x70, s30;
	s31 =	sand.u32 $0x1C00, s29;
	s0 =	sor.u32 $0x380, s0  }
0x112: {  	s30 =	sadd.s32 $0x10, s30;
	s31 =	sor.u32 s1, s31;
	[tilespmem:s0+$0x10080] =	vst v5  }
0x113: {  	v5 =	vld [tilespmem:s31+$0x2380]  }
0x114: {  	v6 =	vld [tilespmem:s31+$0x2400];
	_ =	sdelay $0x4  }
0x115: {  	v3 =	vmul.f32 v5, v3;
	v4 =	vmul.f32 v6, v4;
	_ =	sdelay $0x1  }
0x116: {  	s0 =	sor.u32 s29, s28;
	v3 =	vadd.f32 v4, v3  }
0x117: {  	s0 =	sor.u32 $0x380, s0  }
0x118: {  	[tilespmem:s0+$0x10080] =	vst v3;
	s0 =	simm.s32 $0x0  }
0x119: {  	v3 =	vld [tilespmem:$0x18880];
	s1 =	sand.u32 $0x70, s0;
	s0 =	sand.u32 $0x1C00, s0  }
0x11a: {  	v4 =	vld [tilespmem:$0x18900];
	s28 =	sor.u32 s1, s0  }
0x11b: {  	v5 =	vld [tilespmem:s28+$0x4080]  }
0x11c: {  	v6 =	vld [tilespmem:s28+$0x4100];
	_ =	sdelay $0x1  }
0x11d: {  	s0 =	simm.s32 $0x10;
	s1 =	simm.s32 $0x80  }
0x11e: {  	s0 =	sand.u32 $0x70, s0;
	s1 =	sand.u32 $0x1C00, s1  }
0x11f: {  	s29 =	sor.u32 s0, s1  }
0x120: {  	v7 =	vmul.f32 v5, v3;
	v8 =	vmul.f32 v6, v4;
	v5 =	vld [tilespmem:s29+$0x4080]  }
0x121: {  	v6 =	vld [tilespmem:s29+$0x4100]  }
0x122: {  	s30 =	simm.s32 $0x20;
	s31 =	simm.s32 $0x100;
	v7 =	vadd.f32 v8, v7  }
.LBB2_18:
0x123: {  	s0 =	sand.u32 $0x70, s30  }
0x124: {  	s1 =	sand.u32 $0x1C00, s31;
	[tilespmem:s28+$0x12080] =	vst v7;
	s28 =	smov.u32 s29;
	p0 =	sne.s32 s30, $0x3F0  }
.Ltmp8:
0x125: {  	s30 =	sadd.s32 $0x10, s30;
	s29 =	sor.u32 s0, s1;
	(pc) =	sbr.rel @p0 .LBB2_18-.Ltmp8, $4  }
0x126: {  	v7 =	vmul.f32 v5, v3;
	v5 =	vld [tilespmem:s29+$0x4080];
	v8 =	vmul.f32 v6, v4  }
0x127: {  	v6 =	vld [tilespmem:s29+$0x4100]  }
0x128: {  	v7 =	vadd.f32 v8, v7  }
0x129: {  	s31 =	sadd.s32 $0x80, s31  }
0x12a: {  	_ =	sdelay $0x1  }
0x12b: {  	v3 =	vmul.f32 v5, v3;
	v4 =	vmul.f32 v6, v4;
	_ =	sdelay $0x1  }
0x12c: {  	v3 =	vadd.f32 v4, v3  }
0x12d: {  	[tilespmem:s28+$0x12080] =	vst v7  }
0x12e: {  	s0 =	simm.s32 $0x0;
	[tilespmem:s29+$0x12080] =	vst v3  }
0x12f: {  	s1 =	sand.u32 $0x70, s0;
	s0 =	sand.u32 $0x1C00, s0;
	v3 =	vld [tilespmem:$0x18980]  }
0x130: {  	s28 =	sor.u32 s1, s0;
	v4 =	vld [tilespmem:$0x18A00]  }
0x131: {  	v5 =	vld [tilespmem:s28+$0x4180]  }
0x132: {  	v6 =	vld [tilespmem:s28+$0x4200];
	_ =	sdelay $0x1  }
0x133: {  	s0 =	simm.s32 $0x10;
	s1 =	simm.s32 $0x80  }
0x134: {  	s0 =	sand.u32 $0x70, s0;
	s1 =	sand.u32 $0x1C00, s1  }
0x135: {  	s29 =	sor.u32 s0, s1  }
0x136: {  	v7 =	vmul.f32 v5, v3;
	v8 =	vmul.f32 v6, v4;
	v5 =	vld [tilespmem:s29+$0x4180]  }
0x137: {  	v6 =	vld [tilespmem:s29+$0x4200]  }
0x138: {  	s30 =	simm.s32 $0x20;
	s31 =	simm.s32 $0x100;
	v7 =	vadd.f32 v8, v7  }
.LBB2_20:
0x139: {  	s0 =	sand.u32 $0x70, s30  }
0x13a: {  	s1 =	sand.u32 $0x1C00, s31;
	[tilespmem:s28+$0x12100] =	vst v7;
	s28 =	smov.u32 s29;
	p0 =	sne.s32 s30, $0x3F0  }
.Ltmp9:
0x13b: {  	s30 =	sadd.s32 $0x10, s30;
	s29 =	sor.u32 s0, s1;
	(pc) =	sbr.rel @p0 .LBB2_20-.Ltmp9, $4  }
0x13c: {  	v7 =	vmul.f32 v5, v3;
	v5 =	vld [tilespmem:s29+$0x4180];
	v8 =	vmul.f32 v6, v4  }
0x13d: {  	v6 =	vld [tilespmem:s29+$0x4200]  }
0x13e: {  	v7 =	vadd.f32 v8, v7  }
0x13f: {  	s31 =	sadd.s32 $0x80, s31  }
0x140: {  	_ =	sdelay $0x1  }
0x141: {  	v3 =	vmul.f32 v5, v3;
	v4 =	vmul.f32 v6, v4;
	_ =	sdelay $0x1  }
0x142: {  	v3 =	vadd.f32 v4, v3  }
0x143: {  	[tilespmem:s28+$0x12100] =	vst v7  }
0x144: {  	s0 =	simm.s32 $0x0;
	[tilespmem:s29+$0x12100] =	vst v3  }
0x145: {  	s1 =	sand.u32 $0x70, s0;
	s0 =	sand.u32 $0x1C00, s0;
	v3 =	vld [tilespmem:$0x18A80]  }
0x146: {  	s28 =	sor.u32 s1, s0;
	v4 =	vld [tilespmem:$0x18B00]  }
0x147: {  	v5 =	vld [tilespmem:s28+$0x4280]  }
0x148: {  	v6 =	vld [tilespmem:s28+$0x4300];
	_ =	sdelay $0x1  }
0x149: {  	s0 =	simm.s32 $0x10;
	s1 =	simm.s32 $0x80  }
0x14a: {  	s0 =	sand.u32 $0x70, s0;
	s1 =	sand.u32 $0x1C00, s1  }
0x14b: {  	s29 =	sor.u32 s0, s1  }
0x14c: {  	v7 =	vmul.f32 v5, v3;
	v8 =	vmul.f32 v6, v4;
	v5 =	vld [tilespmem:s29+$0x4280]  }
0x14d: {  	v6 =	vld [tilespmem:s29+$0x4300]  }
0x14e: {  	s30 =	simm.s32 $0x20;
	s31 =	simm.s32 $0x100;
	v7 =	vadd.f32 v8, v7  }
.LBB2_22:
0x14f: {  	s0 =	sand.u32 $0x70, s30  }
0x150: {  	s1 =	sand.u32 $0x1C00, s31;
	[tilespmem:s28+$0x12180] =	vst v7;
	s28 =	smov.u32 s29;
	p0 =	sne.s32 s30, $0x3F0  }
.Ltmp10:
0x151: {  	s30 =	sadd.s32 $0x10, s30;
	s29 =	sor.u32 s0, s1;
	(pc) =	sbr.rel @p0 .LBB2_22-.Ltmp10, $4  }
0x152: {  	v7 =	vmul.f32 v5, v3;
	v5 =	vld [tilespmem:s29+$0x4280];
	v8 =	vmul.f32 v6, v4  }
0x153: {  	v6 =	vld [tilespmem:s29+$0x4300]  }
0x154: {  	v7 =	vadd.f32 v8, v7  }
0x155: {  	s31 =	sadd.s32 $0x80, s31  }
0x156: {  	_ =	sdelay $0x1  }
0x157: {  	v3 =	vmul.f32 v5, v3;
	v4 =	vmul.f32 v6, v4;
	_ =	sdelay $0x1  }
0x158: {  	v3 =	vadd.f32 v4, v3  }
0x159: {  	[tilespmem:s28+$0x12180] =	vst v7  }
0x15a: {  	s0 =	simm.s32 $0x0;
	[tilespmem:s29+$0x12180] =	vst v3  }
0x15b: {  	s1 =	sand.u32 $0x70, s0;
	s0 =	sand.u32 $0x1C00, s0;
	v3 =	vld [tilespmem:$0x18B80]  }
0x15c: {  	s28 =	sor.u32 s1, s0;
	v4 =	vld [tilespmem:$0x18C00]  }
0x15d: {  	v5 =	vld [tilespmem:s28+$0x4380]  }
0x15e: {  	v6 =	vld [tilespmem:s28+$0x4400];
	_ =	sdelay $0x1  }
0x15f: {  	s0 =	simm.s32 $0x10;
	s1 =	simm.s32 $0x80  }
0x160: {  	s0 =	sand.u32 $0x70, s0;
	s1 =	sand.u32 $0x1C00, s1  }
0x161: {  	s29 =	sor.u32 s0, s1  }
0x162: {  	v7 =	vmul.f32 v5, v3;
	v8 =	vmul.f32 v6, v4;
	v5 =	vld [tilespmem:s29+$0x4380]  }
0x163: {  	v6 =	vld [tilespmem:s29+$0x4400]  }
0x164: {  	s30 =	simm.s32 $0x20;
	s31 =	simm.s32 $0x100;
	v7 =	vadd.f32 v8, v7  }
.LBB2_24:
0x165: {  	s0 =	sand.u32 $0x70, s30  }
0x166: {  	s1 =	sand.u32 $0x1C00, s31;
	[tilespmem:s28+$0x12200] =	vst v7;
	s28 =	smov.u32 s29;
	p0 =	sne.s32 s30, $0x3F0  }
.Ltmp11:
0x167: {  	s30 =	sadd.s32 $0x10, s30;
	s29 =	sor.u32 s0, s1;
	(pc) =	sbr.rel @p0 .LBB2_24-.Ltmp11, $4  }
0x168: {  	v7 =	vmul.f32 v5, v3;
	v5 =	vld [tilespmem:s29+$0x4380];
	v8 =	vmul.f32 v6, v4  }
0x169: {  	v6 =	vld [tilespmem:s29+$0x4400]  }
0x16a: {  	v7 =	vadd.f32 v8, v7  }
0x16b: {  	s31 =	sadd.s32 $0x80, s31  }
0x16c: {  	_ =	sdelay $0x1  }
0x16d: {  	v3 =	vmul.f32 v5, v3;
	v4 =	vmul.f32 v6, v4;
	_ =	sdelay $0x1  }
0x16e: {  	v3 =	vadd.f32 v4, v3  }
0x16f: {  	[tilespmem:s28+$0x12200] =	vst v7  }
0x170: {  	s0 =	simm.s32 $0x0;
	[tilespmem:s29+$0x12200] =	vst v3  }
0x171: {  	s1 =	sand.u32 $0x70, s0;
	s0 =	sand.u32 $0x1C00, s0;
	v3 =	vld [tilespmem:$0x18C80]  }
0x172: {  	s28 =	sor.u32 s1, s0;
	v4 =	vld [tilespmem:$0x18D00]  }
0x173: {  	v5 =	vld [tilespmem:s28+$0x6080]  }
0x174: {  	v6 =	vld [tilespmem:s28+$0x6100];
	_ =	sdelay $0x1  }
0x175: {  	s0 =	simm.s32 $0x10;
	s1 =	simm.s32 $0x80  }
0x176: {  	s0 =	sand.u32 $0x70, s0;
	s1 =	sand.u32 $0x1C00, s1  }
0x177: {  	s29 =	sor.u32 s0, s1  }
0x178: {  	v7 =	vmul.f32 v5, v3;
	v8 =	vmul.f32 v6, v4;
	v5 =	vld [tilespmem:s29+$0x6080]  }
0x179: {  	v6 =	vld [tilespmem:s29+$0x6100]  }
0x17a: {  	s30 =	simm.s32 $0x20;
	s31 =	simm.s32 $0x100;
	v7 =	vadd.f32 v8, v7  }
.LBB2_26:
0x17b: {  	s0 =	sand.u32 $0x70, s30  }
0x17c: {  	s1 =	sand.u32 $0x1C00, s31;
	[tilespmem:s28+$0x12280] =	vst v7;
	s28 =	smov.u32 s29;
	p0 =	sne.s32 s30, $0x3F0  }
.Ltmp12:
0x17d: {  	s30 =	sadd.s32 $0x10, s30;
	s29 =	sor.u32 s0, s1;
	(pc) =	sbr.rel @p0 .LBB2_26-.Ltmp12, $4  }
0x17e: {  	v7 =	vmul.f32 v5, v3;
	v5 =	vld [tilespmem:s29+$0x6080];
	v8 =	vmul.f32 v6, v4  }
0x17f: {  	v6 =	vld [tilespmem:s29+$0x6100]  }
0x180: {  	v7 =	vadd.f32 v8, v7  }
0x181: {  	s31 =	sadd.s32 $0x80, s31  }
0x182: {  	_ =	sdelay $0x1  }
0x183: {  	v3 =	vmul.f32 v5, v3;
	v4 =	vmul.f32 v6, v4;
	_ =	sdelay $0x1  }
0x184: {  	v3 =	vadd.f32 v4, v3  }
0x185: {  	[tilespmem:s28+$0x12280] =	vst v7  }
0x186: {  	s0 =	simm.s32 $0x0;
	[tilespmem:s29+$0x12280] =	vst v3  }
0x187: {  	s1 =	sand.u32 $0x70, s0;
	s0 =	sand.u32 $0x1C00, s0;
	v3 =	vld [tilespmem:$0x18D80]  }
0x188: {  	s28 =	sor.u32 s1, s0;
	v4 =	vld [tilespmem:$0x18E00]  }
0x189: {  	v5 =	vld [tilespmem:s28+$0x6180]  }
0x18a: {  	v6 =	vld [tilespmem:s28+$0x6200];
	_ =	sdelay $0x1  }
0x18b: {  	s0 =	simm.s32 $0x10;
	s1 =	simm.s32 $0x80  }
0x18c: {  	s0 =	sand.u32 $0x70, s0;
	s1 =	sand.u32 $0x1C00, s1  }
0x18d: {  	s29 =	sor.u32 s0, s1  }
0x18e: {  	v7 =	vmul.f32 v5, v3;
	v8 =	vmul.f32 v6, v4;
	v5 =	vld [tilespmem:s29+$0x6180]  }
0x18f: {  	v6 =	vld [tilespmem:s29+$0x6200]  }
0x190: {  	s30 =	simm.s32 $0x20;
	s31 =	simm.s32 $0x100;
	v7 =	vadd.f32 v8, v7  }
.LBB2_28:
0x191: {  	s0 =	sand.u32 $0x70, s30  }
0x192: {  	s1 =	sand.u32 $0x1C00, s31;
	[tilespmem:s28+$0x12300] =	vst v7;
	s28 =	smov.u32 s29;
	p0 =	sne.s32 s30, $0x3F0  }
.Ltmp13:
0x193: {  	s30 =	sadd.s32 $0x10, s30;
	s29 =	sor.u32 s0, s1;
	(pc) =	sbr.rel @p0 .LBB2_28-.Ltmp13, $4  }
0x194: {  	v7 =	vmul.f32 v5, v3;
	v5 =	vld [tilespmem:s29+$0x6180];
	v8 =	vmul.f32 v6, v4  }
0x195: {  	v6 =	vld [tilespmem:s29+$0x6200]  }
0x196: {  	v7 =	vadd.f32 v8, v7  }
0x197: {  	s31 =	sadd.s32 $0x80, s31  }
0x198: {  	_ =	sdelay $0x1  }
0x199: {  	v3 =	vmul.f32 v5, v3;
	v4 =	vmul.f32 v6, v4;
	_ =	sdelay $0x1  }
0x19a: {  	v3 =	vadd.f32 v4, v3  }
0x19b: {  	[tilespmem:s28+$0x12300] =	vst v7  }
0x19c: {  	s0 =	simm.s32 $0x0;
	[tilespmem:s29+$0x12300] =	vst v3  }
0x19d: {  	s1 =	sand.u32 $0x70, s0;
	s0 =	sand.u32 $0x1C00, s0;
	v3 =	vld [tilespmem:$0x18E80]  }
0x19e: {  	s28 =	sor.u32 s1, s0;
	v4 =	vld [tilespmem:$0x18F00]  }
0x19f: {  	v5 =	vld [tilespmem:s28+$0x6280]  }
0x1a0: {  	v6 =	vld [tilespmem:s28+$0x6300];
	_ =	sdelay $0x1  }
0x1a1: {  	s0 =	simm.s32 $0x10;
	s1 =	simm.s32 $0x80  }
0x1a2: {  	s0 =	sand.u32 $0x70, s0;
	s1 =	sand.u32 $0x1C00, s1  }
0x1a3: {  	s29 =	sor.u32 s0, s1  }
0x1a4: {  	v7 =	vmul.f32 v5, v3;
	v8 =	vmul.f32 v6, v4;
	v5 =	vld [tilespmem:s29+$0x6280]  }
0x1a5: {  	v6 =	vld [tilespmem:s29+$0x6300]  }
0x1a6: {  	s30 =	simm.s32 $0x20;
	s31 =	simm.s32 $0x100;
	v7 =	vadd.f32 v8, v7  }
.LBB2_30:
0x1a7: {  	s0 =	sand.u32 $0x70, s30  }
0x1a8: {  	s1 =	sand.u32 $0x1C00, s31;
	[tilespmem:s28+$0x12380] =	vst v7;
	s28 =	smov.u32 s29;
	p0 =	sne.s32 s30, $0x3F0  }
.Ltmp14:
0x1a9: {  	s30 =	sadd.s32 $0x10, s30;
	s29 =	sor.u32 s0, s1;
	(pc) =	sbr.rel @p0 .LBB2_30-.Ltmp14, $4  }
0x1aa: {  	v7 =	vmul.f32 v5, v3;
	v5 =	vld [tilespmem:s29+$0x6280];
	v8 =	vmul.f32 v6, v4  }
0x1ab: {  	v6 =	vld [tilespmem:s29+$0x6300]  }
0x1ac: {  	v7 =	vadd.f32 v8, v7  }
0x1ad: {  	s31 =	sadd.s32 $0x80, s31  }
0x1ae: {  	_ =	sdelay $0x1  }
0x1af: {  	v3 =	vmul.f32 v5, v3;
	v4 =	vmul.f32 v6, v4;
	_ =	sdelay $0x1  }
0x1b0: {  	v3 =	vadd.f32 v4, v3  }
0x1b1: {  	[tilespmem:s28+$0x12380] =	vst v7  }
0x1b2: {  	s0 =	simm.s32 $0x0;
	[tilespmem:s29+$0x12380] =	vst v3  }
0x1b3: {  	s1 =	sand.u32 $0x70, s0;
	s0 =	sand.u32 $0x1C00, s0;
	v3 =	vld [tilespmem:$0x18F80]  }
0x1b4: {  	s28 =	sor.u32 s1, s0;
	v4 =	vld [tilespmem:$0x19000]  }
0x1b5: {  	v5 =	vld [tilespmem:s28+$0x6380]  }
0x1b6: {  	v6 =	vld [tilespmem:s28+$0x6400];
	_ =	sdelay $0x1  }
0x1b7: {  	s0 =	simm.s32 $0x10;
	s1 =	simm.s32 $0x80  }
0x1b8: {  	s0 =	sand.u32 $0x70, s0;
	s1 =	sand.u32 $0x1C00, s1  }
0x1b9: {  	s29 =	sor.u32 s0, s1  }
0x1ba: {  	v7 =	vmul.f32 v5, v3;
	v8 =	vmul.f32 v6, v4;
	v5 =	vld [tilespmem:s29+$0x6380]  }
0x1bb: {  	v6 =	vld [tilespmem:s29+$0x6400]  }
0x1bc: {  	s30 =	simm.s32 $0x20;
	s31 =	simm.s32 $0x100;
	v7 =	vadd.f32 v8, v7  }
.LBB2_32:
0x1bd: {  	s0 =	sand.u32 $0x70, s30  }
0x1be: {  	s1 =	sand.u32 $0x1C00, s31;
	[tilespmem:s28+$0x12400] =	vst v7;
	s28 =	smov.u32 s29;
	p0 =	sne.s32 s30, $0x3F0  }
.Ltmp15:
0x1bf: {  	s30 =	sadd.s32 $0x10, s30;
	s29 =	sor.u32 s0, s1;
	(pc) =	sbr.rel @p0 .LBB2_32-.Ltmp15, $4  }
0x1c0: {  	v7 =	vmul.f32 v5, v3;
	v5 =	vld [tilespmem:s29+$0x6380];
	v8 =	vmul.f32 v6, v4  }
0x1c1: {  	v6 =	vld [tilespmem:s29+$0x6400]  }
0x1c2: {  	v7 =	vadd.f32 v8, v7  }
0x1c3: {  	s31 =	sadd.s32 $0x80, s31  }
0x1c4: {  	_ =	sdelay $0x1  }
0x1c5: {  	v3 =	vmul.f32 v5, v3;
	v4 =	vmul.f32 v6, v4;
	_ =	sdelay $0x1  }
0x1c6: {  	v3 =	vadd.f32 v4, v3  }
0x1c7: {  	[tilespmem:s28+$0x12400] =	vst v7  }
0x1c8: {  	s0 =	simm.s32 $0x0;
	[tilespmem:s29+$0x12400] =	vst v3  }
0x1c9: {  	s1 =	sand.u32 $0x70, s0;
	s0 =	sand.u32 $0x1C00, s0;
	v3 =	vld [tilespmem:$0x19080]  }
0x1ca: {  	s28 =	sor.u32 s1, s0;
	v4 =	vld [tilespmem:$0x19100]  }
0x1cb: {  	v5 =	vld [tilespmem:s28+$0x8080]  }
0x1cc: {  	v6 =	vld [tilespmem:s28+$0x8100];
	_ =	sdelay $0x1  }
0x1cd: {  	s0 =	simm.s32 $0x10;
	s1 =	simm.s32 $0x80  }
0x1ce: {  	s0 =	sand.u32 $0x70, s0;
	s1 =	sand.u32 $0x1C00, s1  }
0x1cf: {  	s29 =	sor.u32 s0, s1  }
0x1d0: {  	v7 =	vmul.f32 v5, v3;
	v8 =	vmul.f32 v6, v4;
	v5 =	vld [tilespmem:s29+$0x8080]  }
0x1d1: {  	v6 =	vld [tilespmem:s29+$0x8100]  }
0x1d2: {  	s30 =	simm.s32 $0x20;
	s31 =	simm.s32 $0x100;
	v7 =	vadd.f32 v8, v7  }
.LBB2_34:
0x1d3: {  	s0 =	sand.u32 $0x70, s30  }
0x1d4: {  	s1 =	sand.u32 $0x1C00, s31;
	[tilespmem:s28+$0x14080] =	vst v7;
	s28 =	smov.u32 s29;
	p0 =	sne.s32 s30, $0x3F0  }
.Ltmp16:
0x1d5: {  	s30 =	sadd.s32 $0x10, s30;
	s29 =	sor.u32 s0, s1;
	(pc) =	sbr.rel @p0 .LBB2_34-.Ltmp16, $4  }
0x1d6: {  	v7 =	vmul.f32 v5, v3;
	v5 =	vld [tilespmem:s29+$0x8080];
	v8 =	vmul.f32 v6, v4  }
0x1d7: {  	v6 =	vld [tilespmem:s29+$0x8100]  }
0x1d8: {  	v7 =	vadd.f32 v8, v7  }
0x1d9: {  	s31 =	sadd.s32 $0x80, s31  }
0x1da: {  	_ =	sdelay $0x1  }
0x1db: {  	v3 =	vmul.f32 v5, v3;
	v4 =	vmul.f32 v6, v4;
	_ =	sdelay $0x1  }
0x1dc: {  	v3 =	vadd.f32 v4, v3  }
0x1dd: {  	[tilespmem:s28+$0x14080] =	vst v7  }
0x1de: {  	s0 =	simm.s32 $0x0;
	[tilespmem:s29+$0x14080] =	vst v3  }
0x1df: {  	s1 =	sand.u32 $0x70, s0;
	s0 =	sand.u32 $0x1C00, s0;
	v3 =	vld [tilespmem:$0x19180]  }
0x1e0: {  	s28 =	sor.u32 s1, s0;
	v4 =	vld [tilespmem:$0x19200]  }
0x1e1: {  	v5 =	vld [tilespmem:s28+$0x8180]  }
0x1e2: {  	v6 =	vld [tilespmem:s28+$0x8200];
	_ =	sdelay $0x1  }
0x1e3: {  	s0 =	simm.s32 $0x10;
	s1 =	simm.s32 $0x80  }
0x1e4: {  	s0 =	sand.u32 $0x70, s0;
	s1 =	sand.u32 $0x1C00, s1  }
0x1e5: {  	s29 =	sor.u32 s0, s1  }
0x1e6: {  	v7 =	vmul.f32 v5, v3;
	v8 =	vmul.f32 v6, v4;
	v5 =	vld [tilespmem:s29+$0x8180]  }
0x1e7: {  	v6 =	vld [tilespmem:s29+$0x8200]  }
0x1e8: {  	s30 =	simm.s32 $0x20;
	s31 =	simm.s32 $0x100;
	v7 =	vadd.f32 v8, v7  }
.LBB2_36:
0x1e9: {  	s0 =	sand.u32 $0x70, s30  }
0x1ea: {  	s1 =	sand.u32 $0x1C00, s31;
	[tilespmem:s28+$0x14100] =	vst v7;
	s28 =	smov.u32 s29;
	p0 =	sne.s32 s30, $0x3F0  }
.Ltmp17:
0x1eb: {  	s30 =	sadd.s32 $0x10, s30;
	s29 =	sor.u32 s0, s1;
	(pc) =	sbr.rel @p0 .LBB2_36-.Ltmp17, $4  }
0x1ec: {  	v7 =	vmul.f32 v5, v3;
	v5 =	vld [tilespmem:s29+$0x8180];
	v8 =	vmul.f32 v6, v4  }
0x1ed: {  	v6 =	vld [tilespmem:s29+$0x8200]  }
0x1ee: {  	v7 =	vadd.f32 v8, v7  }
0x1ef: {  	s31 =	sadd.s32 $0x80, s31  }
0x1f0: {  	_ =	sdelay $0x1  }
0x1f1: {  	v3 =	vmul.f32 v5, v3;
	v4 =	vmul.f32 v6, v4;
	_ =	sdelay $0x1  }
0x1f2: {  	v3 =	vadd.f32 v4, v3  }
0x1f3: {  	[tilespmem:s28+$0x14100] =	vst v7  }
0x1f4: {  	s0 =	simm.s32 $0x0;
	[tilespmem:s29+$0x14100] =	vst v3  }
0x1f5: {  	s1 =	sand.u32 $0x70, s0;
	s0 =	sand.u32 $0x1C00, s0;
	v3 =	vld [tilespmem:$0x19280]  }
0x1f6: {  	s28 =	sor.u32 s1, s0;
	v4 =	vld [tilespmem:$0x19300]  }
0x1f7: {  	v5 =	vld [tilespmem:s28+$0x8280]  }
0x1f8: {  	v6 =	vld [tilespmem:s28+$0x8300];
	_ =	sdelay $0x1  }
0x1f9: {  	s0 =	simm.s32 $0x10;
	s1 =	simm.s32 $0x80  }
0x1fa: {  	s0 =	sand.u32 $0x70, s0;
	s1 =	sand.u32 $0x1C00, s1  }
0x1fb: {  	s29 =	sor.u32 s0, s1  }
0x1fc: {  	v7 =	vmul.f32 v5, v3;
	v8 =	vmul.f32 v6, v4;
	v5 =	vld [tilespmem:s29+$0x8280]  }
0x1fd: {  	v6 =	vld [tilespmem:s29+$0x8300]  }
0x1fe: {  	s30 =	simm.s32 $0x20;
	s31 =	simm.s32 $0x100;
	v7 =	vadd.f32 v8, v7  }
.LBB2_38:
0x1ff: {  	s0 =	sand.u32 $0x70, s30  }
0x200: {  	s1 =	sand.u32 $0x1C00, s31;
	[tilespmem:s28+$0x14180] =	vst v7;
	s28 =	smov.u32 s29;
	p0 =	sne.s32 s30, $0x3F0  }
.Ltmp18:
0x201: {  	s30 =	sadd.s32 $0x10, s30;
	s29 =	sor.u32 s0, s1;
	(pc) =	sbr.rel @p0 .LBB2_38-.Ltmp18, $4  }
0x202: {  	v7 =	vmul.f32 v5, v3;
	v5 =	vld [tilespmem:s29+$0x8280];
	v8 =	vmul.f32 v6, v4  }
0x203: {  	v6 =	vld [tilespmem:s29+$0x8300]  }
0x204: {  	v7 =	vadd.f32 v8, v7  }
0x205: {  	s31 =	sadd.s32 $0x80, s31  }
0x206: {  	_ =	sdelay $0x1  }
0x207: {  	v3 =	vmul.f32 v5, v3;
	v4 =	vmul.f32 v6, v4;
	_ =	sdelay $0x1  }
0x208: {  	v3 =	vadd.f32 v4, v3  }
0x209: {  	[tilespmem:s28+$0x14180] =	vst v7  }
0x20a: {  	s0 =	simm.s32 $0x0;
	[tilespmem:s29+$0x14180] =	vst v3  }
0x20b: {  	s1 =	sand.u32 $0x70, s0;
	s0 =	sand.u32 $0x1C00, s0;
	v3 =	vld [tilespmem:$0x19380]  }
0x20c: {  	s28 =	sor.u32 s1, s0;
	v4 =	vld [tilespmem:$0x19400]  }
0x20d: {  	v5 =	vld [tilespmem:s28+$0x8380]  }
0x20e: {  	v6 =	vld [tilespmem:s28+$0x8400];
	_ =	sdelay $0x1  }
0x20f: {  	s0 =	simm.s32 $0x10;
	s1 =	simm.s32 $0x80  }
0x210: {  	s0 =	sand.u32 $0x70, s0;
	s1 =	sand.u32 $0x1C00, s1  }
0x211: {  	s29 =	sor.u32 s0, s1  }
0x212: {  	v7 =	vmul.f32 v5, v3;
	v8 =	vmul.f32 v6, v4;
	v5 =	vld [tilespmem:s29+$0x8380]  }
0x213: {  	v6 =	vld [tilespmem:s29+$0x8400]  }
0x214: {  	s30 =	simm.s32 $0x20;
	s31 =	simm.s32 $0x100;
	v7 =	vadd.f32 v8, v7  }
.LBB2_40:
0x215: {  	s0 =	sand.u32 $0x70, s30  }
0x216: {  	s1 =	sand.u32 $0x1C00, s31;
	[tilespmem:s28+$0x14200] =	vst v7;
	s28 =	smov.u32 s29;
	p0 =	sne.s32 s30, $0x3F0  }
.Ltmp19:
0x217: {  	s30 =	sadd.s32 $0x10, s30;
	s29 =	sor.u32 s0, s1;
	(pc) =	sbr.rel @p0 .LBB2_40-.Ltmp19, $4  }
0x218: {  	v7 =	vmul.f32 v5, v3;
	v5 =	vld [tilespmem:s29+$0x8380];
	v8 =	vmul.f32 v6, v4  }
0x219: {  	v6 =	vld [tilespmem:s29+$0x8400]  }
0x21a: {  	v7 =	vadd.f32 v8, v7  }
0x21b: {  	s31 =	sadd.s32 $0x80, s31  }
0x21c: {  	_ =	sdelay $0x1  }
0x21d: {  	v3 =	vmul.f32 v5, v3;
	v4 =	vmul.f32 v6, v4;
	_ =	sdelay $0x1  }
0x21e: {  	v3 =	vadd.f32 v4, v3  }
0x21f: {  	[tilespmem:s28+$0x14200] =	vst v7  }
0x220: {  	s0 =	simm.s32 $0x0;
	[tilespmem:s29+$0x14200] =	vst v3  }
0x221: {  	s1 =	sand.u32 $0x70, s0;
	s0 =	sand.u32 $0x1C00, s0;
	v3 =	vld [tilespmem:$0x19480]  }
0x222: {  	s28 =	sor.u32 s1, s0;
	v4 =	vld [tilespmem:$0x19500]  }
0x223: {  	v5 =	vld [tilespmem:s28+$0xA080]  }
0x224: {  	v6 =	vld [tilespmem:s28+$0xA100];
	_ =	sdelay $0x1  }
0x225: {  	s0 =	simm.s32 $0x10;
	s1 =	simm.s32 $0x80  }
0x226: {  	s0 =	sand.u32 $0x70, s0;
	s1 =	sand.u32 $0x1C00, s1  }
0x227: {  	s29 =	sor.u32 s0, s1  }
0x228: {  	v7 =	vmul.f32 v5, v3;
	v8 =	vmul.f32 v6, v4;
	v5 =	vld [tilespmem:s29+$0xA080]  }
0x229: {  	v6 =	vld [tilespmem:s29+$0xA100]  }
0x22a: {  	s30 =	simm.s32 $0x20;
	s31 =	simm.s32 $0x100;
	v7 =	vadd.f32 v8, v7  }
.LBB2_42:
0x22b: {  	s0 =	sand.u32 $0x70, s30  }
0x22c: {  	s1 =	sand.u32 $0x1C00, s31;
	[tilespmem:s28+$0x14280] =	vst v7;
	s28 =	smov.u32 s29;
	p0 =	sne.s32 s30, $0x3F0  }
.Ltmp20:
0x22d: {  	s30 =	sadd.s32 $0x10, s30;
	s29 =	sor.u32 s0, s1;
	(pc) =	sbr.rel @p0 .LBB2_42-.Ltmp20, $4  }
0x22e: {  	v7 =	vmul.f32 v5, v3;
	v5 =	vld [tilespmem:s29+$0xA080];
	v8 =	vmul.f32 v6, v4  }
0x22f: {  	v6 =	vld [tilespmem:s29+$0xA100]  }
0x230: {  	v7 =	vadd.f32 v8, v7  }
0x231: {  	s31 =	sadd.s32 $0x80, s31  }
0x232: {  	_ =	sdelay $0x1  }
0x233: {  	v3 =	vmul.f32 v5, v3;
	v4 =	vmul.f32 v6, v4;
	_ =	sdelay $0x1  }
0x234: {  	v3 =	vadd.f32 v4, v3  }
0x235: {  	[tilespmem:s28+$0x14280] =	vst v7  }
0x236: {  	s0 =	simm.s32 $0x0;
	[tilespmem:s29+$0x14280] =	vst v3  }
0x237: {  	s1 =	sand.u32 $0x70, s0;
	s0 =	sand.u32 $0x1C00, s0;
	v3 =	vld [tilespmem:$0x19580]  }
0x238: {  	s28 =	sor.u32 s1, s0;
	v4 =	vld [tilespmem:$0x19600]  }
0x239: {  	v5 =	vld [tilespmem:s28+$0xA180]  }
0x23a: {  	v6 =	vld [tilespmem:s28+$0xA200];
	_ =	sdelay $0x1  }
0x23b: {  	s0 =	simm.s32 $0x10;
	s1 =	simm.s32 $0x80  }
0x23c: {  	s0 =	sand.u32 $0x70, s0;
	s1 =	sand.u32 $0x1C00, s1  }
0x23d: {  	s29 =	sor.u32 s0, s1  }
0x23e: {  	v7 =	vmul.f32 v5, v3;
	v8 =	vmul.f32 v6, v4;
	v5 =	vld [tilespmem:s29+$0xA180]  }
0x23f: {  	v6 =	vld [tilespmem:s29+$0xA200]  }
0x240: {  	s30 =	simm.s32 $0x20;
	s31 =	simm.s32 $0x100;
	v7 =	vadd.f32 v8, v7  }
.LBB2_44:
0x241: {  	s0 =	sand.u32 $0x70, s30  }
0x242: {  	s1 =	sand.u32 $0x1C00, s31;
	[tilespmem:s28+$0x14300] =	vst v7;
	s28 =	smov.u32 s29;
	p0 =	sne.s32 s30, $0x3F0  }
.Ltmp21:
0x243: {  	s30 =	sadd.s32 $0x10, s30;
	s29 =	sor.u32 s0, s1;
	(pc) =	sbr.rel @p0 .LBB2_44-.Ltmp21, $4  }
0x244: {  	v7 =	vmul.f32 v5, v3;
	v5 =	vld [tilespmem:s29+$0xA180];
	v8 =	vmul.f32 v6, v4  }
0x245: {  	v6 =	vld [tilespmem:s29+$0xA200]  }
0x246: {  	v7 =	vadd.f32 v8, v7  }
0x247: {  	s31 =	sadd.s32 $0x80, s31  }
0x248: {  	_ =	sdelay $0x1  }
0x249: {  	v3 =	vmul.f32 v5, v3;
	v4 =	vmul.f32 v6, v4;
	_ =	sdelay $0x1  }
0x24a: {  	v3 =	vadd.f32 v4, v3  }
0x24b: {  	[tilespmem:s28+$0x14300] =	vst v7  }
0x24c: {  	s0 =	simm.s32 $0x0;
	[tilespmem:s29+$0x14300] =	vst v3  }
0x24d: {  	s1 =	sand.u32 $0x70, s0;
	s0 =	sand.u32 $0x1C00, s0;
	v3 =	vld [tilespmem:$0x19680]  }
0x24e: {  	s28 =	sor.u32 s1, s0;
	v4 =	vld [tilespmem:$0x19700]  }
0x24f: {  	v5 =	vld [tilespmem:s28+$0xA280]  }
0x250: {  	v6 =	vld [tilespmem:s28+$0xA300];
	_ =	sdelay $0x1  }
0x251: {  	s0 =	simm.s32 $0x10;
	s1 =	simm.s32 $0x80  }
0x252: {  	s0 =	sand.u32 $0x70, s0;
	s1 =	sand.u32 $0x1C00, s1  }
0x253: {  	s29 =	sor.u32 s0, s1  }
0x254: {  	v7 =	vmul.f32 v5, v3;
	v8 =	vmul.f32 v6, v4;
	v5 =	vld [tilespmem:s29+$0xA280]  }
0x255: {  	v6 =	vld [tilespmem:s29+$0xA300]  }
0x256: {  	s30 =	simm.s32 $0x20;
	s31 =	simm.s32 $0x100;
	v7 =	vadd.f32 v8, v7  }
.LBB2_46:
0x257: {  	s0 =	sand.u32 $0x70, s30  }
0x258: {  	s1 =	sand.u32 $0x1C00, s31;
	[tilespmem:s28+$0x14380] =	vst v7;
	s28 =	smov.u32 s29;
	p0 =	sne.s32 s30, $0x3F0  }
.Ltmp22:
0x259: {  	s30 =	sadd.s32 $0x10, s30;
	s29 =	sor.u32 s0, s1;
	(pc) =	sbr.rel @p0 .LBB2_46-.Ltmp22, $4  }
0x25a: {  	v7 =	vmul.f32 v5, v3;
	v5 =	vld [tilespmem:s29+$0xA280];
	v8 =	vmul.f32 v6, v4  }
0x25b: {  	v6 =	vld [tilespmem:s29+$0xA300]  }
0x25c: {  	v7 =	vadd.f32 v8, v7  }
0x25d: {  	s31 =	sadd.s32 $0x80, s31  }
0x25e: {  	_ =	sdelay $0x1  }
0x25f: {  	v3 =	vmul.f32 v5, v3;
	v4 =	vmul.f32 v6, v4;
	_ =	sdelay $0x1  }
0x260: {  	v3 =	vadd.f32 v4, v3  }
0x261: {  	[tilespmem:s28+$0x14380] =	vst v7  }
0x262: {  	s0 =	simm.s32 $0x0;
	[tilespmem:s29+$0x14380] =	vst v3  }
0x263: {  	s1 =	sand.u32 $0x70, s0;
	s0 =	sand.u32 $0x1C00, s0;
	v3 =	vld [tilespmem:$0x19780]  }
0x264: {  	s28 =	sor.u32 s1, s0;
	v4 =	vld [tilespmem:$0x19800]  }
0x265: {  	v5 =	vld [tilespmem:s28+$0xA380]  }
0x266: {  	v6 =	vld [tilespmem:s28+$0xA400];
	_ =	sdelay $0x1  }
0x267: {  	s0 =	simm.s32 $0x10;
	s1 =	simm.s32 $0x80  }
0x268: {  	s0 =	sand.u32 $0x70, s0;
	s1 =	sand.u32 $0x1C00, s1  }
0x269: {  	s29 =	sor.u32 s0, s1  }
0x26a: {  	v7 =	vmul.f32 v5, v3;
	v8 =	vmul.f32 v6, v4;
	v5 =	vld [tilespmem:s29+$0xA380]  }
0x26b: {  	v6 =	vld [tilespmem:s29+$0xA400]  }
0x26c: {  	s30 =	simm.s32 $0x20;
	s31 =	simm.s32 $0x100;
	v7 =	vadd.f32 v8, v7  }
.LBB2_48:
0x26d: {  	s0 =	sand.u32 $0x70, s30  }
0x26e: {  	s1 =	sand.u32 $0x1C00, s31;
	[tilespmem:s28+$0x14400] =	vst v7;
	s28 =	smov.u32 s29;
	p0 =	sne.s32 s30, $0x3F0  }
.Ltmp23:
0x26f: {  	s30 =	sadd.s32 $0x10, s30;
	s29 =	sor.u32 s0, s1;
	(pc) =	sbr.rel @p0 .LBB2_48-.Ltmp23, $4  }
0x270: {  	v7 =	vmul.f32 v5, v3;
	v5 =	vld [tilespmem:s29+$0xA380];
	v8 =	vmul.f32 v6, v4  }
0x271: {  	v6 =	vld [tilespmem:s29+$0xA400]  }
0x272: {  	v7 =	vadd.f32 v8, v7  }
0x273: {  	s31 =	sadd.s32 $0x80, s31  }
0x274: {  	_ =	sdelay $0x1  }
0x275: {  	v3 =	vmul.f32 v5, v3;
	v4 =	vmul.f32 v6, v4;
	_ =	sdelay $0x1  }
0x276: {  	v3 =	vadd.f32 v4, v3  }
0x277: {  	[tilespmem:s28+$0x14400] =	vst v7  }
0x278: {  	s0 =	simm.s32 $0x0;
	[tilespmem:s29+$0x14400] =	vst v3  }
0x279: {  	s1 =	sand.u32 $0x70, s0;
	s0 =	sand.u32 $0x1C00, s0;
	v3 =	vld [tilespmem:$0x19880]  }
0x27a: {  	s28 =	sor.u32 s1, s0;
	v4 =	vld [tilespmem:$0x19900]  }
0x27b: {  	v5 =	vld [tilespmem:s28+$0xC080]  }
0x27c: {  	v6 =	vld [tilespmem:s28+$0xC100];
	_ =	sdelay $0x1  }
0x27d: {  	s0 =	simm.s32 $0x10;
	s1 =	simm.s32 $0x80  }
0x27e: {  	s0 =	sand.u32 $0x70, s0;
	s1 =	sand.u32 $0x1C00, s1  }
0x27f: {  	s29 =	sor.u32 s0, s1  }
0x280: {  	v7 =	vmul.f32 v5, v3;
	v8 =	vmul.f32 v6, v4;
	v5 =	vld [tilespmem:s29+$0xC080]  }
0x281: {  	v6 =	vld [tilespmem:s29+$0xC100]  }
0x282: {  	s30 =	simm.s32 $0x20;
	s31 =	simm.s32 $0x100;
	v7 =	vadd.f32 v8, v7  }
.LBB2_50:
0x283: {  	s0 =	sand.u32 $0x70, s30  }
0x284: {  	s1 =	sand.u32 $0x1C00, s31;
	[tilespmem:s28+$0x16080] =	vst v7;
	s28 =	smov.u32 s29;
	p0 =	sne.s32 s30, $0x3F0  }
.Ltmp24:
0x285: {  	s30 =	sadd.s32 $0x10, s30;
	s29 =	sor.u32 s0, s1;
	(pc) =	sbr.rel @p0 .LBB2_50-.Ltmp24, $4  }
0x286: {  	v7 =	vmul.f32 v5, v3;
	v5 =	vld [tilespmem:s29+$0xC080];
	v8 =	vmul.f32 v6, v4  }
0x287: {  	v6 =	vld [tilespmem:s29+$0xC100]  }
0x288: {  	v7 =	vadd.f32 v8, v7  }
0x289: {  	s31 =	sadd.s32 $0x80, s31  }
0x28a: {  	_ =	sdelay $0x1  }
0x28b: {  	v3 =	vmul.f32 v5, v3;
	v4 =	vmul.f32 v6, v4;
	_ =	sdelay $0x1  }
0x28c: {  	v3 =	vadd.f32 v4, v3  }
0x28d: {  	[tilespmem:s28+$0x16080] =	vst v7  }
0x28e: {  	s0 =	simm.s32 $0x0;
	[tilespmem:s29+$0x16080] =	vst v3  }
0x28f: {  	s1 =	sand.u32 $0x70, s0;
	s0 =	sand.u32 $0x1C00, s0;
	v3 =	vld [tilespmem:$0x19980]  }
0x290: {  	s28 =	sor.u32 s1, s0;
	v4 =	vld [tilespmem:$0x19A00]  }
0x291: {  	v5 =	vld [tilespmem:s28+$0xC180]  }
0x292: {  	v6 =	vld [tilespmem:s28+$0xC200];
	_ =	sdelay $0x1  }
0x293: {  	s0 =	simm.s32 $0x10;
	s1 =	simm.s32 $0x80  }
0x294: {  	s0 =	sand.u32 $0x70, s0;
	s1 =	sand.u32 $0x1C00, s1  }
0x295: {  	s29 =	sor.u32 s0, s1  }
0x296: {  	v7 =	vmul.f32 v5, v3;
	v8 =	vmul.f32 v6, v4;
	v5 =	vld [tilespmem:s29+$0xC180]  }
0x297: {  	v6 =	vld [tilespmem:s29+$0xC200]  }
0x298: {  	s30 =	simm.s32 $0x20;
	s31 =	simm.s32 $0x100;
	v7 =	vadd.f32 v8, v7  }
.LBB2_52:
0x299: {  	s0 =	sand.u32 $0x70, s30  }
0x29a: {  	s1 =	sand.u32 $0x1C00, s31;
	[tilespmem:s28+$0x16100] =	vst v7;
	s28 =	smov.u32 s29;
	p0 =	sne.s32 s30, $0x3F0  }
.Ltmp25:
0x29b: {  	s30 =	sadd.s32 $0x10, s30;
	s29 =	sor.u32 s0, s1;
	(pc) =	sbr.rel @p0 .LBB2_52-.Ltmp25, $4  }
0x29c: {  	v7 =	vmul.f32 v5, v3;
	v5 =	vld [tilespmem:s29+$0xC180];
	v8 =	vmul.f32 v6, v4  }
0x29d: {  	v6 =	vld [tilespmem:s29+$0xC200]  }
0x29e: {  	v7 =	vadd.f32 v8, v7  }
0x29f: {  	s31 =	sadd.s32 $0x80, s31  }
0x2a0: {  	_ =	sdelay $0x1  }
0x2a1: {  	v3 =	vmul.f32 v5, v3;
	v4 =	vmul.f32 v6, v4;
	_ =	sdelay $0x1  }
0x2a2: {  	v3 =	vadd.f32 v4, v3  }
0x2a3: {  	[tilespmem:s28+$0x16100] =	vst v7  }
0x2a4: {  	s0 =	simm.s32 $0x0;
	[tilespmem:s29+$0x16100] =	vst v3  }
0x2a5: {  	s1 =	sand.u32 $0x70, s0;
	s0 =	sand.u32 $0x1C00, s0;
	v3 =	vld [tilespmem:$0x19A80]  }
0x2a6: {  	s28 =	sor.u32 s1, s0;
	v4 =	vld [tilespmem:$0x19B00]  }
0x2a7: {  	v5 =	vld [tilespmem:s28+$0xC280]  }
0x2a8: {  	v6 =	vld [tilespmem:s28+$0xC300];
	_ =	sdelay $0x1  }
0x2a9: {  	s0 =	simm.s32 $0x10;
	s1 =	simm.s32 $0x80  }
0x2aa: {  	s0 =	sand.u32 $0x70, s0;
	s1 =	sand.u32 $0x1C00, s1  }
0x2ab: {  	s29 =	sor.u32 s0, s1  }
0x2ac: {  	v7 =	vmul.f32 v5, v3;
	v8 =	vmul.f32 v6, v4;
	v5 =	vld [tilespmem:s29+$0xC280]  }
0x2ad: {  	v6 =	vld [tilespmem:s29+$0xC300]  }
0x2ae: {  	s30 =	simm.s32 $0x20;
	s31 =	simm.s32 $0x100;
	v7 =	vadd.f32 v8, v7  }
.LBB2_54:
0x2af: {  	s0 =	sand.u32 $0x70, s30  }
0x2b0: {  	s1 =	sand.u32 $0x1C00, s31;
	[tilespmem:s28+$0x16180] =	vst v7;
	s28 =	smov.u32 s29;
	p0 =	sne.s32 s30, $0x3F0  }
.Ltmp26:
0x2b1: {  	s30 =	sadd.s32 $0x10, s30;
	s29 =	sor.u32 s0, s1;
	(pc) =	sbr.rel @p0 .LBB2_54-.Ltmp26, $4  }
0x2b2: {  	v7 =	vmul.f32 v5, v3;
	v5 =	vld [tilespmem:s29+$0xC280];
	v8 =	vmul.f32 v6, v4  }
0x2b3: {  	v6 =	vld [tilespmem:s29+$0xC300]  }
0x2b4: {  	v7 =	vadd.f32 v8, v7  }
0x2b5: {  	s31 =	sadd.s32 $0x80, s31  }
0x2b6: {  	_ =	sdelay $0x1  }
0x2b7: {  	v3 =	vmul.f32 v5, v3;
	v4 =	vmul.f32 v6, v4;
	_ =	sdelay $0x1  }
0x2b8: {  	v3 =	vadd.f32 v4, v3  }
0x2b9: {  	[tilespmem:s28+$0x16180] =	vst v7  }
0x2ba: {  	s0 =	simm.s32 $0x0;
	[tilespmem:s29+$0x16180] =	vst v3  }
0x2bb: {  	s1 =	sand.u32 $0x70, s0;
	s0 =	sand.u32 $0x1C00, s0;
	v3 =	vld [tilespmem:$0x19B80]  }
0x2bc: {  	s28 =	sor.u32 s1, s0;
	v4 =	vld [tilespmem:$0x19C00]  }
0x2bd: {  	v5 =	vld [tilespmem:s28+$0xC380]  }
0x2be: {  	v6 =	vld [tilespmem:s28+$0xC400];
	_ =	sdelay $0x1  }
0x2bf: {  	s0 =	simm.s32 $0x10;
	s1 =	simm.s32 $0x80  }
0x2c0: {  	s0 =	sand.u32 $0x70, s0;
	s1 =	sand.u32 $0x1C00, s1  }
0x2c1: {  	s29 =	sor.u32 s0, s1  }
0x2c2: {  	v7 =	vmul.f32 v5, v3;
	v8 =	vmul.f32 v6, v4;
	v5 =	vld [tilespmem:s29+$0xC380]  }
0x2c3: {  	v6 =	vld [tilespmem:s29+$0xC400]  }
0x2c4: {  	s30 =	simm.s32 $0x20;
	s31 =	simm.s32 $0x100;
	v7 =	vadd.f32 v8, v7  }
.LBB2_56:
0x2c5: {  	s0 =	sand.u32 $0x70, s30  }
0x2c6: {  	s1 =	sand.u32 $0x1C00, s31;
	[tilespmem:s28+$0x16200] =	vst v7;
	s28 =	smov.u32 s29;
	p0 =	sne.s32 s30, $0x3F0  }
.Ltmp27:
0x2c7: {  	s30 =	sadd.s32 $0x10, s30;
	s29 =	sor.u32 s0, s1;
	(pc) =	sbr.rel @p0 .LBB2_56-.Ltmp27, $4  }
0x2c8: {  	v7 =	vmul.f32 v5, v3;
	v5 =	vld [tilespmem:s29+$0xC380];
	v8 =	vmul.f32 v6, v4  }
0x2c9: {  	v6 =	vld [tilespmem:s29+$0xC400]  }
0x2ca: {  	v7 =	vadd.f32 v8, v7  }
0x2cb: {  	s31 =	sadd.s32 $0x80, s31  }
0x2cc: {  	_ =	sdelay $0x1  }
0x2cd: {  	v3 =	vmul.f32 v5, v3;
	v4 =	vmul.f32 v6, v4;
	_ =	sdelay $0x1  }
0x2ce: {  	v3 =	vadd.f32 v4, v3  }
0x2cf: {  	[tilespmem:s28+$0x16200] =	vst v7  }
0x2d0: {  	s0 =	simm.s32 $0x0;
	[tilespmem:s29+$0x16200] =	vst v3  }
0x2d1: {  	s1 =	sand.u32 $0x70, s0;
	s0 =	sand.u32 $0x1C00, s0;
	v3 =	vld [tilespmem:$0x19C80]  }
0x2d2: {  	s28 =	sor.u32 s1, s0;
	v4 =	vld [tilespmem:$0x19D00]  }
0x2d3: {  	v5 =	vld [tilespmem:s28+$0xE080]  }
0x2d4: {  	v6 =	vld [tilespmem:s28+$0xE100];
	_ =	sdelay $0x1  }
0x2d5: {  	s0 =	simm.s32 $0x10;
	s1 =	simm.s32 $0x80  }
0x2d6: {  	s0 =	sand.u32 $0x70, s0;
	s1 =	sand.u32 $0x1C00, s1  }
0x2d7: {  	s29 =	sor.u32 s0, s1  }
0x2d8: {  	v7 =	vmul.f32 v5, v3;
	v8 =	vmul.f32 v6, v4;
	v5 =	vld [tilespmem:s29+$0xE080]  }
0x2d9: {  	v6 =	vld [tilespmem:s29+$0xE100]  }
0x2da: {  	s30 =	simm.s32 $0x20;
	s31 =	simm.s32 $0x100;
	v7 =	vadd.f32 v8, v7  }
.LBB2_58:
0x2db: {  	s0 =	sand.u32 $0x70, s30  }
0x2dc: {  	s1 =	sand.u32 $0x1C00, s31;
	[tilespmem:s28+$0x16280] =	vst v7;
	s28 =	smov.u32 s29;
	p0 =	sne.s32 s30, $0x3F0  }
.Ltmp28:
0x2dd: {  	s30 =	sadd.s32 $0x10, s30;
	s29 =	sor.u32 s0, s1;
	(pc) =	sbr.rel @p0 .LBB2_58-.Ltmp28, $4  }
0x2de: {  	v7 =	vmul.f32 v5, v3;
	v5 =	vld [tilespmem:s29+$0xE080];
	v8 =	vmul.f32 v6, v4  }
0x2df: {  	v6 =	vld [tilespmem:s29+$0xE100]  }
0x2e0: {  	v7 =	vadd.f32 v8, v7  }
0x2e1: {  	s31 =	sadd.s32 $0x80, s31  }
0x2e2: {  	_ =	sdelay $0x1  }
0x2e3: {  	v3 =	vmul.f32 v5, v3;
	v4 =	vmul.f32 v6, v4;
	_ =	sdelay $0x1  }
0x2e4: {  	v3 =	vadd.f32 v4, v3  }
0x2e5: {  	[tilespmem:s28+$0x16280] =	vst v7  }
0x2e6: {  	s0 =	simm.s32 $0x0;
	[tilespmem:s29+$0x16280] =	vst v3  }
0x2e7: {  	s1 =	sand.u32 $0x70, s0;
	s0 =	sand.u32 $0x1C00, s0;
	v3 =	vld [tilespmem:$0x19D80]  }
0x2e8: {  	s28 =	sor.u32 s1, s0;
	v4 =	vld [tilespmem:$0x19E00]  }
0x2e9: {  	v5 =	vld [tilespmem:s28+$0xE180]  }
0x2ea: {  	v6 =	vld [tilespmem:s28+$0xE200];
	_ =	sdelay $0x1  }
0x2eb: {  	s0 =	simm.s32 $0x10;
	s1 =	simm.s32 $0x80  }
0x2ec: {  	s0 =	sand.u32 $0x70, s0;
	s1 =	sand.u32 $0x1C00, s1  }
0x2ed: {  	s29 =	sor.u32 s0, s1  }
0x2ee: {  	v7 =	vmul.f32 v5, v3;
	v8 =	vmul.f32 v6, v4;
	v5 =	vld [tilespmem:s29+$0xE180]  }
0x2ef: {  	v6 =	vld [tilespmem:s29+$0xE200]  }
0x2f0: {  	s30 =	simm.s32 $0x20;
	s31 =	simm.s32 $0x100;
	v7 =	vadd.f32 v8, v7  }
.LBB2_60:
0x2f1: {  	s0 =	sand.u32 $0x70, s30  }
0x2f2: {  	s1 =	sand.u32 $0x1C00, s31;
	[tilespmem:s28+$0x16300] =	vst v7;
	s28 =	smov.u32 s29;
	p0 =	sne.s32 s30, $0x3F0  }
.Ltmp29:
0x2f3: {  	s30 =	sadd.s32 $0x10, s30;
	s29 =	sor.u32 s0, s1;
	(pc) =	sbr.rel @p0 .LBB2_60-.Ltmp29, $4  }
0x2f4: {  	v7 =	vmul.f32 v5, v3;
	v5 =	vld [tilespmem:s29+$0xE180];
	v8 =	vmul.f32 v6, v4  }
0x2f5: {  	v6 =	vld [tilespmem:s29+$0xE200]  }
0x2f6: {  	v7 =	vadd.f32 v8, v7  }
0x2f7: {  	s31 =	sadd.s32 $0x80, s31  }
0x2f8: {  	_ =	sdelay $0x1  }
0x2f9: {  	v3 =	vmul.f32 v5, v3;
	v4 =	vmul.f32 v6, v4;
	_ =	sdelay $0x1  }
0x2fa: {  	v3 =	vadd.f32 v4, v3  }
0x2fb: {  	[tilespmem:s28+$0x16300] =	vst v7  }
0x2fc: {  	s0 =	simm.s32 $0x0;
	[tilespmem:s29+$0x16300] =	vst v3  }
0x2fd: {  	s1 =	sand.u32 $0x70, s0;
	s0 =	sand.u32 $0x1C00, s0;
	v3 =	vld [tilespmem:$0x19E80]  }
0x2fe: {  	s28 =	sor.u32 s1, s0;
	v4 =	vld [tilespmem:$0x19F00]  }
0x2ff: {  	v5 =	vld [tilespmem:s28+$0xE280]  }
0x300: {  	v6 =	vld [tilespmem:s28+$0xE300];
	_ =	sdelay $0x1  }
0x301: {  	s0 =	simm.s32 $0x10;
	s1 =	simm.s32 $0x80  }
0x302: {  	s0 =	sand.u32 $0x70, s0;
	s1 =	sand.u32 $0x1C00, s1  }
0x303: {  	s29 =	sor.u32 s0, s1  }
0x304: {  	v7 =	vmul.f32 v5, v3;
	v8 =	vmul.f32 v6, v4;
	v5 =	vld [tilespmem:s29+$0xE280]  }
0x305: {  	v6 =	vld [tilespmem:s29+$0xE300]  }
0x306: {  	s30 =	simm.s32 $0x20;
	s31 =	simm.s32 $0x100;
	v7 =	vadd.f32 v8, v7  }
.LBB2_62:
0x307: {  	s0 =	sand.u32 $0x70, s30  }
0x308: {  	s1 =	sand.u32 $0x1C00, s31;
	[tilespmem:s28+$0x16380] =	vst v7;
	s28 =	smov.u32 s29;
	p0 =	sne.s32 s30, $0x3F0  }
.Ltmp30:
0x309: {  	s30 =	sadd.s32 $0x10, s30;
	s29 =	sor.u32 s0, s1;
	(pc) =	sbr.rel @p0 .LBB2_62-.Ltmp30, $4  }
0x30a: {  	v7 =	vmul.f32 v5, v3;
	v5 =	vld [tilespmem:s29+$0xE280];
	v8 =	vmul.f32 v6, v4  }
0x30b: {  	v6 =	vld [tilespmem:s29+$0xE300]  }
0x30c: {  	v7 =	vadd.f32 v8, v7  }
0x30d: {  	s31 =	sadd.s32 $0x80, s31  }
0x30e: {  	_ =	sdelay $0x1  }
0x30f: {  	v3 =	vmul.f32 v5, v3;
	v4 =	vmul.f32 v6, v4;
	_ =	sdelay $0x1  }
0x310: {  	v3 =	vadd.f32 v4, v3  }
0x311: {  	[tilespmem:s28+$0x16380] =	vst v7  }
0x312: {  	s0 =	simm.s32 $0x0;
	[tilespmem:s29+$0x16380] =	vst v3  }
0x313: {  	s1 =	sand.u32 $0x70, s0;
	s0 =	sand.u32 $0x1C00, s0;
	v3 =	vld [tilespmem:$0x19F80]  }
0x314: {  	s28 =	sor.u32 s1, s0;
	v4 =	vld [tilespmem:$0x1A000]  }
0x315: {  	v5 =	vld [tilespmem:s28+$0xE380]  }
0x316: {  	v6 =	vld [tilespmem:s28+$0xE400];
	_ =	sdelay $0x1  }
0x317: {  	s0 =	simm.s32 $0x10;
	s1 =	simm.s32 $0x80  }
0x318: {  	s0 =	sand.u32 $0x70, s0;
	s1 =	sand.u32 $0x1C00, s1  }
0x319: {  	s29 =	sor.u32 s0, s1  }
0x31a: {  	v7 =	vmul.f32 v5, v3;
	v8 =	vmul.f32 v6, v4;
	v5 =	vld [tilespmem:s29+$0xE380]  }
0x31b: {  	v6 =	vld [tilespmem:s29+$0xE400]  }
0x31c: {  	s30 =	simm.s32 $0x20;
	s31 =	simm.s32 $0x100;
	v7 =	vadd.f32 v8, v7  }
.LBB2_64:
0x31d: {  	s0 =	sand.u32 $0x70, s30  }
0x31e: {  	s1 =	sand.u32 $0x1C00, s31;
	[tilespmem:s28+$0x16400] =	vst v7;
	s28 =	smov.u32 s29;
	p0 =	sne.s32 s30, $0x3F0  }
.Ltmp31:
0x31f: {  	s30 =	sadd.s32 $0x10, s30;
	s29 =	sor.u32 s0, s1;
	(pc) =	sbr.rel @p0 .LBB2_64-.Ltmp31, $4  }
0x320: {  	v7 =	vmul.f32 v5, v3;
	v5 =	vld [tilespmem:s29+$0xE380];
	v8 =	vmul.f32 v6, v4  }
0x321: {  	v6 =	vld [tilespmem:s29+$0xE400]  }
0x322: {  	v7 =	vadd.f32 v8, v7  }
0x323: {  	s31 =	sadd.s32 $0x80, s31  }
0x324: {  	_ =	sdelay $0x1  }
0x325: {  	v3 =	vmul.f32 v5, v3;
	v4 =	vmul.f32 v6, v4;
	_ =	sdelay $0x1  }
0x326: {  	s26 =	sadd.s32 $0x1, s26;
	v3 =	vadd.f32 v4, v3  }
0x327: {  	[tilespmem:s28+$0x16400] =	vst v7;
	p0 =	sne.s32 s26, s10  }
.Ltmp32:
0x328: {  	[tilespmem:s29+$0x16400] =	vst v3;
	(pc) =	sbr.rel @p0 .LBB2_1-.Ltmp32, $4  }
0x329: {  	[hbm4b:s9+s2] =	stream.linear.scatter [tilespmem:s25], [sflag:$0x2], $0x8000, $0x38;
	[tilespmem:$0x1A080] =	vst v63  }
0x32a: {  	_ =	swait.ge [sflag:s11], $0x8000  }
0x32b: {  	[sflag:s11] =	ssyncset.done $0x0  }
0x32c: {  	[sflag:s11] =	ssyncadd.s32 $0xFFFF8000  }
0x32d: {  	_ =	sfence.sel $0x180000  }
0x32e: {  	[bflag:$0x0] =	sbarrier.arrive $0xFFFF  }
0x32f: {  	_ =	strace $0x9000004A  }
0x330: {  	s0 =	stileid.u32;
	[bflag:$0x2] =	sbarrier.arrive $0xFFFF  }
0x331: {  	p0 =	sne.s32 s0, $0x0;
	s0 =	rddreg [dreg:$0x2]  }
0x332: {  	s0 =	sadd.s32 @!p0 $0x100000, s0  }
0x333: {  	[sflag:s0] =	ssyncadd.tile.s32 @!p0 $0x1;
	_ =	shalt  }
.Lfunc_end2:
_tile_overlayer_lowered:
.L_overlay_start_2:
0x334: {  	(tag) =	ssettag $0x2  }
0x335: {  	s0 =	rddreg [dreg:$0x0];
	s2 =	stileid.u32  }
0x336: {  	s1 =	rddreg [dreg:$0x1];
	p0 =	sne.s32 s2, $0x0  }
0x337: {  	s3 =	rddreg [dreg:$0x2];
	[bflag:$0x3] =	sbarrier.arrive $0xFFFF;
	s2 =	simm.s32 @!p0 $0x1C02  }
0x338: {  	[timem:s3], [sflag:s2] =	dma.local @!p0 [hbm:s0], s1  }
0x339: {  	s0 =	simm.s32 @!p0 $0x2  }
0x33a: {  	_ =	swait.ge @!p0 [sflag:s0], s1  }
0x33b: {  	s1 =	ssub.s32 @!p0 $0x0, s1;
	[sflag:s0] =	ssyncset.done @!p0 $0x0  }
0x33c: {  	[sflag:s0] =	ssyncadd.s32 @!p0 s1  }
0x33d: {  	[bflag:$0x3] =	sbarrier.arrive $0xFFFF  }
0x33e: {  	_ =	shalt  }

</sc_bundles>
